<compile_context>
chip_gen: v7x
topology: tpu7x:2x2x1
jax: 0.10.2.dev20260603
libtpu: 0.0.44.dev20260713+nightly
codegen_flags: <defaults>
</compile_context>

<pallas_src>
import functools

import jax
import jax.numpy as jnp
from jax import lax
from jax.experimental import pallas as pl
from jax.experimental.pallas import tpu as pltpu
from jax.experimental.pallas import tpu_sc as plsc

N = 10000
E = 160000
D = 256
DH = 128
NC = 2
NS = 16
CH = 100

NPT = N // NS
NROW = 125
NCH2 = E // NS // CH
RB2 = 10
GD2 = 8
assert (NCH2 - RB2) % RB2 == 0 and NCH2 % RB2 == 0
NCH0 = E // (NC * NS) // CH


def _deg_body(dst_hbm, zeros_hbm, ones_hbm, out_hbm, acc_sh, didx_v, ones_v,
              zb_v, sem):
  c = lax.axis_index("c")
  s = lax.axis_index("s")

  pltpu.sync_copy(zeros_hbm, zb_v)
  for j in range(NPT // NROW):
    pltpu.sync_copy(zb_v, acc_sh.at[pl.ds(s * NPT + j * NROW, NROW)])
  pltpu.sync_copy(ones_hbm, ones_v)
  tile = c * NS + s
  pltpu.sync_copy(dst_hbm.at[pl.ds(tile * NCH0, NCH0)], didx_v)
  plsc.subcore_barrier()

  def body(k, carry):
    for b in range(2):
      pltpu.async_copy(ones_v, acc_sh.at[didx_v.at[2 * k + b]], sem,
                       add=True)
    for b in range(2):
      pltpu.make_async_copy(ones_v, acc_sh.at[didx_v.at[2 * k + b]],
                            sem).wait()
    return carry

  lax.fori_loop(0, NCH0 // 2, body, 0)
  plsc.subcore_barrier()

  for j in range(NPT // NROW):
    pltpu.sync_copy(acc_sh.at[pl.ds(s * NPT + j * NROW, NROW)], zb_v)
    pltpu.sync_copy(zb_v, out_hbm.at[pl.ds(c * N + s * NPT + j * NROW, NROW)])


@functools.cache
def _deg_call():
  mesh = plsc.VectorSubcoreMesh(
      core_axis_name="c", subcore_axis_name="s",
      num_cores=NC, num_subcores=NS)
  return pl.kernel(
      _deg_body,
      out_type=jax.ShapeDtypeStruct((NC * N, 16), jnp.float32),
      mesh=mesh,
      compiler_params=pltpu.CompilerParams(use_tc_tiling_on_sc=False),
      scratch_types=[
          pltpu.VMEM_SHARED((N, 16), jnp.float32),
          pltpu.VMEM((NCH0, CH), jnp.int32),
          pltpu.VMEM((CH, 16), jnp.float32),
          pltpu.VMEM((NROW, 16), jnp.float32),
          pltpu.SemaphoreType.DMA,
      ],
  )


def _agg_body(src_hbm, dst_hbm, g_hbm, out_hbm, acc_sh, sidx_v, didx_v,
              *rest):
  c = lax.axis_index("c")
  s = lax.axis_index("s")
  bufs = rest[:RB2]
  sg = rest[RB2:2 * RB2]
  ss = rest[2 * RB2:3 * RB2]

  def gather(i, b):
    pltpu.async_copy(g_hbm.at[sidx_v.at[i]], bufs[b], sg[b])

  def gather_wait(i, b):
    pltpu.make_async_copy(g_hbm.at[sidx_v.at[i]], bufs[b], sg[b]).wait()

  def scatter(i, b):
    pltpu.async_copy(bufs[b], acc_sh.at[didx_v.at[i]], ss[b], add=True)

  def scatter_wait(i, b):
    pltpu.make_async_copy(bufs[b], acc_sh.at[didx_v.at[i]], ss[b]).wait()

  for j in range(NPT // CH):
    pltpu.sync_copy(g_hbm.at[pl.ds(c * N + s * NPT + j * CH, CH)], bufs[0])
    pltpu.sync_copy(bufs[0], acc_sh.at[pl.ds(s * NPT + j * CH, CH)])
  tail = NPT - NPT % CH
  pltpu.sync_copy(g_hbm.at[pl.ds(c * N + s * NPT + tail, NPT % CH)],
                  bufs[0].at[pl.ds(0, NPT % CH)])
  pltpu.sync_copy(bufs[0].at[pl.ds(0, NPT % CH)],
                  acc_sh.at[pl.ds(s * NPT + tail, NPT % CH)])

  pltpu.sync_copy(src_hbm.at[pl.ds((c * NS + s) * NCH2, NCH2)], sidx_v)
  pltpu.sync_copy(dst_hbm.at[pl.ds(s * NCH2, NCH2)], didx_v)

  for i in range(GD2):
    gather(i, i)
  plsc.subcore_barrier()

  LAG = RB2 - GD2
  for i in range(LAG):
    gather_wait(i, i)
    scatter(i, i)
    gather(i + GD2, (i + GD2) % RB2)

  def body(k, carry):
    for t in range(RB2):
      i = RB2 * k + t + LAG
      b = (t + LAG) % RB2
      gather_wait(i, b)
      scatter(i, b)
      scatter_wait(i - LAG, t)
      gather(i + GD2, (t + LAG + GD2) % RB2)
    return carry

  lax.fori_loop(0, (NCH2 - RB2) // RB2, body, 0)
  for i in range(NCH2 - GD2, NCH2):
    gather_wait(i, i % RB2)
    scatter(i, i % RB2)
    scatter_wait(i - LAG, (i - LAG) % RB2)
  for i in range(NCH2 - LAG, NCH2):
    scatter_wait(i, i % RB2)
  plsc.subcore_barrier()

  for j in range(NPT // CH):
    pltpu.sync_copy(acc_sh.at[pl.ds(s * NPT + j * CH, CH)], bufs[0])
    pltpu.sync_copy(bufs[0], out_hbm.at[pl.ds(c * N + s * NPT + j * CH, CH)])
  tail = NPT - NPT % CH
  pltpu.sync_copy(acc_sh.at[pl.ds(s * NPT + tail, NPT % CH)],
                  bufs[0].at[pl.ds(0, NPT % CH)])
  pltpu.sync_copy(bufs[0].at[pl.ds(0, NPT % CH)],
                  out_hbm.at[pl.ds(c * N + s * NPT + tail, NPT % CH)])


@functools.cache
def _agg_call():
  mesh = plsc.VectorSubcoreMesh(
      core_axis_name="c", subcore_axis_name="s",
      num_cores=NC, num_subcores=NS)
  return pl.kernel(
      _agg_body,
      out_type=jax.ShapeDtypeStruct((NC * N, DH), jnp.bfloat16),
      mesh=mesh,
      compiler_params=pltpu.CompilerParams(use_tc_tiling_on_sc=False),
      scratch_types=(
          [pltpu.VMEM_SHARED((N, DH), jnp.bfloat16)]
          + [pltpu.VMEM((NCH2, CH), jnp.int32)] * 2
          + [pltpu.VMEM((CH, DH), jnp.bfloat16)] * RB2
          + [pltpu.SemaphoreType.DMA] * (2 * RB2)
      ),
  )


_RB = 1000


def _mm_body(x_ref, wg_ref, wl_ref, b_ref, degp_ref, g_ref, linb_ref):
  xb = x_ref[...]
  deg = degp_ref[0, :, 0:1] + degp_ref[1, :, 0:1] + 1.0
  dinv = lax.rsqrt(deg)
  h = jnp.dot(xb, wg_ref[...], preferred_element_type=jnp.float32)
  g = (h * dinv).astype(jnp.bfloat16)
  g_ref[0] = g[:, :DH]
  g_ref[1] = g[:, DH:]
  linb_ref[...] = (
      jnp.dot(xb, wl_ref[...], preferred_element_type=jnp.float32)
      + b_ref[...])


def _epi_body(s_ref, linb_ref, degp_ref, out_ref):
  deg = degp_ref[0, :, 0:1] + degp_ref[1, :, 0:1] + 1.0
  dinv = lax.rsqrt(deg)
  s = jnp.concatenate([s_ref[0], s_ref[1]], axis=1).astype(jnp.float32)
  out_ref[...] = jnp.maximum(s * dinv + linb_ref[...], 0.0)


def kernel(x, edge_index, W_gcn, b_gcn, W_lin, b_lin):
  src = edge_index[0]
  dst = edge_index[1]
  src2 = jnp.concatenate([src, src + N]).reshape(NC * E // CH, CH)
  dst2 = dst.reshape(E // CH, CH)

  degp = _deg_call()(
      dst2,
      jnp.zeros((NROW, 16), jnp.float32),
      jnp.ones((CH, 16), jnp.float32),
  )

  grid = N // _RB
  g, linb = pl.pallas_call(
      _mm_body,
      grid=(grid,),
      in_specs=[
          pl.BlockSpec((_RB, D), lambda i: (i, 0)),
          pl.BlockSpec((D, D), lambda i: (0, 0)),
          pl.BlockSpec((D, D), lambda i: (0, 0)),
          pl.BlockSpec((1, D), lambda i: (0, 0)),
          pl.BlockSpec((NC, _RB, 16), lambda i: (0, i, 0)),
      ],
      out_specs=[
          pl.BlockSpec((NC, _RB, DH), lambda i: (0, i, 0)),
          pl.BlockSpec((_RB, D), lambda i: (i, 0)),
      ],
      out_shape=[
          jax.ShapeDtypeStruct((NC, N, DH), jnp.bfloat16),
          jax.ShapeDtypeStruct((N, D), jnp.float32),
      ],
  )(x, W_gcn, W_lin, (b_gcn + b_lin).reshape(1, D),
    degp.reshape(NC, N, 16))

  s = _agg_call()(src2, dst2, g.reshape(NC * N, DH))

  out = pl.pallas_call(
      _epi_body,
      grid=(grid,),
      in_specs=[
          pl.BlockSpec((NC, _RB, DH), lambda i: (0, i, 0)),
          pl.BlockSpec((_RB, D), lambda i: (i, 0)),
          pl.BlockSpec((NC, _RB, 16), lambda i: (0, i, 0)),
      ],
      out_specs=pl.BlockSpec((_RB, D), lambda i: (i, 0)),
      out_shape=jax.ShapeDtypeStruct((N, D), jnp.float32),
  )(s.reshape(NC, N, DH), linb, degp.reshape(NC, N, 16))
  return out

# --- scband reference (transcript-rebuilt; emitter-appended) ---
"""Pipeline reference for scband-na-op-901943132752 (READ-ONLY COPY).

The authoritative reference and input builder live on the scoring server;
editing this copy changes nothing except your own understanding.
"""

import jax, jax.numpy as jnp
import numpy as np

N = 10000
E = 160000
D_IN = 256
D_OUT = 256


def setup_inputs(seed: int = 0) -> dict:
    key = jax.random.key(seed)
    k1, k2, k3, k4, k5, k6 = jax.random.split(key, 6)
    x = jax.random.normal(k1, (N, D_IN), dtype=jnp.float32)
    edge_index = jax.random.randint(k2, (2, E), 0, N, dtype=jnp.int32)
    s_in = 1.0 / np.sqrt(D_IN)
    W_gcn = jax.random.uniform(k3, (D_IN, D_OUT), dtype=jnp.float32, minval=-s_in, maxval=s_in)
    b_gcn = jax.random.uniform(k4, (D_OUT,), dtype=jnp.float32, minval=-s_in, maxval=s_in)
    W_lin = jax.random.uniform(k5, (D_IN, D_OUT), dtype=jnp.float32, minval=-s_in, maxval=s_in)
    b_lin = jax.random.uniform(k6, (D_OUT,), dtype=jnp.float32, minval=-s_in, maxval=s_in)
    return {"x": x, "edge_index": edge_index, "W_gcn": W_gcn, "b_gcn": b_gcn, "W_lin": W_lin, "b_lin": b_lin}


def reference(x, edge_index, W_gcn, b_gcn, W_lin, b_lin):
    # NaOp with primitive='gcn', with_linear=True, act='relu':
    #   out = relu(GCNConv(x, edge_index) + Linear(x))
    n = x.shape[0]
    src = edge_index[0]
    dst = edge_index[1]
    # GCNConv adds self-loops
    loop = jnp.arange(n, dtype=src.dtype)
    src = jnp.concatenate([src, loop], axis=0)
    dst = jnp.concatenate([dst, loop], axis=0)
    # symmetric degree normalization deg^{-1/2} (dst-based in-degree, as PyG gcn_norm)
    deg = jnp.zeros((n,), dtype=x.dtype).at[dst].add(1.0)
    dinv = deg ** -0.5
    norm = dinv[src] * dinv[dst]
    # transform then propagate
    h = x @ W_gcn
    msg = h[src] * norm[:, None]
    agg = jax.ops.segment_sum(msg, dst, num_segments=n) + b_gcn
    # parallel linear branch
    lin = x @ W_lin + b_lin
    return jax.nn.relu(agg + lin)

if __name__ == "__main__":
    import jax
    _d = setup_inputs()
    print(jax.jit(kernel)(*tuple(_d.values())))

</pallas_src>

<mosaic_0001>
#map = affine_map<(d0, d1) -> (0, 0)>
module attributes {stable_mosaic.version = 14 : i64} {
  func.func @_deg_body(%arg0: i32, %arg1: i32, %arg2: memref<1600x100xi32, #tpu.memory_space<hbm>>, %arg3: memref<125x16xf32, #tpu.memory_space<hbm>>, %arg4: memref<100x16xf32, #tpu.memory_space<hbm>>, %arg5: memref<20000x16xf32, #tpu.memory_space<hbm>>, %arg6: memref<10000x16xf32, #tpu.memory_space<vmem_shared>>, %arg7: memref<50x100xi32, #tpu.memory_space<vmem>>, %arg8: memref<100x16xf32, #tpu.memory_space<vmem>>, %arg9: memref<125x16xf32, #tpu.memory_space<vmem>>, %arg10: memref<!tpu.dma_semaphore, #tpu.memory_space<semaphore_mem>>) attributes {dimension_semantics = [#tpu.dimension_semantics<core_parallel>, #tpu.dimension_semantics<subcore_parallel>], iteration_bounds = array<i64: 2, 16>, scalar_prefetch = 0 : i64, scratch_operands = 5 : i64, tpu.core_type = #tpu.core_type<sc_vector_subcore>, window_params = [{transform_indices = #map}, {transform_indices = #map}, {transform_indices = #map}, {transform_indices = #map}]} {
    "tpu.region"() ({
      %run_scoped3A = tpu.sem_alloc : memref<!tpu.dma_semaphore, #tpu.memory_space<semaphore_mem>>
      tpu.enqueue_dma source(%arg3 : memref<125x16xf32, #tpu.memory_space<hbm>>) target(%arg9 : memref<125x16xf32, #tpu.memory_space<vmem>>) target_semaphore(%run_scoped3A : memref<!tpu.dma_semaphore, #tpu.memory_space<semaphore_mem>>)
      tpu.wait_dma2 semaphore(%run_scoped3A : memref<!tpu.dma_semaphore, #tpu.memory_space<semaphore_mem>>) src(%arg3 : memref<125x16xf32, #tpu.memory_space<hbm>>) dst(%arg9 : memref<125x16xf32, #tpu.memory_space<vmem>>)
      tpu.yield
    }) : () -> ()
    %mul3A = arith.constant 625 : i32
    %mul3A_0 = arith.muli %arg1, %mul3A : i32
    %add3A = arith.constant 0 : i32
    %add3A_1 = arith.addi %mul3A_0, %add3A : i32
    "tpu.region"() ({
      %run_scoped3A = tpu.sem_alloc : memref<!tpu.dma_semaphore, #tpu.memory_space<semaphore_mem>>
      %dma_start3A = arith.constant 0 : i32
      %dma_start3A_84 = tpu.memref_slice %arg6[%add3A_1, %dma_start3A] : memref<10000x16xf32, #tpu.memory_space<vmem_shared>> -> memref<125x16xf32, #tpu.memory_space<vmem_shared>>
      %dma_start3A_85 = arith.constant 0 : i32
      %dma_start3A_86 = tpu.memref_slice %arg6[%add3A_1, %dma_start3A_85] : memref<10000x16xf32, #tpu.memory_space<vmem_shared>> -> memref<125x16xf32, #tpu.memory_space<vmem_shared>>
      tpu.enqueue_dma source(%arg9 : memref<125x16xf32, #tpu.memory_space<vmem>>) target(%dma_start3A_86 : memref<125x16xf32, #tpu.memory_space<vmem_shared>>) target_semaphore(%run_scoped3A : memref<!tpu.dma_semaphore, #tpu.memory_space<semaphore_mem>>)
      %dma_wait3A = arith.constant 0 : i32
      %dma_wait3A_87 = tpu.memref_slice %arg6[%add3A_1, %dma_wait3A] : memref<10000x16xf32, #tpu.memory_space<vmem_shared>> -> memref<125x16xf32, #tpu.memory_space<vmem_shared>>
      %dma_wait3A_88 = arith.constant 0 : i32
      %dma_wait3A_89 = tpu.memref_slice %arg6[%add3A_1, %dma_wait3A_88] : memref<10000x16xf32, #tpu.memory_space<vmem_shared>> -> memref<125x16xf32, #tpu.memory_space<vmem_shared>>
      tpu.wait_dma2 semaphore(%run_scoped3A : memref<!tpu.dma_semaphore, #tpu.memory_space<semaphore_mem>>) src(%arg9 : memref<125x16xf32, #tpu.memory_space<vmem>>) dst(%dma_wait3A_89 : memref<125x16xf32, #tpu.memory_space<vmem_shared>>)
      tpu.yield
    }) : () -> ()
    %mul3A_2 = arith.constant 625 : i32
    %mul3A_3 = arith.muli %arg1, %mul3A_2 : i32
    %add3A_4 = arith.constant 125 : i32
    %add3A_5 = arith.addi %mul3A_3, %add3A_4 : i32
    "tpu.region"() ({
      %run_scoped3A = tpu.sem_alloc : memref<!tpu.dma_semaphore, #tpu.memory_space<semaphore_mem>>
      %dma_start3A = arith.constant 0 : i32
      %dma_start3A_84 = tpu.memref_slice %arg6[%add3A_5, %dma_start3A] : memref<10000x16xf32, #tpu.memory_space<vmem_shared>> -> memref<125x16xf32, #tpu.memory_space<vmem_shared>>
      %dma_start3A_85 = arith.constant 0 : i32
      %dma_start3A_86 = tpu.memref_slice %arg6[%add3A_5, %dma_start3A_85] : memref<10000x16xf32, #tpu.memory_space<vmem_shared>> -> memref<125x16xf32, #tpu.memory_space<vmem_shared>>
      tpu.enqueue_dma source(%arg9 : memref<125x16xf32, #tpu.memory_space<vmem>>) target(%dma_start3A_86 : memref<125x16xf32, #tpu.memory_space<vmem_shared>>) target_semaphore(%run_scoped3A : memref<!tpu.dma_semaphore, #tpu.memory_space<semaphore_mem>>)
      %dma_wait3A = arith.constant 0 : i32
      %dma_wait3A_87 = tpu.memref_slice %arg6[%add3A_5, %dma_wait3A] : memref<10000x16xf32, #tpu.memory_space<vmem_shared>> -> memref<125x16xf32, #tpu.memory_space<vmem_shared>>
      %dma_wait3A_88 = arith.constant 0 : i32
      %dma_wait3A_89 = tpu.memref_slice %arg6[%add3A_5, %dma_wait3A_88] : memref<10000x16xf32, #tpu.memory_space<vmem_shared>> -> memref<125x16xf32, #tpu.memory_space<vmem_shared>>
      tpu.wait_dma2 semaphore(%run_scoped3A : memref<!tpu.dma_semaphore, #tpu.memory_space<semaphore_mem>>) src(%arg9 : memref<125x16xf32, #tpu.memory_space<vmem>>) dst(%dma_wait3A_89 : memref<125x16xf32, #tpu.memory_space<vmem_shared>>)
      tpu.yield
    }) : () -> ()
    %mul3A_6 = arith.constant 625 : i32
    %mul3A_7 = arith.muli %arg1, %mul3A_6 : i32
    %add3A_8 = arith.constant 250 : i32
    %add3A_9 = arith.addi %mul3A_7, %add3A_8 : i32
    "tpu.region"() ({
      %run_scoped3A = tpu.sem_alloc : memref<!tpu.dma_semaphore, #tpu.memory_space<semaphore_mem>>
      %dma_start3A = arith.constant 0 : i32
      %dma_start3A_84 = tpu.memref_slice %arg6[%add3A_9, %dma_start3A] : memref<10000x16xf32, #tpu.memory_space<vmem_shared>> -> memref<125x16xf32, #tpu.memory_space<vmem_shared>>
      %dma_start3A_85 = arith.constant 0 : i32
      %dma_start3A_86 = tpu.memref_slice %arg6[%add3A_9, %dma_start3A_85] : memref<10000x16xf32, #tpu.memory_space<vmem_shared>> -> memref<125x16xf32, #tpu.memory_space<vmem_shared>>
      tpu.enqueue_dma source(%arg9 : memref<125x16xf32, #tpu.memory_space<vmem>>) target(%dma_start3A_86 : memref<125x16xf32, #tpu.memory_space<vmem_shared>>) target_semaphore(%run_scoped3A : memref<!tpu.dma_semaphore, #tpu.memory_space<semaphore_mem>>)
      %dma_wait3A = arith.constant 0 : i32
      %dma_wait3A_87 = tpu.memref_slice %arg6[%add3A_9, %dma_wait3A] : memref<10000x16xf32, #tpu.memory_space<vmem_shared>> -> memref<125x16xf32, #tpu.memory_space<vmem_shared>>
      %dma_wait3A_88 = arith.constant 0 : i32
      %dma_wait3A_89 = tpu.memref_slice %arg6[%add3A_9, %dma_wait3A_88] : memref<10000x16xf32, #tpu.memory_space<vmem_shared>> -> memref<125x16xf32, #tpu.memory_space<vmem_shared>>
      tpu.wait_dma2 semaphore(%run_scoped3A : memref<!tpu.dma_semaphore, #tpu.memory_space<semaphore_mem>>) src(%arg9 : memref<125x16xf32, #tpu.memory_space<vmem>>) dst(%dma_wait3A_89 : memref<125x16xf32, #tpu.memory_space<vmem_shared>>)
      tpu.yield
    }) : () -> ()
    %mul3A_10 = arith.constant 625 : i32
    %mul3A_11 = arith.muli %arg1, %mul3A_10 : i32
    %add3A_12 = arith.constant 375 : i32
    %add3A_13 = arith.addi %mul3A_11, %add3A_12 : i32
    "tpu.region"() ({
      %run_scoped3A = tpu.sem_alloc : memref<!tpu.dma_semaphore, #tpu.memory_space<semaphore_mem>>
      %dma_start3A = arith.constant 0 : i32
      %dma_start3A_84 = tpu.memref_slice %arg6[%add3A_13, %dma_start3A] : memref<10000x16xf32, #tpu.memory_space<vmem_shared>> -> memref<125x16xf32, #tpu.memory_space<vmem_shared>>
      %dma_start3A_85 = arith.constant 0 : i32
      %dma_start3A_86 = tpu.memref_slice %arg6[%add3A_13, %dma_start3A_85] : memref<10000x16xf32, #tpu.memory_space<vmem_shared>> -> memref<125x16xf32, #tpu.memory_space<vmem_shared>>
      tpu.enqueue_dma source(%arg9 : memref<125x16xf32, #tpu.memory_space<vmem>>) target(%dma_start3A_86 : memref<125x16xf32, #tpu.memory_space<vmem_shared>>) target_semaphore(%run_scoped3A : memref<!tpu.dma_semaphore, #tpu.memory_space<semaphore_mem>>)
      %dma_wait3A = arith.constant 0 : i32
      %dma_wait3A_87 = tpu.memref_slice %arg6[%add3A_13, %dma_wait3A] : memref<10000x16xf32, #tpu.memory_space<vmem_shared>> -> memref<125x16xf32, #tpu.memory_space<vmem_shared>>
      %dma_wait3A_88 = arith.constant 0 : i32
      %dma_wait3A_89 = tpu.memref_slice %arg6[%add3A_13, %dma_wait3A_88] : memref<10000x16xf32, #tpu.memory_space<vmem_shared>> -> memref<125x16xf32, #tpu.memory_space<vmem_shared>>
      tpu.wait_dma2 semaphore(%run_scoped3A : memref<!tpu.dma_semaphore, #tpu.memory_space<semaphore_mem>>) src(%arg9 : memref<125x16xf32, #tpu.memory_space<vmem>>) dst(%dma_wait3A_89 : memref<125x16xf32, #tpu.memory_space<vmem_shared>>)
      tpu.yield
    }) : () -> ()
    %mul3A_14 = arith.constant 625 : i32
    %mul3A_15 = arith.muli %arg1, %mul3A_14 : i32
    %add3A_16 = arith.constant 500 : i32
    %add3A_17 = arith.addi %mul3A_15, %add3A_16 : i32
    "tpu.region"() ({
      %run_scoped3A = tpu.sem_alloc : memref<!tpu.dma_semaphore, #tpu.memory_space<semaphore_mem>>
      %dma_start3A = arith.constant 0 : i32
      %dma_start3A_84 = tpu.memref_slice %arg6[%add3A_17, %dma_start3A] : memref<10000x16xf32, #tpu.memory_space<vmem_shared>> -> memref<125x16xf32, #tpu.memory_space<vmem_shared>>
      %dma_start3A_85 = arith.constant 0 : i32
      %dma_start3A_86 = tpu.memref_slice %arg6[%add3A_17, %dma_start3A_85] : memref<10000x16xf32, #tpu.memory_space<vmem_shared>> -> memref<125x16xf32, #tpu.memory_space<vmem_shared>>
      tpu.enqueue_dma source(%arg9 : memref<125x16xf32, #tpu.memory_space<vmem>>) target(%dma_start3A_86 : memref<125x16xf32, #tpu.memory_space<vmem_shared>>) target_semaphore(%run_scoped3A : memref<!tpu.dma_semaphore, #tpu.memory_space<semaphore_mem>>)
      %dma_wait3A = arith.constant 0 : i32
      %dma_wait3A_87 = tpu.memref_slice %arg6[%add3A_17, %dma_wait3A] : memref<10000x16xf32, #tpu.memory_space<vmem_shared>> -> memref<125x16xf32, #tpu.memory_space<vmem_shared>>
      %dma_wait3A_88 = arith.constant 0 : i32
      %dma_wait3A_89 = tpu.memref_slice %arg6[%add3A_17, %dma_wait3A_88] : memref<10000x16xf32, #tpu.memory_space<vmem_shared>> -> memref<125x16xf32, #tpu.memory_space<vmem_shared>>
      tpu.wait_dma2 semaphore(%run_scoped3A : memref<!tpu.dma_semaphore, #tpu.memory_space<semaphore_mem>>) src(%arg9 : memref<125x16xf32, #tpu.memory_space<vmem>>) dst(%dma_wait3A_89 : memref<125x16xf32, #tpu.memory_space<vmem_shared>>)
      tpu.yield
    }) : () -> ()
    "tpu.region"() ({
      %run_scoped3A = tpu.sem_alloc : memref<!tpu.dma_semaphore, #tpu.memory_space<semaphore_mem>>
      tpu.enqueue_dma source(%arg4 : memref<100x16xf32, #tpu.memory_space<hbm>>) target(%arg8 : memref<100x16xf32, #tpu.memory_space<vmem>>) target_semaphore(%run_scoped3A : memref<!tpu.dma_semaphore, #tpu.memory_space<semaphore_mem>>)
      tpu.wait_dma2 semaphore(%run_scoped3A : memref<!tpu.dma_semaphore, #tpu.memory_space<semaphore_mem>>) src(%arg4 : memref<100x16xf32, #tpu.memory_space<hbm>>) dst(%arg8 : memref<100x16xf32, #tpu.memory_space<vmem>>)
      tpu.yield
    }) : () -> ()
    %mul3A_18 = arith.constant 16 : i32
    %mul3A_19 = arith.muli %arg0, %mul3A_18 : i32
    %add3A_20 = arith.addi %mul3A_19, %arg1 : i32
    %mul3A_21 = arith.constant 50 : i32
    %mul3A_22 = arith.muli %add3A_20, %mul3A_21 : i32
    "tpu.region"() ({
      %run_scoped3A = tpu.sem_alloc : memref<!tpu.dma_semaphore, #tpu.memory_space<semaphore_mem>>
      %dma_start3A = arith.constant 0 : i32
      %dma_start3A_84 = tpu.memref_slice %arg2[%mul3A_22, %dma_start3A] : memref<1600x100xi32, #tpu.memory_space<hbm>> -> memref<50x100xi32, #tpu.memory_space<hbm>>
      %dma_start3A_85 = arith.constant 0 : i32
      %dma_start3A_86 = tpu.memref_slice %arg2[%mul3A_22, %dma_start3A_85] : memref<1600x100xi32, #tpu.memory_space<hbm>> -> memref<50x100xi32, #tpu.memory_space<hbm>>
      tpu.enqueue_dma source(%dma_start3A_86 : memref<50x100xi32, #tpu.memory_space<hbm>>) target(%arg7 : memref<50x100xi32, #tpu.memory_space<vmem>>) target_semaphore(%run_scoped3A : memref<!tpu.dma_semaphore, #tpu.memory_space<semaphore_mem>>)
      %dma_wait3A = arith.constant 0 : i32
      %dma_wait3A_87 = tpu.memref_slice %arg2[%mul3A_22, %dma_wait3A] : memref<1600x100xi32, #tpu.memory_space<hbm>> -> memref<50x100xi32, #tpu.memory_space<hbm>>
      %dma_wait3A_88 = arith.constant 0 : i32
      %dma_wait3A_89 = tpu.memref_slice %arg2[%mul3A_22, %dma_wait3A_88] : memref<1600x100xi32, #tpu.memory_space<hbm>> -> memref<50x100xi32, #tpu.memory_space<hbm>>
      tpu.wait_dma2 semaphore(%run_scoped3A : memref<!tpu.dma_semaphore, #tpu.memory_space<semaphore_mem>>) src(%dma_wait3A_89 : memref<50x100xi32, #tpu.memory_space<hbm>>) dst(%arg7 : memref<50x100xi32, #tpu.memory_space<vmem>>)
      tpu.yield
    }) : () -> ()
    %barrier3A = arith.constant 0 : index
    tpu.barrier barrier_id(%barrier3A)
    %scan3A = arith.constant 0 : i32
    %scan3A_23 = arith.constant 0 : i32
    %scan3A_24 = arith.constant 25 : i32
    %scan3A_25 = arith.addi %scan3A_23, %scan3A_24 : i32
    %scan3A_26 = arith.constant 1 : i32
    scf.for %scan3A_84 = %scan3A_23 to %scan3A_25 step %scan3A_26  : i32 {
      %mul3A_85 = arith.constant 2 : i32
      %mul3A_86 = arith.muli %mul3A_85, %scan3A_84 : i32
      %add3A_87 = arith.constant 0 : i32
      %add3A_88 = arith.addi %mul3A_86, %add3A_87 : i32
      %dma_start3A = arith.constant 0 : i32
      %dma_start3A_89 = tpu.memref_slice %arg7[%add3A_88, %dma_start3A] : memref<50x100xi32, #tpu.memory_space<vmem>> -> memref<1x100xi32, #tpu.memory_space<vmem>>
      %dma_start3A_90 = tpu.memref_squeeze %dma_start3A_89 : memref<1x100xi32, #tpu.memory_space<vmem>> -> memref<100xi32, #tpu.memory_space<vmem>>
      %dma_start3A_91 = arith.constant 0 : i32
      %dma_start3A_92 = arith.constant 0 : i32
      %dma_start3A_93 = tpu.memref_slice %arg6[%dma_start3A_91, %dma_start3A_92] : memref<10000x16xf32, #tpu.memory_space<vmem_shared>> -> memref<10000x16xf32, #tpu.memory_space<vmem_shared>>
      tpu.enqueue_indirect_dma source(%arg8 : memref<100x16xf32, #tpu.memory_space<vmem>>) target(%dma_start3A_93 : memref<10000x16xf32, #tpu.memory_space<vmem_shared>>) offsets(%dma_start3A_90 : memref<100xi32, #tpu.memory_space<vmem>>) semaphore(%arg10 : memref<!tpu.dma_semaphore, #tpu.memory_space<semaphore_mem>>) {add = true}
      %mul3A_94 = arith.constant 2 : i32
      %mul3A_95 = arith.muli %mul3A_94, %scan3A_84 : i32
      %add3A_96 = arith.constant 1 : i32
      %add3A_97 = arith.addi %mul3A_95, %add3A_96 : i32
      %dma_start3A_98 = arith.constant 0 : i32
      %dma_start3A_99 = tpu.memref_slice %arg7[%add3A_97, %dma_start3A_98] : memref<50x100xi32, #tpu.memory_space<vmem>> -> memref<1x100xi32, #tpu.memory_space<vmem>>
      %dma_start3A_100 = tpu.memref_squeeze %dma_start3A_99 : memref<1x100xi32, #tpu.memory_space<vmem>> -> memref<100xi32, #tpu.memory_space<vmem>>
      %dma_start3A_101 = arith.constant 0 : i32
      %dma_start3A_102 = arith.constant 0 : i32
      %dma_start3A_103 = tpu.memref_slice %arg6[%dma_start3A_101, %dma_start3A_102] : memref<10000x16xf32, #tpu.memory_space<vmem_shared>> -> memref<10000x16xf32, #tpu.memory_space<vmem_shared>>
      tpu.enqueue_indirect_dma source(%arg8 : memref<100x16xf32, #tpu.memory_space<vmem>>) target(%dma_start3A_103 : memref<10000x16xf32, #tpu.memory_space<vmem_shared>>) offsets(%dma_start3A_100 : memref<100xi32, #tpu.memory_space<vmem>>) semaphore(%arg10 : memref<!tpu.dma_semaphore, #tpu.memory_space<semaphore_mem>>) {add = true}
      %mul3A_104 = arith.constant 2 : i32
      %mul3A_105 = arith.muli %mul3A_104, %scan3A_84 : i32
      %add3A_106 = arith.constant 0 : i32
      %add3A_107 = arith.addi %mul3A_105, %add3A_106 : i32
      %dma_wait3A = arith.constant 0 : i32
      %dma_wait3A_108 = tpu.memref_slice %arg7[%add3A_107, %dma_wait3A] : memref<50x100xi32, #tpu.memory_space<vmem>> -> memref<1x100xi32, #tpu.memory_space<vmem>>
      %dma_wait3A_109 = tpu.memref_squeeze %dma_wait3A_108 : memref<1x100xi32, #tpu.memory_space<vmem>> -> memref<100xi32, #tpu.memory_space<vmem>>
      %dma_wait3A_110 = arith.constant 0 : i32
      %dma_wait3A_111 = arith.constant 0 : i32
      %dma_wait3A_112 = tpu.memref_slice %arg6[%dma_wait3A_110, %dma_wait3A_111] : memref<10000x16xf32, #tpu.memory_space<vmem_shared>> -> memref<10000x16xf32, #tpu.memory_space<vmem_shared>>
      tpu.wait_indirect_dma semaphore(%arg10 : memref<!tpu.dma_semaphore, #tpu.memory_space<semaphore_mem>>) src(%arg8 : memref<100x16xf32, #tpu.memory_space<vmem>>) dst(%dma_wait3A_112 : memref<10000x16xf32, #tpu.memory_space<vmem_shared>>)
      %mul3A_113 = arith.constant 2 : i32
      %mul3A_114 = arith.muli %mul3A_113, %scan3A_84 : i32
      %add3A_115 = arith.constant 1 : i32
      %add3A_116 = arith.addi %mul3A_114, %add3A_115 : i32
      %dma_wait3A_117 = arith.constant 0 : i32
      %dma_wait3A_118 = tpu.memref_slice %arg7[%add3A_116, %dma_wait3A_117] : memref<50x100xi32, #tpu.memory_space<vmem>> -> memref<1x100xi32, #tpu.memory_space<vmem>>
      %dma_wait3A_119 = tpu.memref_squeeze %dma_wait3A_118 : memref<1x100xi32, #tpu.memory_space<vmem>> -> memref<100xi32, #tpu.memory_space<vmem>>
      %dma_wait3A_120 = arith.constant 0 : i32
      %dma_wait3A_121 = arith.constant 0 : i32
      %dma_wait3A_122 = tpu.memref_slice %arg6[%dma_wait3A_120, %dma_wait3A_121] : memref<10000x16xf32, #tpu.memory_space<vmem_shared>> -> memref<10000x16xf32, #tpu.memory_space<vmem_shared>>
      tpu.wait_indirect_dma semaphore(%arg10 : memref<!tpu.dma_semaphore, #tpu.memory_space<semaphore_mem>>) src(%arg8 : memref<100x16xf32, #tpu.memory_space<vmem>>) dst(%dma_wait3A_122 : memref<10000x16xf32, #tpu.memory_space<vmem_shared>>)
    }
    %scan3A_27 = arith.constant 25 : i32
    %barrier3A_28 = arith.constant 0 : index
    tpu.barrier barrier_id(%barrier3A_28)
    %mul3A_29 = arith.constant 625 : i32
    %mul3A_30 = arith.muli %arg1, %mul3A_29 : i32
    %add3A_31 = arith.constant 0 : i32
    %add3A_32 = arith.addi %mul3A_30, %add3A_31 : i32
    "tpu.region"() ({
      %run_scoped3A = tpu.sem_alloc : memref<!tpu.dma_semaphore, #tpu.memory_space<semaphore_mem>>
      %dma_start3A = arith.constant 0 : i32
      %dma_start3A_84 = tpu.memref_slice %arg6[%add3A_32, %dma_start3A] : memref<10000x16xf32, #tpu.memory_space<vmem_shared>> -> memref<125x16xf32, #tpu.memory_space<vmem_shared>>
      %dma_start3A_85 = arith.constant 0 : i32
      %dma_start3A_86 = tpu.memref_slice %arg6[%add3A_32, %dma_start3A_85] : memref<10000x16xf32, #tpu.memory_space<vmem_shared>> -> memref<125x16xf32, #tpu.memory_space<vmem_shared>>
      tpu.enqueue_dma source(%dma_start3A_86 : memref<125x16xf32, #tpu.memory_space<vmem_shared>>) target(%arg9 : memref<125x16xf32, #tpu.memory_space<vmem>>) target_semaphore(%run_scoped3A : memref<!tpu.dma_semaphore, #tpu.memory_space<semaphore_mem>>)
      %dma_wait3A = arith.constant 0 : i32
      %dma_wait3A_87 = tpu.memref_slice %arg6[%add3A_32, %dma_wait3A] : memref<10000x16xf32, #tpu.memory_space<vmem_shared>> -> memref<125x16xf32, #tpu.memory_space<vmem_shared>>
      %dma_wait3A_88 = arith.constant 0 : i32
      %dma_wait3A_89 = tpu.memref_slice %arg6[%add3A_32, %dma_wait3A_88] : memref<10000x16xf32, #tpu.memory_space<vmem_shared>> -> memref<125x16xf32, #tpu.memory_space<vmem_shared>>
      tpu.wait_dma2 semaphore(%run_scoped3A : memref<!tpu.dma_semaphore, #tpu.memory_space<semaphore_mem>>) src(%dma_wait3A_89 : memref<125x16xf32, #tpu.memory_space<vmem_shared>>) dst(%arg9 : memref<125x16xf32, #tpu.memory_space<vmem>>)
      tpu.yield
    }) : () -> ()
    %mul3A_33 = arith.constant 10000 : i32
    %mul3A_34 = arith.muli %arg0, %mul3A_33 : i32
    %mul3A_35 = arith.constant 625 : i32
    %mul3A_36 = arith.muli %arg1, %mul3A_35 : i32
    %add3A_37 = arith.addi %mul3A_34, %mul3A_36 : i32
    %add3A_38 = arith.constant 0 : i32
    %add3A_39 = arith.addi %add3A_37, %add3A_38 : i32
    "tpu.region"() ({
      %run_scoped3A = tpu.sem_alloc : memref<!tpu.dma_semaphore, #tpu.memory_space<semaphore_mem>>
      %dma_start3A = arith.constant 0 : i32
      %dma_start3A_84 = tpu.memref_slice %arg5[%add3A_39, %dma_start3A] : memref<20000x16xf32, #tpu.memory_space<hbm>> -> memref<125x16xf32, #tpu.memory_space<hbm>>
      %dma_start3A_85 = arith.constant 0 : i32
      %dma_start3A_86 = tpu.memref_slice %arg5[%add3A_39, %dma_start3A_85] : memref<20000x16xf32, #tpu.memory_space<hbm>> -> memref<125x16xf32, #tpu.memory_space<hbm>>
      tpu.enqueue_dma source(%arg9 : memref<125x16xf32, #tpu.memory_space<vmem>>) target(%dma_start3A_86 : memref<125x16xf32, #tpu.memory_space<hbm>>) target_semaphore(%run_scoped3A : memref<!tpu.dma_semaphore, #tpu.memory_space<semaphore_mem>>)
      %dma_wait3A = arith.constant 0 : i32
      %dma_wait3A_87 = tpu.memref_slice %arg5[%add3A_39, %dma_wait3A] : memref<20000x16xf32, #tpu.memory_space<hbm>> -> memref<125x16xf32, #tpu.memory_space<hbm>>
      %dma_wait3A_88 = arith.constant 0 : i32
      %dma_wait3A_89 = tpu.memref_slice %arg5[%add3A_39, %dma_wait3A_88] : memref<20000x16xf32, #tpu.memory_space<hbm>> -> memref<125x16xf32, #tpu.memory_space<hbm>>
      tpu.wait_dma2 semaphore(%run_scoped3A : memref<!tpu.dma_semaphore, #tpu.memory_space<semaphore_mem>>) src(%arg9 : memref<125x16xf32, #tpu.memory_space<vmem>>) dst(%dma_wait3A_89 : memref<125x16xf32, #tpu.memory_space<hbm>>)
      tpu.yield
    }) : () -> ()
    %mul3A_40 = arith.constant 625 : i32
    %mul3A_41 = arith.muli %arg1, %mul3A_40 : i32
    %add3A_42 = arith.constant 125 : i32
    %add3A_43 = arith.addi %mul3A_41, %add3A_42 : i32
    "tpu.region"() ({
      %run_scoped3A = tpu.sem_alloc : memref<!tpu.dma_semaphore, #tpu.memory_space<semaphore_mem>>
      %dma_start3A = arith.constant 0 : i32
      %dma_start3A_84 = tpu.memref_slice %arg6[%add3A_43, %dma_start3A] : memref<10000x16xf32, #tpu.memory_space<vmem_shared>> -> memref<125x16xf32, #tpu.memory_space<vmem_shared>>
      %dma_start3A_85 = arith.constant 0 : i32
      %dma_start3A_86 = tpu.memref_slice %arg6[%add3A_43, %dma_start3A_85] : memref<10000x16xf32, #tpu.memory_space<vmem_shared>> -> memref<125x16xf32, #tpu.memory_space<vmem_shared>>
      tpu.enqueue_dma source(%dma_start3A_86 : memref<125x16xf32, #tpu.memory_space<vmem_shared>>) target(%arg9 : memref<125x16xf32, #tpu.memory_space<vmem>>) target_semaphore(%run_scoped3A : memref<!tpu.dma_semaphore, #tpu.memory_space<semaphore_mem>>)
      %dma_wait3A = arith.constant 0 : i32
      %dma_wait3A_87 = tpu.memref_slice %arg6[%add3A_43, %dma_wait3A] : memref<10000x16xf32, #tpu.memory_space<vmem_shared>> -> memref<125x16xf32, #tpu.memory_space<vmem_shared>>
      %dma_wait3A_88 = arith.constant 0 : i32
      %dma_wait3A_89 = tpu.memref_slice %arg6[%add3A_43, %dma_wait3A_88] : memref<10000x16xf32, #tpu.memory_space<vmem_shared>> -> memref<125x16xf32, #tpu.memory_space<vmem_shared>>
      tpu.wait_dma2 semaphore(%run_scoped3A : memref<!tpu.dma_semaphore, #tpu.memory_space<semaphore_mem>>) src(%dma_wait3A_89 : memref<125x16xf32, #tpu.memory_space<vmem_shared>>) dst(%arg9 : memref<125x16xf32, #tpu.memory_space<vmem>>)
      tpu.yield
    }) : () -> ()
    %mul3A_44 = arith.constant 10000 : i32
    %mul3A_45 = arith.muli %arg0, %mul3A_44 : i32
    %mul3A_46 = arith.constant 625 : i32
    %mul3A_47 = arith.muli %arg1, %mul3A_46 : i32
    %add3A_48 = arith.addi %mul3A_45, %mul3A_47 : i32
    %add3A_49 = arith.constant 125 : i32
    %add3A_50 = arith.addi %add3A_48, %add3A_49 : i32
    "tpu.region"() ({
      %run_scoped3A = tpu.sem_alloc : memref<!tpu.dma_semaphore, #tpu.memory_space<semaphore_mem>>
      %dma_start3A = arith.constant 0 : i32
      %dma_start3A_84 = tpu.memref_slice %arg5[%add3A_50, %dma_start3A] : memref<20000x16xf32, #tpu.memory_space<hbm>> -> memref<125x16xf32, #tpu.memory_space<hbm>>
      %dma_start3A_85 = arith.constant 0 : i32
      %dma_start3A_86 = tpu.memref_slice %arg5[%add3A_50, %dma_start3A_85] : memref<20000x16xf32, #tpu.memory_space<hbm>> -> memref<125x16xf32, #tpu.memory_space<hbm>>
      tpu.enqueue_dma source(%arg9 : memref<125x16xf32, #tpu.memory_space<vmem>>) target(%dma_start3A_86 : memref<125x16xf32, #tpu.memory_space<hbm>>) target_semaphore(%run_scoped3A : memref<!tpu.dma_semaphore, #tpu.memory_space<semaphore_mem>>)
      %dma_wait3A = arith.constant 0 : i32
      %dma_wait3A_87 = tpu.memref_slice %arg5[%add3A_50, %dma_wait3A] : memref<20000x16xf32, #tpu.memory_space<hbm>> -> memref<125x16xf32, #tpu.memory_space<hbm>>
      %dma_wait3A_88 = arith.constant 0 : i32
      %dma_wait3A_89 = tpu.memref_slice %arg5[%add3A_50, %dma_wait3A_88] : memref<20000x16xf32, #tpu.memory_space<hbm>> -> memref<125x16xf32, #tpu.memory_space<hbm>>
      tpu.wait_dma2 semaphore(%run_scoped3A : memref<!tpu.dma_semaphore, #tpu.memory_space<semaphore_mem>>) src(%arg9 : memref<125x16xf32, #tpu.memory_space<vmem>>) dst(%dma_wait3A_89 : memref<125x16xf32, #tpu.memory_space<hbm>>)
      tpu.yield
    }) : () -> ()
    %mul3A_51 = arith.constant 625 : i32
    %mul3A_52 = arith.muli %arg1, %mul3A_51 : i32
    %add3A_53 = arith.constant 250 : i32
    %add3A_54 = arith.addi %mul3A_52, %add3A_53 : i32
    "tpu.region"() ({
      %run_scoped3A = tpu.sem_alloc : memref<!tpu.dma_semaphore, #tpu.memory_space<semaphore_mem>>
      %dma_start3A = arith.constant 0 : i32
      %dma_start3A_84 = tpu.memref_slice %arg6[%add3A_54, %dma_start3A] : memref<10000x16xf32, #tpu.memory_space<vmem_shared>> -> memref<125x16xf32, #tpu.memory_space<vmem_shared>>
      %dma_start3A_85 = arith.constant 0 : i32
      %dma_start3A_86 = tpu.memref_slice %arg6[%add3A_54, %dma_start3A_85] : memref<10000x16xf32, #tpu.memory_space<vmem_shared>> -> memref<125x16xf32, #tpu.memory_space<vmem_shared>>
      tpu.enqueue_dma source(%dma_start3A_86 : memref<125x16xf32, #tpu.memory_space<vmem_shared>>) target(%arg9 : memref<125x16xf32, #tpu.memory_space<vmem>>) target_semaphore(%run_scoped3A : memref<!tpu.dma_semaphore, #tpu.memory_space<semaphore_mem>>)
      %dma_wait3A = arith.constant 0 : i32
      %dma_wait3A_87 = tpu.memref_slice %arg6[%add3A_54, %dma_wait3A] : memref<10000x16xf32, #tpu.memory_space<vmem_shared>> -> memref<125x16xf32, #tpu.memory_space<vmem_shared>>
      %dma_wait3A_88 = arith.constant 0 : i32
      %dma_wait3A_89 = tpu.memref_slice %arg6[%add3A_54, %dma_wait3A_88] : memref<10000x16xf32, #tpu.memory_space<vmem_shared>> -> memref<125x16xf32, #tpu.memory_space<vmem_shared>>
      tpu.wait_dma2 semaphore(%run_scoped3A : memref<!tpu.dma_semaphore, #tpu.memory_space<semaphore_mem>>) src(%dma_wait3A_89 : memref<125x16xf32, #tpu.memory_space<vmem_shared>>) dst(%arg9 : memref<125x16xf32, #tpu.memory_space<vmem>>)
      tpu.yield
    }) : () -> ()
    %mul3A_55 = arith.constant 10000 : i32
    %mul3A_56 = arith.muli %arg0, %mul3A_55 : i32
    %mul3A_57 = arith.constant 625 : i32
    %mul3A_58 = arith.muli %arg1, %mul3A_57 : i32
    %add3A_59 = arith.addi %mul3A_56, %mul3A_58 : i32
    %add3A_60 = arith.constant 250 : i32
    %add3A_61 = arith.addi %add3A_59, %add3A_60 : i32
    "tpu.region"() ({
      %run_scoped3A = tpu.sem_alloc : memref<!tpu.dma_semaphore, #tpu.memory_space<semaphore_mem>>
      %dma_start3A = arith.constant 0 : i32
      %dma_start3A_84 = tpu.memref_slice %arg5[%add3A_61, %dma_start3A] : memref<20000x16xf32, #tpu.memory_space<hbm>> -> memref<125x16xf32, #tpu.memory_space<hbm>>
      %dma_start3A_85 = arith.constant 0 : i32
      %dma_start3A_86 = tpu.memref_slice %arg5[%add3A_61, %dma_start3A_85] : memref<20000x16xf32, #tpu.memory_space<hbm>> -> memref<125x16xf32, #tpu.memory_space<hbm>>
      tpu.enqueue_dma source(%arg9 : memref<125x16xf32, #tpu.memory_space<vmem>>) target(%dma_start3A_86 : memref<125x16xf32, #tpu.memory_space<hbm>>) target_semaphore(%run_scoped3A : memref<!tpu.dma_semaphore, #tpu.memory_space<semaphore_mem>>)
      %dma_wait3A = arith.constant 0 : i32
      %dma_wait3A_87 = tpu.memref_slice %arg5[%add3A_61, %dma_wait3A] : memref<20000x16xf32, #tpu.memory_space<hbm>> -> memref<125x16xf32, #tpu.memory_space<hbm>>
      %dma_wait3A_88 = arith.constant 0 : i32
      %dma_wait3A_89 = tpu.memref_slice %arg5[%add3A_61, %dma_wait3A_88] : memref<20000x16xf32, #tpu.memory_space<hbm>> -> memref<125x16xf32, #tpu.memory_space<hbm>>
      tpu.wait_dma2 semaphore(%run_scoped3A : memref<!tpu.dma_semaphore, #tpu.memory_space<semaphore_mem>>) src(%arg9 : memref<125x16xf32, #tpu.memory_space<vmem>>) dst(%dma_wait3A_89 : memref<125x16xf32, #tpu.memory_space<hbm>>)
      tpu.yield
    }) : () -> ()
    %mul3A_62 = arith.constant 625 : i32
    %mul3A_63 = arith.muli %arg1, %mul3A_62 : i32
    %add3A_64 = arith.constant 375 : i32
    %add3A_65 = arith.addi %mul3A_63, %add3A_64 : i32
    "tpu.region"() ({
      %run_scoped3A = tpu.sem_alloc : memref<!tpu.dma_semaphore, #tpu.memory_space<semaphore_mem>>
      %dma_start3A = arith.constant 0 : i32
      %dma_start3A_84 = tpu.memref_slice %arg6[%add3A_65, %dma_start3A] : memref<10000x16xf32, #tpu.memory_space<vmem_shared>> -> memref<125x16xf32, #tpu.memory_space<vmem_shared>>
      %dma_start3A_85 = arith.constant 0 : i32
      %dma_start3A_86 = tpu.memref_slice %arg6[%add3A_65, %dma_start3A_85] : memref<10000x16xf32, #tpu.memory_space<vmem_shared>> -> memref<125x16xf32, #tpu.memory_space<vmem_shared>>
      tpu.enqueue_dma source(%dma_start3A_86 : memref<125x16xf32, #tpu.memory_space<vmem_shared>>) target(%arg9 : memref<125x16xf32, #tpu.memory_space<vmem>>) target_semaphore(%run_scoped3A : memref<!tpu.dma_semaphore, #tpu.memory_space<semaphore_mem>>)
      %dma_wait3A = arith.constant 0 : i32
      %dma_wait3A_87 = tpu.memref_slice %arg6[%add3A_65, %dma_wait3A] : memref<10000x16xf32, #tpu.memory_space<vmem_shared>> -> memref<125x16xf32, #tpu.memory_space<vmem_shared>>
      %dma_wait3A_88 = arith.constant 0 : i32
      %dma_wait3A_89 = tpu.memref_slice %arg6[%add3A_65, %dma_wait3A_88] : memref<10000x16xf32, #tpu.memory_space<vmem_shared>> -> memref<125x16xf32, #tpu.memory_space<vmem_shared>>
      tpu.wait_dma2 semaphore(%run_scoped3A : memref<!tpu.dma_semaphore, #tpu.memory_space<semaphore_mem>>) src(%dma_wait3A_89 : memref<125x16xf32, #tpu.memory_space<vmem_shared>>) dst(%arg9 : memref<125x16xf32, #tpu.memory_space<vmem>>)
      tpu.yield
    }) : () -> ()
    %mul3A_66 = arith.constant 10000 : i32
    %mul3A_67 = arith.muli %arg0, %mul3A_66 : i32
    %mul3A_68 = arith.constant 625 : i32
    %mul3A_69 = arith.muli %arg1, %mul3A_68 : i32
    %add3A_70 = arith.addi %mul3A_67, %mul3A_69 : i32
    %add3A_71 = arith.constant 375 : i32
    %add3A_72 = arith.addi %add3A_70, %add3A_71 : i32
    "tpu.region"() ({
      %run_scoped3A = tpu.sem_alloc : memref<!tpu.dma_semaphore, #tpu.memory_space<semaphore_mem>>
      %dma_start3A = arith.constant 0 : i32
      %dma_start3A_84 = tpu.memref_slice %arg5[%add3A_72, %dma_start3A] : memref<20000x16xf32, #tpu.memory_space<hbm>> -> memref<125x16xf32, #tpu.memory_space<hbm>>
      %dma_start3A_85 = arith.constant 0 : i32
      %dma_start3A_86 = tpu.memref_slice %arg5[%add3A_72, %dma_start3A_85] : memref<20000x16xf32, #tpu.memory_space<hbm>> -> memref<125x16xf32, #tpu.memory_space<hbm>>
      tpu.enqueue_dma source(%arg9 : memref<125x16xf32, #tpu.memory_space<vmem>>) target(%dma_start3A_86 : memref<125x16xf32, #tpu.memory_space<hbm>>) target_semaphore(%run_scoped3A : memref<!tpu.dma_semaphore, #tpu.memory_space<semaphore_mem>>)
      %dma_wait3A = arith.constant 0 : i32
      %dma_wait3A_87 = tpu.memref_slice %arg5[%add3A_72, %dma_wait3A] : memref<20000x16xf32, #tpu.memory_space<hbm>> -> memref<125x16xf32, #tpu.memory_space<hbm>>
      %dma_wait3A_88 = arith.constant 0 : i32
      %dma_wait3A_89 = tpu.memref_slice %arg5[%add3A_72, %dma_wait3A_88] : memref<20000x16xf32, #tpu.memory_space<hbm>> -> memref<125x16xf32, #tpu.memory_space<hbm>>
      tpu.wait_dma2 semaphore(%run_scoped3A : memref<!tpu.dma_semaphore, #tpu.memory_space<semaphore_mem>>) src(%arg9 : memref<125x16xf32, #tpu.memory_space<vmem>>) dst(%dma_wait3A_89 : memref<125x16xf32, #tpu.memory_space<hbm>>)
      tpu.yield
    }) : () -> ()
    %mul3A_73 = arith.constant 625 : i32
    %mul3A_74 = arith.muli %arg1, %mul3A_73 : i32
    %add3A_75 = arith.constant 500 : i32
    %add3A_76 = arith.addi %mul3A_74, %add3A_75 : i32
    "tpu.region"() ({
      %run_scoped3A = tpu.sem_alloc : memref<!tpu.dma_semaphore, #tpu.memory_space<semaphore_mem>>
      %dma_start3A = arith.constant 0 : i32
      %dma_start3A_84 = tpu.memref_slice %arg6[%add3A_76, %dma_start3A] : memref<10000x16xf32, #tpu.memory_space<vmem_shared>> -> memref<125x16xf32, #tpu.memory_space<vmem_shared>>
      %dma_start3A_85 = arith.constant 0 : i32
      %dma_start3A_86 = tpu.memref_slice %arg6[%add3A_76, %dma_start3A_85] : memref<10000x16xf32, #tpu.memory_space<vmem_shared>> -> memref<125x16xf32, #tpu.memory_space<vmem_shared>>
      tpu.enqueue_dma source(%dma_start3A_86 : memref<125x16xf32, #tpu.memory_space<vmem_shared>>) target(%arg9 : memref<125x16xf32, #tpu.memory_space<vmem>>) target_semaphore(%run_scoped3A : memref<!tpu.dma_semaphore, #tpu.memory_space<semaphore_mem>>)
      %dma_wait3A = arith.constant 0 : i32
      %dma_wait3A_87 = tpu.memref_slice %arg6[%add3A_76, %dma_wait3A] : memref<10000x16xf32, #tpu.memory_space<vmem_shared>> -> memref<125x16xf32, #tpu.memory_space<vmem_shared>>
      %dma_wait3A_88 = arith.constant 0 : i32
      %dma_wait3A_89 = tpu.memref_slice %arg6[%add3A_76, %dma_wait3A_88] : memref<10000x16xf32, #tpu.memory_space<vmem_shared>> -> memref<125x16xf32, #tpu.memory_space<vmem_shared>>
      tpu.wait_dma2 semaphore(%run_scoped3A : memref<!tpu.dma_semaphore, #tpu.memory_space<semaphore_mem>>) src(%dma_wait3A_89 : memref<125x16xf32, #tpu.memory_space<vmem_shared>>) dst(%arg9 : memref<125x16xf32, #tpu.memory_space<vmem>>)
      tpu.yield
    }) : () -> ()
    %mul3A_77 = arith.constant 10000 : i32
    %mul3A_78 = arith.muli %arg0, %mul3A_77 : i32
    %mul3A_79 = arith.constant 625 : i32
    %mul3A_80 = arith.muli %arg1, %mul3A_79 : i32
    %add3A_81 = arith.addi %mul3A_78, %mul3A_80 : i32
    %add3A_82 = arith.constant 500 : i32
    %add3A_83 = arith.addi %add3A_81, %add3A_82 : i32
    "tpu.region"() ({
      %run_scoped3A = tpu.sem_alloc : memref<!tpu.dma_semaphore, #tpu.memory_space<semaphore_mem>>
      %dma_start3A = arith.constant 0 : i32
      %dma_start3A_84 = tpu.memref_slice %arg5[%add3A_83, %dma_start3A] : memref<20000x16xf32, #tpu.memory_space<hbm>> -> memref<125x16xf32, #tpu.memory_space<hbm>>
      %dma_start3A_85 = arith.constant 0 : i32
      %dma_start3A_86 = tpu.memref_slice %arg5[%add3A_83, %dma_start3A_85] : memref<20000x16xf32, #tpu.memory_space<hbm>> -> memref<125x16xf32, #tpu.memory_space<hbm>>
      tpu.enqueue_dma source(%arg9 : memref<125x16xf32, #tpu.memory_space<vmem>>) target(%dma_start3A_86 : memref<125x16xf32, #tpu.memory_space<hbm>>) target_semaphore(%run_scoped3A : memref<!tpu.dma_semaphore, #tpu.memory_space<semaphore_mem>>)
      %dma_wait3A = arith.constant 0 : i32
      %dma_wait3A_87 = tpu.memref_slice %arg5[%add3A_83, %dma_wait3A] : memref<20000x16xf32, #tpu.memory_space<hbm>> -> memref<125x16xf32, #tpu.memory_space<hbm>>
      %dma_wait3A_88 = arith.constant 0 : i32
      %dma_wait3A_89 = tpu.memref_slice %arg5[%add3A_83, %dma_wait3A_88] : memref<20000x16xf32, #tpu.memory_space<hbm>> -> memref<125x16xf32, #tpu.memory_space<hbm>>
      tpu.wait_dma2 semaphore(%run_scoped3A : memref<!tpu.dma_semaphore, #tpu.memory_space<semaphore_mem>>) src(%arg9 : memref<125x16xf32, #tpu.memory_space<vmem>>) dst(%dma_wait3A_89 : memref<125x16xf32, #tpu.memory_space<hbm>>)
      tpu.yield
    }) : () -> ()
    return
  }
}

#map = affine_map<(d0, d1) -> (0, 0)>
module attributes {stable_mosaic.version = 14 : i64} {
  func.func @_agg_body(%arg0: i32, %arg1: i32, %arg2: memref<3200x100xi32, #tpu.memory_space<hbm>>, %arg3: memref<1600x100xi32, #tpu.memory_space<hbm>>, %arg4: memref<20000x128xbf16, #tpu.memory_space<hbm>>, %arg5: memref<20000x128xbf16, #tpu.memory_space<hbm>>, %arg6: memref<10000x128xbf16, #tpu.memory_space<vmem_shared>>, %arg7: memref<100x100xi32, #tpu.memory_space<vmem>>, %arg8: memref<100x100xi32, #tpu.memory_space<vmem>>, %arg9: memref<100x128xbf16, #tpu.memory_space<vmem>>, %arg10: memref<100x128xbf16, #tpu.memory_space<vmem>>, %arg11: memref<100x128xbf16, #tpu.memory_space<vmem>>, %arg12: memref<100x128xbf16, #tpu.memory_space<vmem>>, %arg13: memref<100x128xbf16, #tpu.memory_space<vmem>>, %arg14: memref<100x128xbf16, #tpu.memory_space<vmem>>, %arg15: memref<100x128xbf16, #tpu.memory_space<vmem>>, %arg16: memref<100x128xbf16, #tpu.memory_space<vmem>>, %arg17: memref<100x128xbf16, #tpu.memory_space<vmem>>, %arg18: memref<100x128xbf16, #tpu.memory_space<vmem>>, %arg19: memref<!tpu.dma_semaphore, #tpu.memory_space<semaphore_mem>>, %arg20: memref<!tpu.dma_semaphore, #tpu.memory_space<semaphore_mem>>, %arg21: memref<!tpu.dma_semaphore, #tpu.memory_space<semaphore_mem>>, %arg22: memref<!tpu.dma_semaphore, #tpu.memory_space<semaphore_mem>>, %arg23: memref<!tpu.dma_semaphore, #tpu.memory_space<semaphore_mem>>, %arg24: memref<!tpu.dma_semaphore, #tpu.memory_space<semaphore_mem>>, %arg25: memref<!tpu.dma_semaphore, #tpu.memory_space<semaphore_mem>>, %arg26: memref<!tpu.dma_semaphore, #tpu.memory_space<semaphore_mem>>, %arg27: memref<!tpu.dma_semaphore, #tpu.memory_space<semaphore_mem>>, %arg28: memref<!tpu.dma_semaphore, #tpu.memory_space<semaphore_mem>>, %arg29: memref<!tpu.dma_semaphore, #tpu.memory_space<semaphore_mem>>, %arg30: memref<!tpu.dma_semaphore, #tpu.memory_space<semaphore_mem>>, %arg31: memref<!tpu.dma_semaphore, #tpu.memory_space<semaphore_mem>>, %arg32: memref<!tpu.dma_semaphore, #tpu.memory_space<semaphore_mem>>, %arg33: memref<!tpu.dma_semaphore, #tpu.memory_space<semaphore_mem>>, %arg34: memref<!tpu.dma_semaphore, #tpu.memory_space<semaphore_mem>>, %arg35: memref<!tpu.dma_semaphore, #tpu.memory_space<semaphore_mem>>, %arg36: memref<!tpu.dma_semaphore, #tpu.memory_space<semaphore_mem>>, %arg37: memref<!tpu.dma_semaphore, #tpu.memory_space<semaphore_mem>>, %arg38: memref<!tpu.dma_semaphore, #tpu.memory_space<semaphore_mem>>) attributes {dimension_semantics = [#tpu.dimension_semantics<core_parallel>, #tpu.dimension_semantics<subcore_parallel>], iteration_bounds = array<i64: 2, 16>, scalar_prefetch = 0 : i64, scratch_operands = 33 : i64, tpu.core_type = #tpu.core_type<sc_vector_subcore>, window_params = [{transform_indices = #map}, {transform_indices = #map}, {transform_indices = #map}, {transform_indices = #map}]} {
    %mul3A = arith.constant 10000 : i32
    %mul3A_0 = arith.muli %arg0, %mul3A : i32
    %mul3A_1 = arith.constant 625 : i32
    %mul3A_2 = arith.muli %arg1, %mul3A_1 : i32
    %add3A = arith.addi %mul3A_0, %mul3A_2 : i32
    %add3A_3 = arith.constant 0 : i32
    %add3A_4 = arith.addi %add3A, %add3A_3 : i32
    "tpu.region"() ({
      %run_scoped3A = tpu.sem_alloc : memref<!tpu.dma_semaphore, #tpu.memory_space<semaphore_mem>>
      %dma_start3A_443 = arith.constant 0 : i32
      %dma_start3A_444 = tpu.memref_slice %arg4[%add3A_4, %dma_start3A_443] : memref<20000x128xbf16, #tpu.memory_space<hbm>> -> memref<100x128xbf16, #tpu.memory_space<hbm>>
      %dma_start3A_445 = arith.constant 0 : i32
      %dma_start3A_446 = tpu.memref_slice %arg4[%add3A_4, %dma_start3A_445] : memref<20000x128xbf16, #tpu.memory_space<hbm>> -> memref<100x128xbf16, #tpu.memory_space<hbm>>
      tpu.enqueue_dma source(%dma_start3A_446 : memref<100x128xbf16, #tpu.memory_space<hbm>>) target(%arg9 : memref<100x128xbf16, #tpu.memory_space<vmem>>) target_semaphore(%run_scoped3A : memref<!tpu.dma_semaphore, #tpu.memory_space<semaphore_mem>>)
      %dma_wait3A_447 = arith.constant 0 : i32
      %dma_wait3A_448 = tpu.memref_slice %arg4[%add3A_4, %dma_wait3A_447] : memref<20000x128xbf16, #tpu.memory_space<hbm>> -> memref<100x128xbf16, #tpu.memory_space<hbm>>
      %dma_wait3A_449 = arith.constant 0 : i32
      %dma_wait3A_450 = tpu.memref_slice %arg4[%add3A_4, %dma_wait3A_449] : memref<20000x128xbf16, #tpu.memory_space<hbm>> -> memref<100x128xbf16, #tpu.memory_space<hbm>>
      tpu.wait_dma2 semaphore(%run_scoped3A : memref<!tpu.dma_semaphore, #tpu.memory_space<semaphore_mem>>) src(%dma_wait3A_450 : memref<100x128xbf16, #tpu.memory_space<hbm>>) dst(%arg9 : memref<100x128xbf16, #tpu.memory_space<vmem>>)
      tpu.yield
    }) : () -> ()
    %mul3A_5 = arith.constant 625 : i32
    %mul3A_6 = arith.muli %arg1, %mul3A_5 : i32
    %add3A_7 = arith.constant 0 : i32
    %add3A_8 = arith.addi %mul3A_6, %add3A_7 : i32
    "tpu.region"() ({
      %run_scoped3A = tpu.sem_alloc : memref<!tpu.dma_semaphore, #tpu.memory_space<semaphore_mem>>
      %dma_start3A_443 = arith.constant 0 : i32
      %dma_start3A_444 = tpu.memref_slice %arg6[%add3A_8, %dma_start3A_443] : memref<10000x128xbf16, #tpu.memory_space<vmem_shared>> -> memref<100x128xbf16, #tpu.memory_space<vmem_shared>>
      %dma_start3A_445 = arith.constant 0 : i32
      %dma_start3A_446 = tpu.memref_slice %arg6[%add3A_8, %dma_start3A_445] : memref<10000x128xbf16, #tpu.memory_space<vmem_shared>> -> memref<100x128xbf16, #tpu.memory_space<vmem_shared>>
      tpu.enqueue_dma source(%arg9 : memref<100x128xbf16, #tpu.memory_space<vmem>>) target(%dma_start3A_446 : memref<100x128xbf16, #tpu.memory_space<vmem_shared>>) target_semaphore(%run_scoped3A : memref<!tpu.dma_semaphore, #tpu.memory_space<semaphore_mem>>)
      %dma_wait3A_447 = arith.constant 0 : i32
      %dma_wait3A_448 = tpu.memref_slice %arg6[%add3A_8, %dma_wait3A_447] : memref<10000x128xbf16, #tpu.memory_space<vmem_shared>> -> memref<100x128xbf16, #tpu.memory_space<vmem_shared>>
      %dma_wait3A_449 = arith.constant 0 : i32
      %dma_wait3A_450 = tpu.memref_slice %arg6[%add3A_8, %dma_wait3A_449] : memref<10000x128xbf16, #tpu.memory_space<vmem_shared>> -> memref<100x128xbf16, #tpu.memory_space<vmem_shared>>
      tpu.wait_dma2 semaphore(%run_scoped3A : memref<!tpu.dma_semaphore, #tpu.memory_space<semaphore_mem>>) src(%arg9 : memref<100x128xbf16, #tpu.memory_space<vmem>>) dst(%dma_wait3A_450 : memref<100x128xbf16, #tpu.memory_space<vmem_shared>>)
      tpu.yield
    }) : () -> ()
    %mul3A_9 = arith.constant 10000 : i32
    %mul3A_10 = arith.muli %arg0, %mul3A_9 : i32
    %mul3A_11 = arith.constant 625 : i32
    %mul3A_12 = arith.muli %arg1, %mul3A_11 : i32
    %add3A_13 = arith.addi %mul3A_10, %mul3A_12 : i32
    %add3A_14 = arith.constant 100 : i32
    %add3A_15 = arith.addi %add3A_13, %add3A_14 : i32
    "tpu.region"() ({
      %run_scoped3A = tpu.sem_alloc : memref<!tpu.dma_semaphore, #tpu.memory_space<semaphore_mem>>
      %dma_start3A_443 = arith.constant 0 : i32
      %dma_start3A_444 = tpu.memref_slice %arg4[%add3A_15, %dma_start3A_443] : memref<20000x128xbf16, #tpu.memory_space<hbm>> -> memref<100x128xbf16, #tpu.memory_space<hbm>>
      %dma_start3A_445 = arith.constant 0 : i32
      %dma_start3A_446 = tpu.memref_slice %arg4[%add3A_15, %dma_start3A_445] : memref<20000x128xbf16, #tpu.memory_space<hbm>> -> memref<100x128xbf16, #tpu.memory_space<hbm>>
      tpu.enqueue_dma source(%dma_start3A_446 : memref<100x128xbf16, #tpu.memory_space<hbm>>) target(%arg9 : memref<100x128xbf16, #tpu.memory_space<vmem>>) target_semaphore(%run_scoped3A : memref<!tpu.dma_semaphore, #tpu.memory_space<semaphore_mem>>)
      %dma_wait3A_447 = arith.constant 0 : i32
      %dma_wait3A_448 = tpu.memref_slice %arg4[%add3A_15, %dma_wait3A_447] : memref<20000x128xbf16, #tpu.memory_space<hbm>> -> memref<100x128xbf16, #tpu.memory_space<hbm>>
      %dma_wait3A_449 = arith.constant 0 : i32
      %dma_wait3A_450 = tpu.memref_slice %arg4[%add3A_15, %dma_wait3A_449] : memref<20000x128xbf16, #tpu.memory_space<hbm>> -> memref<100x128xbf16, #tpu.memory_space<hbm>>
      tpu.wait_dma2 semaphore(%run_scoped3A : memref<!tpu.dma_semaphore, #tpu.memory_space<semaphore_mem>>) src(%dma_wait3A_450 : memref<100x128xbf16, #tpu.memory_space<hbm>>) dst(%arg9 : memref<100x128xbf16, #tpu.memory_space<vmem>>)
      tpu.yield
    }) : () -> ()
    %mul3A_16 = arith.constant 625 : i32
    %mul3A_17 = arith.muli %arg1, %mul3A_16 : i32
    %add3A_18 = arith.constant 100 : i32
    %add3A_19 = arith.addi %mul3A_17, %add3A_18 : i32
    "tpu.region"() ({
      %run_scoped3A = tpu.sem_alloc : memref<!tpu.dma_semaphore, #tpu.memory_space<semaphore_mem>>
      %dma_start3A_443 = arith.constant 0 : i32
      %dma_start3A_444 = tpu.memref_slice %arg6[%add3A_19, %dma_start3A_443] : memref<10000x128xbf16, #tpu.memory_space<vmem_shared>> -> memref<100x128xbf16, #tpu.memory_space<vmem_shared>>
      %dma_start3A_445 = arith.constant 0 : i32
      %dma_start3A_446 = tpu.memref_slice %arg6[%add3A_19, %dma_start3A_445] : memref<10000x128xbf16, #tpu.memory_space<vmem_shared>> -> memref<100x128xbf16, #tpu.memory_space<vmem_shared>>
      tpu.enqueue_dma source(%arg9 : memref<100x128xbf16, #tpu.memory_space<vmem>>) target(%dma_start3A_446 : memref<100x128xbf16, #tpu.memory_space<vmem_shared>>) target_semaphore(%run_scoped3A : memref<!tpu.dma_semaphore, #tpu.memory_space<semaphore_mem>>)
      %dma_wait3A_447 = arith.constant 0 : i32
      %dma_wait3A_448 = tpu.memref_slice %arg6[%add3A_19, %dma_wait3A_447] : memref<10000x128xbf16, #tpu.memory_space<vmem_shared>> -> memref<100x128xbf16, #tpu.memory_space<vmem_shared>>
      %dma_wait3A_449 = arith.constant 0 : i32
      %dma_wait3A_450 = tpu.memref_slice %arg6[%add3A_19, %dma_wait3A_449] : memref<10000x128xbf16, #tpu.memory_space<vmem_shared>> -> memref<100x128xbf16, #tpu.memory_space<vmem_shared>>
      tpu.wait_dma2 semaphore(%run_scoped3A : memref<!tpu.dma_semaphore, #tpu.memory_space<semaphore_mem>>) src(%arg9 : memref<100x128xbf16, #tpu.memory_space<vmem>>) dst(%dma_wait3A_450 : memref<100x128xbf16, #tpu.memory_space<vmem_shared>>)
      tpu.yield
    }) : () -> ()
    %mul3A_20 = arith.constant 10000 : i32
    %mul3A_21 = arith.muli %arg0, %mul3A_20 : i32
    %mul3A_22 = arith.constant 625 : i32
    %mul3A_23 = arith.muli %arg1, %mul3A_22 : i32
    %add3A_24 = arith.addi %mul3A_21, %mul3A_23 : i32
    %add3A_25 = arith.constant 200 : i32
    %add3A_26 = arith.addi %add3A_24, %add3A_25 : i32
    "tpu.region"() ({
      %run_scoped3A = tpu.sem_alloc : memref<!tpu.dma_semaphore, #tpu.memory_space<semaphore_mem>>
      %dma_start3A_443 = arith.constant 0 : i32
      %dma_start3A_444 = tpu.memref_slice %arg4[%add3A_26, %dma_start3A_443] : memref<20000x128xbf16, #tpu.memory_space<hbm>> -> memref<100x128xbf16, #tpu.memory_space<hbm>>
      %dma_start3A_445 = arith.constant 0 : i32
      %dma_start3A_446 = tpu.memref_slice %arg4[%add3A_26, %dma_start3A_445] : memref<20000x128xbf16, #tpu.memory_space<hbm>> -> memref<100x128xbf16, #tpu.memory_space<hbm>>
      tpu.enqueue_dma source(%dma_start3A_446 : memref<100x128xbf16, #tpu.memory_space<hbm>>) target(%arg9 : memref<100x128xbf16, #tpu.memory_space<vmem>>) target_semaphore(%run_scoped3A : memref<!tpu.dma_semaphore, #tpu.memory_space<semaphore_mem>>)
      %dma_wait3A_447 = arith.constant 0 : i32
      %dma_wait3A_448 = tpu.memref_slice %arg4[%add3A_26, %dma_wait3A_447] : memref<20000x128xbf16, #tpu.memory_space<hbm>> -> memref<100x128xbf16, #tpu.memory_space<hbm>>
      %dma_wait3A_449 = arith.constant 0 : i32
      %dma_wait3A_450 = tpu.memref_slice %arg4[%add3A_26, %dma_wait3A_449] : memref<20000x128xbf16, #tpu.memory_space<hbm>> -> memref<100x128xbf16, #tpu.memory_space<hbm>>
      tpu.wait_dma2 semaphore(%run_scoped3A : memref<!tpu.dma_semaphore, #tpu.memory_space<semaphore_mem>>) src(%dma_wait3A_450 : memref<100x128xbf16, #tpu.memory_space<hbm>>) dst(%arg9 : memref<100x128xbf16, #tpu.memory_space<vmem>>)
      tpu.yield
    }) : () -> ()
    %mul3A_27 = arith.constant 625 : i32
    %mul3A_28 = arith.muli %arg1, %mul3A_27 : i32
    %add3A_29 = arith.constant 200 : i32
    %add3A_30 = arith.addi %mul3A_28, %add3A_29 : i32
    "tpu.region"() ({
      %run_scoped3A = tpu.sem_alloc : memref<!tpu.dma_semaphore, #tpu.memory_space<semaphore_mem>>
      %dma_start3A_443 = arith.constant 0 : i32
      %dma_start3A_444 = tpu.memref_slice %arg6[%add3A_30, %dma_start3A_443] : memref<10000x128xbf16, #tpu.memory_space<vmem_shared>> -> memref<100x128xbf16, #tpu.memory_space<vmem_shared>>
      %dma_start3A_445 = arith.constant 0 : i32
      %dma_start3A_446 = tpu.memref_slice %arg6[%add3A_30, %dma_start3A_445] : memref<10000x128xbf16, #tpu.memory_space<vmem_shared>> -> memref<100x128xbf16, #tpu.memory_space<vmem_shared>>
      tpu.enqueue_dma source(%arg9 : memref<100x128xbf16, #tpu.memory_space<vmem>>) target(%dma_start3A_446 : memref<100x128xbf16, #tpu.memory_space<vmem_shared>>) target_semaphore(%run_scoped3A : memref<!tpu.dma_semaphore, #tpu.memory_space<semaphore_mem>>)
      %dma_wait3A_447 = arith.constant 0 : i32
      %dma_wait3A_448 = tpu.memref_slice %arg6[%add3A_30, %dma_wait3A_447] : memref<10000x128xbf16, #tpu.memory_space<vmem_shared>> -> memref<100x128xbf16, #tpu.memory_space<vmem_shared>>
      %dma_wait3A_449 = arith.constant 0 : i32
      %dma_wait3A_450 = tpu.memref_slice %arg6[%add3A_30, %dma_wait3A_449] : memref<10000x128xbf16, #tpu.memory_space<vmem_shared>> -> memref<100x128xbf16, #tpu.memory_space<vmem_shared>>
      tpu.wait_dma2 semaphore(%run_scoped3A : memref<!tpu.dma_semaphore, #tpu.memory_space<semaphore_mem>>) src(%arg9 : memref<100x128xbf16, #tpu.memory_space<vmem>>) dst(%dma_wait3A_450 : memref<100x128xbf16, #tpu.memory_space<vmem_shared>>)
      tpu.yield
    }) : () -> ()
    %mul3A_31 = arith.constant 10000 : i32
    %mul3A_32 = arith.muli %arg0, %mul3A_31 : i32
    %mul3A_33 = arith.constant 625 : i32
    %mul3A_34 = arith.muli %arg1, %mul3A_33 : i32
    %add3A_35 = arith.addi %mul3A_32, %mul3A_34 : i32
    %add3A_36 = arith.constant 300 : i32
    %add3A_37 = arith.addi %add3A_35, %add3A_36 : i32
    "tpu.region"() ({
      %run_scoped3A = tpu.sem_alloc : memref<!tpu.dma_semaphore, #tpu.memory_space<semaphore_mem>>
      %dma_start3A_443 = arith.constant 0 : i32
      %dma_start3A_444 = tpu.memref_slice %arg4[%add3A_37, %dma_start3A_443] : memref<20000x128xbf16, #tpu.memory_space<hbm>> -> memref<100x128xbf16, #tpu.memory_space<hbm>>
      %dma_start3A_445 = arith.constant 0 : i32
      %dma_start3A_446 = tpu.memref_slice %arg4[%add3A_37, %dma_start3A_445] : memref<20000x128xbf16, #tpu.memory_space<hbm>> -> memref<100x128xbf16, #tpu.memory_space<hbm>>
      tpu.enqueue_dma source(%dma_start3A_446 : memref<100x128xbf16, #tpu.memory_space<hbm>>) target(%arg9 : memref<100x128xbf16, #tpu.memory_space<vmem>>) target_semaphore(%run_scoped3A : memref<!tpu.dma_semaphore, #tpu.memory_space<semaphore_mem>>)
      %dma_wait3A_447 = arith.constant 0 : i32
      %dma_wait3A_448 = tpu.memref_slice %arg4[%add3A_37, %dma_wait3A_447] : memref<20000x128xbf16, #tpu.memory_space<hbm>> -> memref<100x128xbf16, #tpu.memory_space<hbm>>
      %dma_wait3A_449 = arith.constant 0 : i32
      %dma_wait3A_450 = tpu.memref_slice %arg4[%add3A_37, %dma_wait3A_449] : memref<20000x128xbf16, #tpu.memory_space<hbm>> -> memref<100x128xbf16, #tpu.memory_space<hbm>>
      tpu.wait_dma2 semaphore(%run_scoped3A : memref<!tpu.dma_semaphore, #tpu.memory_space<semaphore_mem>>) src(%dma_wait3A_450 : memref<100x128xbf16, #tpu.memory_space<hbm>>) dst(%arg9 : memref<100x128xbf16, #tpu.memory_space<vmem>>)
      tpu.yield
    }) : () -> ()
    %mul3A_38 = arith.constant 625 : i32
    %mul3A_39 = arith.muli %arg1, %mul3A_38 : i32
    %add3A_40 = arith.constant 300 : i32
    %add3A_41 = arith.addi %mul3A_39, %add3A_40 : i32
    "tpu.region"() ({
      %run_scoped3A = tpu.sem_alloc : memref<!tpu.dma_semaphore, #tpu.memory_space<semaphore_mem>>
      %dma_start3A_443 = arith.constant 0 : i32
      %dma_start3A_444 = tpu.memref_slice %arg6[%add3A_41, %dma_start3A_443] : memref<10000x128xbf16, #tpu.memory_space<vmem_shared>> -> memref<100x128xbf16, #tpu.memory_space<vmem_shared>>
      %dma_start3A_445 = arith.constant 0 : i32
      %dma_start3A_446 = tpu.memref_slice %arg6[%add3A_41, %dma_start3A_445] : memref<10000x128xbf16, #tpu.memory_space<vmem_shared>> -> memref<100x128xbf16, #tpu.memory_space<vmem_shared>>
      tpu.enqueue_dma source(%arg9 : memref<100x128xbf16, #tpu.memory_space<vmem>>) target(%dma_start3A_446 : memref<100x128xbf16, #tpu.memory_space<vmem_shared>>) target_semaphore(%run_scoped3A : memref<!tpu.dma_semaphore, #tpu.memory_space<semaphore_mem>>)
      %dma_wait3A_447 = arith.constant 0 : i32
      %dma_wait3A_448 = tpu.memref_slice %arg6[%add3A_41, %dma_wait3A_447] : memref<10000x128xbf16, #tpu.memory_space<vmem_shared>> -> memref<100x128xbf16, #tpu.memory_space<vmem_shared>>
      %dma_wait3A_449 = arith.constant 0 : i32
      %dma_wait3A_450 = tpu.memref_slice %arg6[%add3A_41, %dma_wait3A_449] : memref<10000x128xbf16, #tpu.memory_space<vmem_shared>> -> memref<100x128xbf16, #tpu.memory_space<vmem_shared>>
      tpu.wait_dma2 semaphore(%run_scoped3A : memref<!tpu.dma_semaphore, #tpu.memory_space<semaphore_mem>>) src(%arg9 : memref<100x128xbf16, #tpu.memory_space<vmem>>) dst(%dma_wait3A_450 : memref<100x128xbf16, #tpu.memory_space<vmem_shared>>)
      tpu.yield
    }) : () -> ()
    %mul3A_42 = arith.constant 10000 : i32
    %mul3A_43 = arith.muli %arg0, %mul3A_42 : i32
    %mul3A_44 = arith.constant 625 : i32
    %mul3A_45 = arith.muli %arg1, %mul3A_44 : i32
    %add3A_46 = arith.addi %mul3A_43, %mul3A_45 : i32
    %add3A_47 = arith.constant 400 : i32
    %add3A_48 = arith.addi %add3A_46, %add3A_47 : i32
    "tpu.region"() ({
      %run_scoped3A = tpu.sem_alloc : memref<!tpu.dma_semaphore, #tpu.memory_space<semaphore_mem>>
      %dma_start3A_443 = arith.constant 0 : i32
      %dma_start3A_444 = tpu.memref_slice %arg4[%add3A_48, %dma_start3A_443] : memref<20000x128xbf16, #tpu.memory_space<hbm>> -> memref<100x128xbf16, #tpu.memory_space<hbm>>
      %dma_start3A_445 = arith.constant 0 : i32
      %dma_start3A_446 = tpu.memref_slice %arg4[%add3A_48, %dma_start3A_445] : memref<20000x128xbf16, #tpu.memory_space<hbm>> -> memref<100x128xbf16, #tpu.memory_space<hbm>>
      tpu.enqueue_dma source(%dma_start3A_446 : memref<100x128xbf16, #tpu.memory_space<hbm>>) target(%arg9 : memref<100x128xbf16, #tpu.memory_space<vmem>>) target_semaphore(%run_scoped3A : memref<!tpu.dma_semaphore, #tpu.memory_space<semaphore_mem>>)
      %dma_wait3A_447 = arith.constant 0 : i32
      %dma_wait3A_448 = tpu.memref_slice %arg4[%add3A_48, %dma_wait3A_447] : memref<20000x128xbf16, #tpu.memory_space<hbm>> -> memref<100x128xbf16, #tpu.memory_space<hbm>>
      %dma_wait3A_449 = arith.constant 0 : i32
      %dma_wait3A_450 = tpu.memref_slice %arg4[%add3A_48, %dma_wait3A_449] : memref<20000x128xbf16, #tpu.memory_space<hbm>> -> memref<100x128xbf16, #tpu.memory_space<hbm>>
      tpu.wait_dma2 semaphore(%run_scoped3A : memref<!tpu.dma_semaphore, #tpu.memory_space<semaphore_mem>>) src(%dma_wait3A_450 : memref<100x128xbf16, #tpu.memory_space<hbm>>) dst(%arg9 : memref<100x128xbf16, #tpu.memory_space<vmem>>)
      tpu.yield
    }) : () -> ()
    %mul3A_49 = arith.constant 625 : i32
    %mul3A_50 = arith.muli %arg1, %mul3A_49 : i32
    %add3A_51 = arith.constant 400 : i32
    %add3A_52 = arith.addi %mul3A_50, %add3A_51 : i32
    "tpu.region"() ({
      %run_scoped3A = tpu.sem_alloc : memref<!tpu.dma_semaphore, #tpu.memory_space<semaphore_mem>>
      %dma_start3A_443 = arith.constant 0 : i32
      %dma_start3A_444 = tpu.memref_slice %arg6[%add3A_52, %dma_start3A_443] : memref<10000x128xbf16, #tpu.memory_space<vmem_shared>> -> memref<100x128xbf16, #tpu.memory_space<vmem_shared>>
      %dma_start3A_445 = arith.constant 0 : i32
      %dma_start3A_446 = tpu.memref_slice %arg6[%add3A_52, %dma_start3A_445] : memref<10000x128xbf16, #tpu.memory_space<vmem_shared>> -> memref<100x128xbf16, #tpu.memory_space<vmem_shared>>
      tpu.enqueue_dma source(%arg9 : memref<100x128xbf16, #tpu.memory_space<vmem>>) target(%dma_start3A_446 : memref<100x128xbf16, #tpu.memory_space<vmem_shared>>) target_semaphore(%run_scoped3A : memref<!tpu.dma_semaphore, #tpu.memory_space<semaphore_mem>>)
      %dma_wait3A_447 = arith.constant 0 : i32
      %dma_wait3A_448 = tpu.memref_slice %arg6[%add3A_52, %dma_wait3A_447] : memref<10000x128xbf16, #tpu.memory_space<vmem_shared>> -> memref<100x128xbf16, #tpu.memory_space<vmem_shared>>
      %dma_wait3A_449 = arith.constant 0 : i32
      %dma_wait3A_450 = tpu.memref_slice %arg6[%add3A_52, %dma_wait3A_449] : memref<10000x128xbf16, #tpu.memory_space<vmem_shared>> -> memref<100x128xbf16, #tpu.memory_space<vmem_shared>>
      tpu.wait_dma2 semaphore(%run_scoped3A : memref<!tpu.dma_semaphore, #tpu.memory_space<semaphore_mem>>) src(%arg9 : memref<100x128xbf16, #tpu.memory_space<vmem>>) dst(%dma_wait3A_450 : memref<100x128xbf16, #tpu.memory_space<vmem_shared>>)
      tpu.yield
    }) : () -> ()
    %mul3A_53 = arith.constant 10000 : i32
    %mul3A_54 = arith.muli %arg0, %mul3A_53 : i32
    %mul3A_55 = arith.constant 625 : i32
    %mul3A_56 = arith.muli %arg1, %mul3A_55 : i32
    %add3A_57 = arith.addi %mul3A_54, %mul3A_56 : i32
    %add3A_58 = arith.constant 500 : i32
    %add3A_59 = arith.addi %add3A_57, %add3A_58 : i32
    "tpu.region"() ({
      %run_scoped3A = tpu.sem_alloc : memref<!tpu.dma_semaphore, #tpu.memory_space<semaphore_mem>>
      %dma_start3A_443 = arith.constant 0 : i32
      %dma_start3A_444 = tpu.memref_slice %arg4[%add3A_59, %dma_start3A_443] : memref<20000x128xbf16, #tpu.memory_space<hbm>> -> memref<100x128xbf16, #tpu.memory_space<hbm>>
      %dma_start3A_445 = arith.constant 0 : i32
      %dma_start3A_446 = tpu.memref_slice %arg4[%add3A_59, %dma_start3A_445] : memref<20000x128xbf16, #tpu.memory_space<hbm>> -> memref<100x128xbf16, #tpu.memory_space<hbm>>
      tpu.enqueue_dma source(%dma_start3A_446 : memref<100x128xbf16, #tpu.memory_space<hbm>>) target(%arg9 : memref<100x128xbf16, #tpu.memory_space<vmem>>) target_semaphore(%run_scoped3A : memref<!tpu.dma_semaphore, #tpu.memory_space<semaphore_mem>>)
      %dma_wait3A_447 = arith.constant 0 : i32
      %dma_wait3A_448 = tpu.memref_slice %arg4[%add3A_59, %dma_wait3A_447] : memref<20000x128xbf16, #tpu.memory_space<hbm>> -> memref<100x128xbf16, #tpu.memory_space<hbm>>
      %dma_wait3A_449 = arith.constant 0 : i32
      %dma_wait3A_450 = tpu.memref_slice %arg4[%add3A_59, %dma_wait3A_449] : memref<20000x128xbf16, #tpu.memory_space<hbm>> -> memref<100x128xbf16, #tpu.memory_space<hbm>>
      tpu.wait_dma2 semaphore(%run_scoped3A : memref<!tpu.dma_semaphore, #tpu.memory_space<semaphore_mem>>) src(%dma_wait3A_450 : memref<100x128xbf16, #tpu.memory_space<hbm>>) dst(%arg9 : memref<100x128xbf16, #tpu.memory_space<vmem>>)
      tpu.yield
    }) : () -> ()
    %mul3A_60 = arith.constant 625 : i32
    %mul3A_61 = arith.muli %arg1, %mul3A_60 : i32
    %add3A_62 = arith.constant 500 : i32
    %add3A_63 = arith.addi %mul3A_61, %add3A_62 : i32
    "tpu.region"() ({
      %run_scoped3A = tpu.sem_alloc : memref<!tpu.dma_semaphore, #tpu.memory_space<semaphore_mem>>
      %dma_start3A_443 = arith.constant 0 : i32
      %dma_start3A_444 = tpu.memref_slice %arg6[%add3A_63, %dma_start3A_443] : memref<10000x128xbf16, #tpu.memory_space<vmem_shared>> -> memref<100x128xbf16, #tpu.memory_space<vmem_shared>>
      %dma_start3A_445 = arith.constant 0 : i32
      %dma_start3A_446 = tpu.memref_slice %arg6[%add3A_63, %dma_start3A_445] : memref<10000x128xbf16, #tpu.memory_space<vmem_shared>> -> memref<100x128xbf16, #tpu.memory_space<vmem_shared>>
      tpu.enqueue_dma source(%arg9 : memref<100x128xbf16, #tpu.memory_space<vmem>>) target(%dma_start3A_446 : memref<100x128xbf16, #tpu.memory_space<vmem_shared>>) target_semaphore(%run_scoped3A : memref<!tpu.dma_semaphore, #tpu.memory_space<semaphore_mem>>)
      %dma_wait3A_447 = arith.constant 0 : i32
      %dma_wait3A_448 = tpu.memref_slice %arg6[%add3A_63, %dma_wait3A_447] : memref<10000x128xbf16, #tpu.memory_space<vmem_shared>> -> memref<100x128xbf16, #tpu.memory_space<vmem_shared>>
      %dma_wait3A_449 = arith.constant 0 : i32
      %dma_wait3A_450 = tpu.memref_slice %arg6[%add3A_63, %dma_wait3A_449] : memref<10000x128xbf16, #tpu.memory_space<vmem_shared>> -> memref<100x128xbf16, #tpu.memory_space<vmem_shared>>
      tpu.wait_dma2 semaphore(%run_scoped3A : memref<!tpu.dma_semaphore, #tpu.memory_space<semaphore_mem>>) src(%arg9 : memref<100x128xbf16, #tpu.memory_space<vmem>>) dst(%dma_wait3A_450 : memref<100x128xbf16, #tpu.memory_space<vmem_shared>>)
      tpu.yield
    }) : () -> ()
    %mul3A_64 = arith.constant 10000 : i32
    %mul3A_65 = arith.muli %arg0, %mul3A_64 : i32
    %mul3A_66 = arith.constant 625 : i32
    %mul3A_67 = arith.muli %arg1, %mul3A_66 : i32
    %add3A_68 = arith.addi %mul3A_65, %mul3A_67 : i32
    %add3A_69 = arith.constant 600 : i32
    %add3A_70 = arith.addi %add3A_68, %add3A_69 : i32
    "tpu.region"() ({
      %run_scoped3A = tpu.sem_alloc : memref<!tpu.dma_semaphore, #tpu.memory_space<semaphore_mem>>
      %dma_start3A_443 = arith.constant 0 : i32
      %dma_start3A_444 = arith.constant 0 : i32
      %dma_start3A_445 = tpu.memref_slice %arg9[%dma_start3A_443, %dma_start3A_444] : memref<100x128xbf16, #tpu.memory_space<vmem>> -> memref<25x128xbf16, #tpu.memory_space<vmem>>
      %dma_start3A_446 = arith.constant 0 : i32
      %dma_start3A_447 = tpu.memref_slice %arg4[%add3A_70, %dma_start3A_446] : memref<20000x128xbf16, #tpu.memory_space<hbm>> -> memref<25x128xbf16, #tpu.memory_space<hbm>>
      %dma_start3A_448 = arith.constant 0 : i32
      %dma_start3A_449 = arith.constant 0 : i32
      %dma_start3A_450 = tpu.memref_slice %arg9[%dma_start3A_448, %dma_start3A_449] : memref<100x128xbf16, #tpu.memory_space<vmem>> -> memref<25x128xbf16, #tpu.memory_space<vmem>>
      %dma_start3A_451 = arith.constant 0 : i32
      %dma_start3A_452 = tpu.memref_slice %arg4[%add3A_70, %dma_start3A_451] : memref<20000x128xbf16, #tpu.memory_space<hbm>> -> memref<25x128xbf16, #tpu.memory_space<hbm>>
      tpu.enqueue_dma source(%dma_start3A_452 : memref<25x128xbf16, #tpu.memory_space<hbm>>) target(%dma_start3A_450 : memref<25x128xbf16, #tpu.memory_space<vmem>>) target_semaphore(%run_scoped3A : memref<!tpu.dma_semaphore, #tpu.memory_space<semaphore_mem>>)
      %dma_wait3A_453 = arith.constant 0 : i32
      %dma_wait3A_454 = arith.constant 0 : i32
      %dma_wait3A_455 = tpu.memref_slice %arg9[%dma_wait3A_453, %dma_wait3A_454] : memref<100x128xbf16, #tpu.memory_space<vmem>> -> memref<25x128xbf16, #tpu.memory_space<vmem>>
      %dma_wait3A_456 = arith.constant 0 : i32
      %dma_wait3A_457 = tpu.memref_slice %arg4[%add3A_70, %dma_wait3A_456] : memref<20000x128xbf16, #tpu.memory_space<hbm>> -> memref<25x128xbf16, #tpu.memory_space<hbm>>
      %dma_wait3A_458 = arith.constant 0 : i32
      %dma_wait3A_459 = arith.constant 0 : i32
      %dma_wait3A_460 = tpu.memref_slice %arg9[%dma_wait3A_458, %dma_wait3A_459] : memref<100x128xbf16, #tpu.memory_space<vmem>> -> memref<25x128xbf16, #tpu.memory_space<vmem>>
      %dma_wait3A_461 = arith.constant 0 : i32
      %dma_wait3A_462 = tpu.memref_slice %arg4[%add3A_70, %dma_wait3A_461] : memref<20000x128xbf16, #tpu.memory_space<hbm>> -> memref<25x128xbf16, #tpu.memory_space<hbm>>
      tpu.wait_dma2 semaphore(%run_scoped3A : memref<!tpu.dma_semaphore, #tpu.memory_space<semaphore_mem>>) src(%dma_wait3A_462 : memref<25x128xbf16, #tpu.memory_space<hbm>>) dst(%dma_wait3A_460 : memref<25x128xbf16, #tpu.memory_space<vmem>>)
      tpu.yield
    }) : () -> ()
    %mul3A_71 = arith.constant 625 : i32
    %mul3A_72 = arith.muli %arg1, %mul3A_71 : i32
    %add3A_73 = arith.constant 600 : i32
    %add3A_74 = arith.addi %mul3A_72, %add3A_73 : i32
    "tpu.region"() ({
      %run_scoped3A = tpu.sem_alloc : memref<!tpu.dma_semaphore, #tpu.memory_space<semaphore_mem>>
      %dma_start3A_443 = arith.constant 0 : i32
      %dma_start3A_444 = arith.constant 0 : i32
      %dma_start3A_445 = tpu.memref_slice %arg9[%dma_start3A_443, %dma_start3A_444] : memref<100x128xbf16, #tpu.memory_space<vmem>> -> memref<25x128xbf16, #tpu.memory_space<vmem>>
      %dma_start3A_446 = arith.constant 0 : i32
      %dma_start3A_447 = tpu.memref_slice %arg6[%add3A_74, %dma_start3A_446] : memref<10000x128xbf16, #tpu.memory_space<vmem_shared>> -> memref<25x128xbf16, #tpu.memory_space<vmem_shared>>
      %dma_start3A_448 = arith.constant 0 : i32
      %dma_start3A_449 = tpu.memref_slice %arg6[%add3A_74, %dma_start3A_448] : memref<10000x128xbf16, #tpu.memory_space<vmem_shared>> -> memref<25x128xbf16, #tpu.memory_space<vmem_shared>>
      %dma_start3A_450 = arith.constant 0 : i32
      %dma_start3A_451 = arith.constant 0 : i32
      %dma_start3A_452 = tpu.memref_slice %arg9[%dma_start3A_450, %dma_start3A_451] : memref<100x128xbf16, #tpu.memory_space<vmem>> -> memref<25x128xbf16, #tpu.memory_space<vmem>>
      tpu.enqueue_dma source(%dma_start3A_452 : memref<25x128xbf16, #tpu.memory_space<vmem>>) target(%dma_start3A_449 : memref<25x128xbf16, #tpu.memory_space<vmem_shared>>) target_semaphore(%run_scoped3A : memref<!tpu.dma_semaphore, #tpu.memory_space<semaphore_mem>>)
      %dma_wait3A_453 = arith.constant 0 : i32
      %dma_wait3A_454 = arith.constant 0 : i32
      %dma_wait3A_455 = tpu.memref_slice %arg9[%dma_wait3A_453, %dma_wait3A_454] : memref<100x128xbf16, #tpu.memory_space<vmem>> -> memref<25x128xbf16, #tpu.memory_space<vmem>>
      %dma_wait3A_456 = arith.constant 0 : i32
      %dma_wait3A_457 = tpu.memref_slice %arg6[%add3A_74, %dma_wait3A_456] : memref<10000x128xbf16, #tpu.memory_space<vmem_shared>> -> memref<25x128xbf16, #tpu.memory_space<vmem_shared>>
      %dma_wait3A_458 = arith.constant 0 : i32
      %dma_wait3A_459 = tpu.memref_slice %arg6[%add3A_74, %dma_wait3A_458] : memref<10000x128xbf16, #tpu.memory_space<vmem_shared>> -> memref<25x128xbf16, #tpu.memory_space<vmem_shared>>
      %dma_wait3A_460 = arith.constant 0 : i32
      %dma_wait3A_461 = arith.constant 0 : i32
      %dma_wait3A_462 = tpu.memref_slice %arg9[%dma_wait3A_460, %dma_wait3A_461] : memref<100x128xbf16, #tpu.memory_space<vmem>> -> memref<25x128xbf16, #tpu.memory_space<vmem>>
      tpu.wait_dma2 semaphore(%run_scoped3A : memref<!tpu.dma_semaphore, #tpu.memory_space<semaphore_mem>>) src(%dma_wait3A_462 : memref<25x128xbf16, #tpu.memory_space<vmem>>) dst(%dma_wait3A_459 : memref<25x128xbf16, #tpu.memory_space<vmem_shared>>)
      tpu.yield
    }) : () -> ()
    %mul3A_75 = arith.constant 16 : i32
    %mul3A_76 = arith.muli %arg0, %mul3A_75 : i32
    %add3A_77 = arith.addi %mul3A_76, %arg1 : i32
    %mul3A_78 = arith.constant 100 : i32
    %mul3A_79 = arith.muli %add3A_77, %mul3A_78 : i32
    "tpu.region"() ({
      %run_scoped3A = tpu.sem_alloc : memref<!tpu.dma_semaphore, #tpu.memory_space<semaphore_mem>>
      %dma_start3A_443 = arith.constant 0 : i32
      %dma_start3A_444 = tpu.memref_slice %arg2[%mul3A_79, %dma_start3A_443] : memref<3200x100xi32, #tpu.memory_space<hbm>> -> memref<100x100xi32, #tpu.memory_space<hbm>>
      %dma_start3A_445 = arith.constant 0 : i32
      %dma_start3A_446 = tpu.memref_slice %arg2[%mul3A_79, %dma_start3A_445] : memref<3200x100xi32, #tpu.memory_space<hbm>> -> memref<100x100xi32, #tpu.memory_space<hbm>>
      tpu.enqueue_dma source(%dma_start3A_446 : memref<100x100xi32, #tpu.memory_space<hbm>>) target(%arg7 : memref<100x100xi32, #tpu.memory_space<vmem>>) target_semaphore(%run_scoped3A : memref<!tpu.dma_semaphore, #tpu.memory_space<semaphore_mem>>)
      %dma_wait3A_447 = arith.constant 0 : i32
      %dma_wait3A_448 = tpu.memref_slice %arg2[%mul3A_79, %dma_wait3A_447] : memref<3200x100xi32, #tpu.memory_space<hbm>> -> memref<100x100xi32, #tpu.memory_space<hbm>>
      %dma_wait3A_449 = arith.constant 0 : i32
      %dma_wait3A_450 = tpu.memref_slice %arg2[%mul3A_79, %dma_wait3A_449] : memref<3200x100xi32, #tpu.memory_space<hbm>> -> memref<100x100xi32, #tpu.memory_space<hbm>>
      tpu.wait_dma2 semaphore(%run_scoped3A : memref<!tpu.dma_semaphore, #tpu.memory_space<semaphore_mem>>) src(%dma_wait3A_450 : memref<100x100xi32, #tpu.memory_space<hbm>>) dst(%arg7 : memref<100x100xi32, #tpu.memory_space<vmem>>)
      tpu.yield
    }) : () -> ()
    %mul3A_80 = arith.constant 100 : i32
    %mul3A_81 = arith.muli %arg1, %mul3A_80 : i32
    "tpu.region"() ({
      %run_scoped3A = tpu.sem_alloc : memref<!tpu.dma_semaphore, #tpu.memory_space<semaphore_mem>>
      %dma_start3A_443 = arith.constant 0 : i32
      %dma_start3A_444 = tpu.memref_slice %arg3[%mul3A_81, %dma_start3A_443] : memref<1600x100xi32, #tpu.memory_space<hbm>> -> memref<100x100xi32, #tpu.memory_space<hbm>>
      %dma_start3A_445 = arith.constant 0 : i32
      %dma_start3A_446 = tpu.memref_slice %arg3[%mul3A_81, %dma_start3A_445] : memref<1600x100xi32, #tpu.memory_space<hbm>> -> memref<100x100xi32, #tpu.memory_space<hbm>>
      tpu.enqueue_dma source(%dma_start3A_446 : memref<100x100xi32, #tpu.memory_space<hbm>>) target(%arg8 : memref<100x100xi32, #tpu.memory_space<vmem>>) target_semaphore(%run_scoped3A : memref<!tpu.dma_semaphore, #tpu.memory_space<semaphore_mem>>)
      %dma_wait3A_447 = arith.constant 0 : i32
      %dma_wait3A_448 = tpu.memref_slice %arg3[%mul3A_81, %dma_wait3A_447] : memref<1600x100xi32, #tpu.memory_space<hbm>> -> memref<100x100xi32, #tpu.memory_space<hbm>>
      %dma_wait3A_449 = arith.constant 0 : i32
      %dma_wait3A_450 = tpu.memref_slice %arg3[%mul3A_81, %dma_wait3A_449] : memref<1600x100xi32, #tpu.memory_space<hbm>> -> memref<100x100xi32, #tpu.memory_space<hbm>>
      tpu.wait_dma2 semaphore(%run_scoped3A : memref<!tpu.dma_semaphore, #tpu.memory_space<semaphore_mem>>) src(%dma_wait3A_450 : memref<100x100xi32, #tpu.memory_space<hbm>>) dst(%arg8 : memref<100x100xi32, #tpu.memory_space<vmem>>)
      tpu.yield
    }) : () -> ()
    %dma_start3A = arith.constant 0 : i32
    %dma_start3A_82 = arith.constant 0 : i32
    %dma_start3A_83 = tpu.memref_slice %arg7[%dma_start3A, %dma_start3A_82] : memref<100x100xi32, #tpu.memory_space<vmem>> -> memref<1x100xi32, #tpu.memory_space<vmem>>
    %dma_start3A_84 = tpu.memref_squeeze %dma_start3A_83 : memref<1x100xi32, #tpu.memory_space<vmem>> -> memref<100xi32, #tpu.memory_space<vmem>>
    %dma_start3A_85 = arith.constant 0 : i32
    %dma_start3A_86 = arith.constant 0 : i32
    %dma_start3A_87 = tpu.memref_slice %arg4[%dma_start3A_85, %dma_start3A_86] : memref<20000x128xbf16, #tpu.memory_space<hbm>> -> memref<20000x128xbf16, #tpu.memory_space<hbm>>
    tpu.enqueue_indirect_dma source(%dma_start3A_87 : memref<20000x128xbf16, #tpu.memory_space<hbm>>) target(%arg9 : memref<100x128xbf16, #tpu.memory_space<vmem>>) offsets(%dma_start3A_84 : memref<100xi32, #tpu.memory_space<vmem>>) semaphore(%arg19 : memref<!tpu.dma_semaphore, #tpu.memory_space<semaphore_mem>>)
    %dma_start3A_88 = arith.constant 1 : i32
    %dma_start3A_89 = arith.constant 0 : i32
    %dma_start3A_90 = tpu.memref_slice %arg7[%dma_start3A_88, %dma_start3A_89] : memref<100x100xi32, #tpu.memory_space<vmem>> -> memref<1x100xi32, #tpu.memory_space<vmem>>
    %dma_start3A_91 = tpu.memref_squeeze %dma_start3A_90 : memref<1x100xi32, #tpu.memory_space<vmem>> -> memref<100xi32, #tpu.memory_space<vmem>>
    %dma_start3A_92 = arith.constant 0 : i32
    %dma_start3A_93 = arith.constant 0 : i32
    %dma_start3A_94 = tpu.memref_slice %arg4[%dma_start3A_92, %dma_start3A_93] : memref<20000x128xbf16, #tpu.memory_space<hbm>> -> memref<20000x128xbf16, #tpu.memory_space<hbm>>
    tpu.enqueue_indirect_dma source(%dma_start3A_94 : memref<20000x128xbf16, #tpu.memory_space<hbm>>) target(%arg10 : memref<100x128xbf16, #tpu.memory_space<vmem>>) offsets(%dma_start3A_91 : memref<100xi32, #tpu.memory_space<vmem>>) semaphore(%arg20 : memref<!tpu.dma_semaphore, #tpu.memory_space<semaphore_mem>>)
    %dma_start3A_95 = arith.constant 2 : i32
    %dma_start3A_96 = arith.constant 0 : i32
    %dma_start3A_97 = tpu.memref_slice %arg7[%dma_start3A_95, %dma_start3A_96] : memref<100x100xi32, #tpu.memory_space<vmem>> -> memref<1x100xi32, #tpu.memory_space<vmem>>
    %dma_start3A_98 = tpu.memref_squeeze %dma_start3A_97 : memref<1x100xi32, #tpu.memory_space<vmem>> -> memref<100xi32, #tpu.memory_space<vmem>>
    %dma_start3A_99 = arith.constant 0 : i32
    %dma_start3A_100 = arith.constant 0 : i32
    %dma_start3A_101 = tpu.memref_slice %arg4[%dma_start3A_99, %dma_start3A_100] : memref<20000x128xbf16, #tpu.memory_space<hbm>> -> memref<20000x128xbf16, #tpu.memory_space<hbm>>
    tpu.enqueue_indirect_dma source(%dma_start3A_101 : memref<20000x128xbf16, #tpu.memory_space<hbm>>) target(%arg11 : memref<100x128xbf16, #tpu.memory_space<vmem>>) offsets(%dma_start3A_98 : memref<100xi32, #tpu.memory_space<vmem>>) semaphore(%arg21 : memref<!tpu.dma_semaphore, #tpu.memory_space<semaphore_mem>>)
    %dma_start3A_102 = arith.constant 3 : i32
    %dma_start3A_103 = arith.constant 0 : i32
    %dma_start3A_104 = tpu.memref_slice %arg7[%dma_start3A_102, %dma_start3A_103] : memref<100x100xi32, #tpu.memory_space<vmem>> -> memref<1x100xi32, #tpu.memory_space<vmem>>
    %dma_start3A_105 = tpu.memref_squeeze %dma_start3A_104 : memref<1x100xi32, #tpu.memory_space<vmem>> -> memref<100xi32, #tpu.memory_space<vmem>>
    %dma_start3A_106 = arith.constant 0 : i32
    %dma_start3A_107 = arith.constant 0 : i32
    %dma_start3A_108 = tpu.memref_slice %arg4[%dma_start3A_106, %dma_start3A_107] : memref<20000x128xbf16, #tpu.memory_space<hbm>> -> memref<20000x128xbf16, #tpu.memory_space<hbm>>
    tpu.enqueue_indirect_dma source(%dma_start3A_108 : memref<20000x128xbf16, #tpu.memory_space<hbm>>) target(%arg12 : memref<100x128xbf16, #tpu.memory_space<vmem>>) offsets(%dma_start3A_105 : memref<100xi32, #tpu.memory_space<vmem>>) semaphore(%arg22 : memref<!tpu.dma_semaphore, #tpu.memory_space<semaphore_mem>>)
    %dma_start3A_109 = arith.constant 4 : i32
    %dma_start3A_110 = arith.constant 0 : i32
    %dma_start3A_111 = tpu.memref_slice %arg7[%dma_start3A_109, %dma_start3A_110] : memref<100x100xi32, #tpu.memory_space<vmem>> -> memref<1x100xi32, #tpu.memory_space<vmem>>
    %dma_start3A_112 = tpu.memref_squeeze %dma_start3A_111 : memref<1x100xi32, #tpu.memory_space<vmem>> -> memref<100xi32, #tpu.memory_space<vmem>>
    %dma_start3A_113 = arith.constant 0 : i32
    %dma_start3A_114 = arith.constant 0 : i32
    %dma_start3A_115 = tpu.memref_slice %arg4[%dma_start3A_113, %dma_start3A_114] : memref<20000x128xbf16, #tpu.memory_space<hbm>> -> memref<20000x128xbf16, #tpu.memory_space<hbm>>
    tpu.enqueue_indirect_dma source(%dma_start3A_115 : memref<20000x128xbf16, #tpu.memory_space<hbm>>) target(%arg13 : memref<100x128xbf16, #tpu.memory_space<vmem>>) offsets(%dma_start3A_112 : memref<100xi32, #tpu.memory_space<vmem>>) semaphore(%arg23 : memref<!tpu.dma_semaphore, #tpu.memory_space<semaphore_mem>>)
    %dma_start3A_116 = arith.constant 5 : i32
    %dma_start3A_117 = arith.constant 0 : i32
    %dma_start3A_118 = tpu.memref_slice %arg7[%dma_start3A_116, %dma_start3A_117] : memref<100x100xi32, #tpu.memory_space<vmem>> -> memref<1x100xi32, #tpu.memory_space<vmem>>
    %dma_start3A_119 = tpu.memref_squeeze %dma_start3A_118 : memref<1x100xi32, #tpu.memory_space<vmem>> -> memref<100xi32, #tpu.memory_space<vmem>>
    %dma_start3A_120 = arith.constant 0 : i32
    %dma_start3A_121 = arith.constant 0 : i32
    %dma_start3A_122 = tpu.memref_slice %arg4[%dma_start3A_120, %dma_start3A_121] : memref<20000x128xbf16, #tpu.memory_space<hbm>> -> memref<20000x128xbf16, #tpu.memory_space<hbm>>
    tpu.enqueue_indirect_dma source(%dma_start3A_122 : memref<20000x128xbf16, #tpu.memory_space<hbm>>) target(%arg14 : memref<100x128xbf16, #tpu.memory_space<vmem>>) offsets(%dma_start3A_119 : memref<100xi32, #tpu.memory_space<vmem>>) semaphore(%arg24 : memref<!tpu.dma_semaphore, #tpu.memory_space<semaphore_mem>>)
    %dma_start3A_123 = arith.constant 6 : i32
    %dma_start3A_124 = arith.constant 0 : i32
    %dma_start3A_125 = tpu.memref_slice %arg7[%dma_start3A_123, %dma_start3A_124] : memref<100x100xi32, #tpu.memory_space<vmem>> -> memref<1x100xi32, #tpu.memory_space<vmem>>
    %dma_start3A_126 = tpu.memref_squeeze %dma_start3A_125 : memref<1x100xi32, #tpu.memory_space<vmem>> -> memref<100xi32, #tpu.memory_space<vmem>>
    %dma_start3A_127 = arith.constant 0 : i32
    %dma_start3A_128 = arith.constant 0 : i32
    %dma_start3A_129 = tpu.memref_slice %arg4[%dma_start3A_127, %dma_start3A_128] : memref<20000x128xbf16, #tpu.memory_space<hbm>> -> memref<20000x128xbf16, #tpu.memory_space<hbm>>
    tpu.enqueue_indirect_dma source(%dma_start3A_129 : memref<20000x128xbf16, #tpu.memory_space<hbm>>) target(%arg15 : memref<100x128xbf16, #tpu.memory_space<vmem>>) offsets(%dma_start3A_126 : memref<100xi32, #tpu.memory_space<vmem>>) semaphore(%arg25 : memref<!tpu.dma_semaphore, #tpu.memory_space<semaphore_mem>>)
    %dma_start3A_130 = arith.constant 7 : i32
    %dma_start3A_131 = arith.constant 0 : i32
    %dma_start3A_132 = tpu.memref_slice %arg7[%dma_start3A_130, %dma_start3A_131] : memref<100x100xi32, #tpu.memory_space<vmem>> -> memref<1x100xi32, #tpu.memory_space<vmem>>
    %dma_start3A_133 = tpu.memref_squeeze %dma_start3A_132 : memref<1x100xi32, #tpu.memory_space<vmem>> -> memref<100xi32, #tpu.memory_space<vmem>>
    %dma_start3A_134 = arith.constant 0 : i32
    %dma_start3A_135 = arith.constant 0 : i32
    %dma_start3A_136 = tpu.memref_slice %arg4[%dma_start3A_134, %dma_start3A_135] : memref<20000x128xbf16, #tpu.memory_space<hbm>> -> memref<20000x128xbf16, #tpu.memory_space<hbm>>
    tpu.enqueue_indirect_dma source(%dma_start3A_136 : memref<20000x128xbf16, #tpu.memory_space<hbm>>) target(%arg16 : memref<100x128xbf16, #tpu.memory_space<vmem>>) offsets(%dma_start3A_133 : memref<100xi32, #tpu.memory_space<vmem>>) semaphore(%arg26 : memref<!tpu.dma_semaphore, #tpu.memory_space<semaphore_mem>>)
    %barrier3A = arith.constant 0 : index
    tpu.barrier barrier_id(%barrier3A)
    %dma_wait3A = arith.constant 0 : i32
    %dma_wait3A_137 = arith.constant 0 : i32
    %dma_wait3A_138 = tpu.memref_slice %arg7[%dma_wait3A, %dma_wait3A_137] : memref<100x100xi32, #tpu.memory_space<vmem>> -> memref<1x100xi32, #tpu.memory_space<vmem>>
    %dma_wait3A_139 = tpu.memref_squeeze %dma_wait3A_138 : memref<1x100xi32, #tpu.memory_space<vmem>> -> memref<100xi32, #tpu.memory_space<vmem>>
    %dma_wait3A_140 = arith.constant 0 : i32
    %dma_wait3A_141 = arith.constant 0 : i32
    %dma_wait3A_142 = tpu.memref_slice %arg4[%dma_wait3A_140, %dma_wait3A_141] : memref<20000x128xbf16, #tpu.memory_space<hbm>> -> memref<20000x128xbf16, #tpu.memory_space<hbm>>
    tpu.wait_indirect_dma semaphore(%arg19 : memref<!tpu.dma_semaphore, #tpu.memory_space<semaphore_mem>>) src(%dma_wait3A_142 : memref<20000x128xbf16, #tpu.memory_space<hbm>>) dst(%arg9 : memref<100x128xbf16, #tpu.memory_space<vmem>>)
    %dma_start3A_143 = arith.constant 0 : i32
    %dma_start3A_144 = arith.constant 0 : i32
    %dma_start3A_145 = tpu.memref_slice %arg8[%dma_start3A_143, %dma_start3A_144] : memref<100x100xi32, #tpu.memory_space<vmem>> -> memref<1x100xi32, #tpu.memory_space<vmem>>
    %dma_start3A_146 = tpu.memref_squeeze %dma_start3A_145 : memref<1x100xi32, #tpu.memory_space<vmem>> -> memref<100xi32, #tpu.memory_space<vmem>>
    %dma_start3A_147 = arith.constant 0 : i32
    %dma_start3A_148 = arith.constant 0 : i32
    %dma_start3A_149 = tpu.memref_slice %arg6[%dma_start3A_147, %dma_start3A_148] : memref<10000x128xbf16, #tpu.memory_space<vmem_shared>> -> memref<10000x128xbf16, #tpu.memory_space<vmem_shared>>
    tpu.enqueue_indirect_dma source(%arg9 : memref<100x128xbf16, #tpu.memory_space<vmem>>) target(%dma_start3A_149 : memref<10000x128xbf16, #tpu.memory_space<vmem_shared>>) offsets(%dma_start3A_146 : memref<100xi32, #tpu.memory_space<vmem>>) semaphore(%arg29 : memref<!tpu.dma_semaphore, #tpu.memory_space<semaphore_mem>>) {add = true}
    %dma_start3A_150 = arith.constant 8 : i32
    %dma_start3A_151 = arith.constant 0 : i32
    %dma_start3A_152 = tpu.memref_slice %arg7[%dma_start3A_150, %dma_start3A_151] : memref<100x100xi32, #tpu.memory_space<vmem>> -> memref<1x100xi32, #tpu.memory_space<vmem>>
    %dma_start3A_153 = tpu.memref_squeeze %dma_start3A_152 : memref<1x100xi32, #tpu.memory_space<vmem>> -> memref<100xi32, #tpu.memory_space<vmem>>
    %dma_start3A_154 = arith.constant 0 : i32
    %dma_start3A_155 = arith.constant 0 : i32
    %dma_start3A_156 = tpu.memref_slice %arg4[%dma_start3A_154, %dma_start3A_155] : memref<20000x128xbf16, #tpu.memory_space<hbm>> -> memref<20000x128xbf16, #tpu.memory_space<hbm>>
    tpu.enqueue_indirect_dma source(%dma_start3A_156 : memref<20000x128xbf16, #tpu.memory_space<hbm>>) target(%arg17 : memref<100x128xbf16, #tpu.memory_space<vmem>>) offsets(%dma_start3A_153 : memref<100xi32, #tpu.memory_space<vmem>>) semaphore(%arg27 : memref<!tpu.dma_semaphore, #tpu.memory_space<semaphore_mem>>)
    %dma_wait3A_157 = arith.constant 1 : i32
    %dma_wait3A_158 = arith.constant 0 : i32
    %dma_wait3A_159 = tpu.memref_slice %arg7[%dma_wait3A_157, %dma_wait3A_158] : memref<100x100xi32, #tpu.memory_space<vmem>> -> memref<1x100xi32, #tpu.memory_space<vmem>>
    %dma_wait3A_160 = tpu.memref_squeeze %dma_wait3A_159 : memref<1x100xi32, #tpu.memory_space<vmem>> -> memref<100xi32, #tpu.memory_space<vmem>>
    %dma_wait3A_161 = arith.constant 0 : i32
    %dma_wait3A_162 = arith.constant 0 : i32
    %dma_wait3A_163 = tpu.memref_slice %arg4[%dma_wait3A_161, %dma_wait3A_162] : memref<20000x128xbf16, #tpu.memory_space<hbm>> -> memref<20000x128xbf16, #tpu.memory_space<hbm>>
    tpu.wait_indirect_dma semaphore(%arg20 : memref<!tpu.dma_semaphore, #tpu.memory_space<semaphore_mem>>) src(%dma_wait3A_163 : memref<20000x128xbf16, #tpu.memory_space<hbm>>) dst(%arg10 : memref<100x128xbf16, #tpu.memory_space<vmem>>)
    %dma_start3A_164 = arith.constant 1 : i32
    %dma_start3A_165 = arith.constant 0 : i32
    %dma_start3A_166 = tpu.memref_slice %arg8[%dma_start3A_164, %dma_start3A_165] : memref<100x100xi32, #tpu.memory_space<vmem>> -> memref<1x100xi32, #tpu.memory_space<vmem>>
    %dma_start3A_167 = tpu.memref_squeeze %dma_start3A_166 : memref<1x100xi32, #tpu.memory_space<vmem>> -> memref<100xi32, #tpu.memory_space<vmem>>
    %dma_start3A_168 = arith.constant 0 : i32
    %dma_start3A_169 = arith.constant 0 : i32
    %dma_start3A_170 = tpu.memref_slice %arg6[%dma_start3A_168, %dma_start3A_169] : memref<10000x128xbf16, #tpu.memory_space<vmem_shared>> -> memref<10000x128xbf16, #tpu.memory_space<vmem_shared>>
    tpu.enqueue_indirect_dma source(%arg10 : memref<100x128xbf16, #tpu.memory_space<vmem>>) target(%dma_start3A_170 : memref<10000x128xbf16, #tpu.memory_space<vmem_shared>>) offsets(%dma_start3A_167 : memref<100xi32, #tpu.memory_space<vmem>>) semaphore(%arg30 : memref<!tpu.dma_semaphore, #tpu.memory_space<semaphore_mem>>) {add = true}
    %dma_start3A_171 = arith.constant 9 : i32
    %dma_start3A_172 = arith.constant 0 : i32
    %dma_start3A_173 = tpu.memref_slice %arg7[%dma_start3A_171, %dma_start3A_172] : memref<100x100xi32, #tpu.memory_space<vmem>> -> memref<1x100xi32, #tpu.memory_space<vmem>>
    %dma_start3A_174 = tpu.memref_squeeze %dma_start3A_173 : memref<1x100xi32, #tpu.memory_space<vmem>> -> memref<100xi32, #tpu.memory_space<vmem>>
    %dma_start3A_175 = arith.constant 0 : i32
    %dma_start3A_176 = arith.constant 0 : i32
    %dma_start3A_177 = tpu.memref_slice %arg4[%dma_start3A_175, %dma_start3A_176] : memref<20000x128xbf16, #tpu.memory_space<hbm>> -> memref<20000x128xbf16, #tpu.memory_space<hbm>>
    tpu.enqueue_indirect_dma source(%dma_start3A_177 : memref<20000x128xbf16, #tpu.memory_space<hbm>>) target(%arg18 : memref<100x128xbf16, #tpu.memory_space<vmem>>) offsets(%dma_start3A_174 : memref<100xi32, #tpu.memory_space<vmem>>) semaphore(%arg28 : memref<!tpu.dma_semaphore, #tpu.memory_space<semaphore_mem>>)
    %scan3A = arith.constant 0 : i32
    %scan3A_178 = arith.constant 0 : i32
    %scan3A_179 = arith.constant 9 : i32
    %scan3A_180 = arith.addi %scan3A_178, %scan3A_179 : i32
    %scan3A_181 = arith.constant 1 : i32
    scf.for %scan3A_443 = %scan3A_178 to %scan3A_180 step %scan3A_181  : i32 {
      %mul3A_444 = arith.constant 10 : i32
      %mul3A_445 = arith.muli %mul3A_444, %scan3A_443 : i32
      %add3A_446 = arith.constant 0 : i32
      %add3A_447 = arith.addi %mul3A_445, %add3A_446 : i32
      %add3A_448 = arith.constant 2 : i32
      %add3A_449 = arith.addi %add3A_447, %add3A_448 : i32
      %dma_wait3A_450 = arith.constant 0 : i32
      %dma_wait3A_451 = tpu.memref_slice %arg7[%add3A_449, %dma_wait3A_450] : memref<100x100xi32, #tpu.memory_space<vmem>> -> memref<1x100xi32, #tpu.memory_space<vmem>>
      %dma_wait3A_452 = tpu.memref_squeeze %dma_wait3A_451 : memref<1x100xi32, #tpu.memory_space<vmem>> -> memref<100xi32, #tpu.memory_space<vmem>>
      %dma_wait3A_453 = arith.constant 0 : i32
      %dma_wait3A_454 = arith.constant 0 : i32
      %dma_wait3A_455 = tpu.memref_slice %arg4[%dma_wait3A_453, %dma_wait3A_454] : memref<20000x128xbf16, #tpu.memory_space<hbm>> -> memref<20000x128xbf16, #tpu.memory_space<hbm>>
      tpu.wait_indirect_dma semaphore(%arg21 : memref<!tpu.dma_semaphore, #tpu.memory_space<semaphore_mem>>) src(%dma_wait3A_455 : memref<20000x128xbf16, #tpu.memory_space<hbm>>) dst(%arg11 : memref<100x128xbf16, #tpu.memory_space<vmem>>)
      %dma_start3A_456 = arith.constant 0 : i32
      %dma_start3A_457 = tpu.memref_slice %arg8[%add3A_449, %dma_start3A_456] : memref<100x100xi32, #tpu.memory_space<vmem>> -> memref<1x100xi32, #tpu.memory_space<vmem>>
      %dma_start3A_458 = tpu.memref_squeeze %dma_start3A_457 : memref<1x100xi32, #tpu.memory_space<vmem>> -> memref<100xi32, #tpu.memory_space<vmem>>
      %dma_start3A_459 = arith.constant 0 : i32
      %dma_start3A_460 = arith.constant 0 : i32
      %dma_start3A_461 = tpu.memref_slice %arg6[%dma_start3A_459, %dma_start3A_460] : memref<10000x128xbf16, #tpu.memory_space<vmem_shared>> -> memref<10000x128xbf16, #tpu.memory_space<vmem_shared>>
      tpu.enqueue_indirect_dma source(%arg11 : memref<100x128xbf16, #tpu.memory_space<vmem>>) target(%dma_start3A_461 : memref<10000x128xbf16, #tpu.memory_space<vmem_shared>>) offsets(%dma_start3A_458 : memref<100xi32, #tpu.memory_space<vmem>>) semaphore(%arg31 : memref<!tpu.dma_semaphore, #tpu.memory_space<semaphore_mem>>) {add = true}
      %sub3A = arith.constant 2 : i32
      %sub3A_462 = arith.subi %add3A_449, %sub3A : i32
      %dma_wait3A_463 = arith.constant 0 : i32
      %dma_wait3A_464 = tpu.memref_slice %arg8[%sub3A_462, %dma_wait3A_463] : memref<100x100xi32, #tpu.memory_space<vmem>> -> memref<1x100xi32, #tpu.memory_space<vmem>>
      %dma_wait3A_465 = tpu.memref_squeeze %dma_wait3A_464 : memref<1x100xi32, #tpu.memory_space<vmem>> -> memref<100xi32, #tpu.memory_space<vmem>>
      %dma_wait3A_466 = arith.constant 0 : i32
      %dma_wait3A_467 = arith.constant 0 : i32
      %dma_wait3A_468 = tpu.memref_slice %arg6[%dma_wait3A_466, %dma_wait3A_467] : memref<10000x128xbf16, #tpu.memory_space<vmem_shared>> -> memref<10000x128xbf16, #tpu.memory_space<vmem_shared>>
      tpu.wait_indirect_dma semaphore(%arg29 : memref<!tpu.dma_semaphore, #tpu.memory_space<semaphore_mem>>) src(%arg9 : memref<100x128xbf16, #tpu.memory_space<vmem>>) dst(%dma_wait3A_468 : memref<10000x128xbf16, #tpu.memory_space<vmem_shared>>)
      %add3A_469 = arith.constant 8 : i32
      %add3A_470 = arith.addi %add3A_449, %add3A_469 : i32
      %dma_start3A_471 = arith.constant 0 : i32
      %dma_start3A_472 = tpu.memref_slice %arg7[%add3A_470, %dma_start3A_471] : memref<100x100xi32, #tpu.memory_space<vmem>> -> memref<1x100xi32, #tpu.memory_space<vmem>>
      %dma_start3A_473 = tpu.memref_squeeze %dma_start3A_472 : memref<1x100xi32, #tpu.memory_space<vmem>> -> memref<100xi32, #tpu.memory_space<vmem>>
      %dma_start3A_474 = arith.constant 0 : i32
      %dma_start3A_475 = arith.constant 0 : i32
      %dma_start3A_476 = tpu.memref_slice %arg4[%dma_start3A_474, %dma_start3A_475] : memref<20000x128xbf16, #tpu.memory_space<hbm>> -> memref<20000x128xbf16, #tpu.memory_space<hbm>>
      tpu.enqueue_indirect_dma source(%dma_start3A_476 : memref<20000x128xbf16, #tpu.memory_space<hbm>>) target(%arg9 : memref<100x128xbf16, #tpu.memory_space<vmem>>) offsets(%dma_start3A_473 : memref<100xi32, #tpu.memory_space<vmem>>) semaphore(%arg19 : memref<!tpu.dma_semaphore, #tpu.memory_space<semaphore_mem>>)
      %mul3A_477 = arith.constant 10 : i32
      %mul3A_478 = arith.muli %mul3A_477, %scan3A_443 : i32
      %add3A_479 = arith.constant 1 : i32
      %add3A_480 = arith.addi %mul3A_478, %add3A_479 : i32
      %add3A_481 = arith.constant 2 : i32
      %add3A_482 = arith.addi %add3A_480, %add3A_481 : i32
      %dma_wait3A_483 = arith.constant 0 : i32
      %dma_wait3A_484 = tpu.memref_slice %arg7[%add3A_482, %dma_wait3A_483] : memref<100x100xi32, #tpu.memory_space<vmem>> -> memref<1x100xi32, #tpu.memory_space<vmem>>
      %dma_wait3A_485 = tpu.memref_squeeze %dma_wait3A_484 : memref<1x100xi32, #tpu.memory_space<vmem>> -> memref<100xi32, #tpu.memory_space<vmem>>
      %dma_wait3A_486 = arith.constant 0 : i32
      %dma_wait3A_487 = arith.constant 0 : i32
      %dma_wait3A_488 = tpu.memref_slice %arg4[%dma_wait3A_486, %dma_wait3A_487] : memref<20000x128xbf16, #tpu.memory_space<hbm>> -> memref<20000x128xbf16, #tpu.memory_space<hbm>>
      tpu.wait_indirect_dma semaphore(%arg22 : memref<!tpu.dma_semaphore, #tpu.memory_space<semaphore_mem>>) src(%dma_wait3A_488 : memref<20000x128xbf16, #tpu.memory_space<hbm>>) dst(%arg12 : memref<100x128xbf16, #tpu.memory_space<vmem>>)
      %dma_start3A_489 = arith.constant 0 : i32
      %dma_start3A_490 = tpu.memref_slice %arg8[%add3A_482, %dma_start3A_489] : memref<100x100xi32, #tpu.memory_space<vmem>> -> memref<1x100xi32, #tpu.memory_space<vmem>>
      %dma_start3A_491 = tpu.memref_squeeze %dma_start3A_490 : memref<1x100xi32, #tpu.memory_space<vmem>> -> memref<100xi32, #tpu.memory_space<vmem>>
      %dma_start3A_492 = arith.constant 0 : i32
      %dma_start3A_493 = arith.constant 0 : i32
      %dma_start3A_494 = tpu.memref_slice %arg6[%dma_start3A_492, %dma_start3A_493] : memref<10000x128xbf16, #tpu.memory_space<vmem_shared>> -> memref<10000x128xbf16, #tpu.memory_space<vmem_shared>>
      tpu.enqueue_indirect_dma source(%arg12 : memref<100x128xbf16, #tpu.memory_space<vmem>>) target(%dma_start3A_494 : memref<10000x128xbf16, #tpu.memory_space<vmem_shared>>) offsets(%dma_start3A_491 : memref<100xi32, #tpu.memory_space<vmem>>) semaphore(%arg32 : memref<!tpu.dma_semaphore, #tpu.memory_space<semaphore_mem>>) {add = true}
      %sub3A_495 = arith.constant 2 : i32
      %sub3A_496 = arith.subi %add3A_482, %sub3A_495 : i32
      %dma_wait3A_497 = arith.constant 0 : i32
      %dma_wait3A_498 = tpu.memref_slice %arg8[%sub3A_496, %dma_wait3A_497] : memref<100x100xi32, #tpu.memory_space<vmem>> -> memref<1x100xi32, #tpu.memory_space<vmem>>
      %dma_wait3A_499 = tpu.memref_squeeze %dma_wait3A_498 : memref<1x100xi32, #tpu.memory_space<vmem>> -> memref<100xi32, #tpu.memory_space<vmem>>
      %dma_wait3A_500 = arith.constant 0 : i32
      %dma_wait3A_501 = arith.constant 0 : i32
      %dma_wait3A_502 = tpu.memref_slice %arg6[%dma_wait3A_500, %dma_wait3A_501] : memref<10000x128xbf16, #tpu.memory_space<vmem_shared>> -> memref<10000x128xbf16, #tpu.memory_space<vmem_shared>>
      tpu.wait_indirect_dma semaphore(%arg30 : memref<!tpu.dma_semaphore, #tpu.memory_space<semaphore_mem>>) src(%arg10 : memref<100x128xbf16, #tpu.memory_space<vmem>>) dst(%dma_wait3A_502 : memref<10000x128xbf16, #tpu.memory_space<vmem_shared>>)
      %add3A_503 = arith.constant 8 : i32
      %add3A_504 = arith.addi %add3A_482, %add3A_503 : i32
      %dma_start3A_505 = arith.constant 0 : i32
      %dma_start3A_506 = tpu.memref_slice %arg7[%add3A_504, %dma_start3A_505] : memref<100x100xi32, #tpu.memory_space<vmem>> -> memref<1x100xi32, #tpu.memory_space<vmem>>
      %dma_start3A_507 = tpu.memref_squeeze %dma_start3A_506 : memref<1x100xi32, #tpu.memory_space<vmem>> -> memref<100xi32, #tpu.memory_space<vmem>>
      %dma_start3A_508 = arith.constant 0 : i32
      %dma_start3A_509 = arith.constant 0 : i32
      %dma_start3A_510 = tpu.memref_slice %arg4[%dma_start3A_508, %dma_start3A_509] : memref<20000x128xbf16, #tpu.memory_space<hbm>> -> memref<20000x128xbf16, #tpu.memory_space<hbm>>
      tpu.enqueue_indirect_dma source(%dma_start3A_510 : memref<20000x128xbf16, #tpu.memory_space<hbm>>) target(%arg10 : memref<100x128xbf16, #tpu.memory_space<vmem>>) offsets(%dma_start3A_507 : memref<100xi32, #tpu.memory_space<vmem>>) semaphore(%arg20 : memref<!tpu.dma_semaphore, #tpu.memory_space<semaphore_mem>>)
      %mul3A_511 = arith.constant 10 : i32
      %mul3A_512 = arith.muli %mul3A_511, %scan3A_443 : i32
      %add3A_513 = arith.constant 2 : i32
      %add3A_514 = arith.addi %mul3A_512, %add3A_513 : i32
      %add3A_515 = arith.constant 2 : i32
      %add3A_516 = arith.addi %add3A_514, %add3A_515 : i32
      %dma_wait3A_517 = arith.constant 0 : i32
      %dma_wait3A_518 = tpu.memref_slice %arg7[%add3A_516, %dma_wait3A_517] : memref<100x100xi32, #tpu.memory_space<vmem>> -> memref<1x100xi32, #tpu.memory_space<vmem>>
      %dma_wait3A_519 = tpu.memref_squeeze %dma_wait3A_518 : memref<1x100xi32, #tpu.memory_space<vmem>> -> memref<100xi32, #tpu.memory_space<vmem>>
      %dma_wait3A_520 = arith.constant 0 : i32
      %dma_wait3A_521 = arith.constant 0 : i32
      %dma_wait3A_522 = tpu.memref_slice %arg4[%dma_wait3A_520, %dma_wait3A_521] : memref<20000x128xbf16, #tpu.memory_space<hbm>> -> memref<20000x128xbf16, #tpu.memory_space<hbm>>
      tpu.wait_indirect_dma semaphore(%arg23 : memref<!tpu.dma_semaphore, #tpu.memory_space<semaphore_mem>>) src(%dma_wait3A_522 : memref<20000x128xbf16, #tpu.memory_space<hbm>>) dst(%arg13 : memref<100x128xbf16, #tpu.memory_space<vmem>>)
      %dma_start3A_523 = arith.constant 0 : i32
      %dma_start3A_524 = tpu.memref_slice %arg8[%add3A_516, %dma_start3A_523] : memref<100x100xi32, #tpu.memory_space<vmem>> -> memref<1x100xi32, #tpu.memory_space<vmem>>
      %dma_start3A_525 = tpu.memref_squeeze %dma_start3A_524 : memref<1x100xi32, #tpu.memory_space<vmem>> -> memref<100xi32, #tpu.memory_space<vmem>>
      %dma_start3A_526 = arith.constant 0 : i32
      %dma_start3A_527 = arith.constant 0 : i32
      %dma_start3A_528 = tpu.memref_slice %arg6[%dma_start3A_526, %dma_start3A_527] : memref<10000x128xbf16, #tpu.memory_space<vmem_shared>> -> memref<10000x128xbf16, #tpu.memory_space<vmem_shared>>
      tpu.enqueue_indirect_dma source(%arg13 : memref<100x128xbf16, #tpu.memory_space<vmem>>) target(%dma_start3A_528 : memref<10000x128xbf16, #tpu.memory_space<vmem_shared>>) offsets(%dma_start3A_525 : memref<100xi32, #tpu.memory_space<vmem>>) semaphore(%arg33 : memref<!tpu.dma_semaphore, #tpu.memory_space<semaphore_mem>>) {add = true}
      %sub3A_529 = arith.constant 2 : i32
      %sub3A_530 = arith.subi %add3A_516, %sub3A_529 : i32
      %dma_wait3A_531 = arith.constant 0 : i32
      %dma_wait3A_532 = tpu.memref_slice %arg8[%sub3A_530, %dma_wait3A_531] : memref<100x100xi32, #tpu.memory_space<vmem>> -> memref<1x100xi32, #tpu.memory_space<vmem>>
      %dma_wait3A_533 = tpu.memref_squeeze %dma_wait3A_532 : memref<1x100xi32, #tpu.memory_space<vmem>> -> memref<100xi32, #tpu.memory_space<vmem>>
      %dma_wait3A_534 = arith.constant 0 : i32
      %dma_wait3A_535 = arith.constant 0 : i32
      %dma_wait3A_536 = tpu.memref_slice %arg6[%dma_wait3A_534, %dma_wait3A_535] : memref<10000x128xbf16, #tpu.memory_space<vmem_shared>> -> memref<10000x128xbf16, #tpu.memory_space<vmem_shared>>
      tpu.wait_indirect_dma semaphore(%arg31 : memref<!tpu.dma_semaphore, #tpu.memory_space<semaphore_mem>>) src(%arg11 : memref<100x128xbf16, #tpu.memory_space<vmem>>) dst(%dma_wait3A_536 : memref<10000x128xbf16, #tpu.memory_space<vmem_shared>>)
      %add3A_537 = arith.constant 8 : i32
      %add3A_538 = arith.addi %add3A_516, %add3A_537 : i32
      %dma_start3A_539 = arith.constant 0 : i32
      %dma_start3A_540 = tpu.memref_slice %arg7[%add3A_538, %dma_start3A_539] : memref<100x100xi32, #tpu.memory_space<vmem>> -> memref<1x100xi32, #tpu.memory_space<vmem>>
      %dma_start3A_541 = tpu.memref_squeeze %dma_start3A_540 : memref<1x100xi32, #tpu.memory_space<vmem>> -> memref<100xi32, #tpu.memory_space<vmem>>
      %dma_start3A_542 = arith.constant 0 : i32
      %dma_start3A_543 = arith.constant 0 : i32
      %dma_start3A_544 = tpu.memref_slice %arg4[%dma_start3A_542, %dma_start3A_543] : memref<20000x128xbf16, #tpu.memory_space<hbm>> -> memref<20000x128xbf16, #tpu.memory_space<hbm>>
      tpu.enqueue_indirect_dma source(%dma_start3A_544 : memref<20000x128xbf16, #tpu.memory_space<hbm>>) target(%arg11 : memref<100x128xbf16, #tpu.memory_space<vmem>>) offsets(%dma_start3A_541 : memref<100xi32, #tpu.memory_space<vmem>>) semaphore(%arg21 : memref<!tpu.dma_semaphore, #tpu.memory_space<semaphore_mem>>)
      %mul3A_545 = arith.constant 10 : i32
      %mul3A_546 = arith.muli %mul3A_545, %scan3A_443 : i32
      %add3A_547 = arith.constant 3 : i32
      %add3A_548 = arith.addi %mul3A_546, %add3A_547 : i32
      %add3A_549 = arith.constant 2 : i32
      %add3A_550 = arith.addi %add3A_548, %add3A_549 : i32
      %dma_wait3A_551 = arith.constant 0 : i32
      %dma_wait3A_552 = tpu.memref_slice %arg7[%add3A_550, %dma_wait3A_551] : memref<100x100xi32, #tpu.memory_space<vmem>> -> memref<1x100xi32, #tpu.memory_space<vmem>>
      %dma_wait3A_553 = tpu.memref_squeeze %dma_wait3A_552 : memref<1x100xi32, #tpu.memory_space<vmem>> -> memref<100xi32, #tpu.memory_space<vmem>>
      %dma_wait3A_554 = arith.constant 0 : i32
      %dma_wait3A_555 = arith.constant 0 : i32
      %dma_wait3A_556 = tpu.memref_slice %arg4[%dma_wait3A_554, %dma_wait3A_555] : memref<20000x128xbf16, #tpu.memory_space<hbm>> -> memref<20000x128xbf16, #tpu.memory_space<hbm>>
      tpu.wait_indirect_dma semaphore(%arg24 : memref<!tpu.dma_semaphore, #tpu.memory_space<semaphore_mem>>) src(%dma_wait3A_556 : memref<20000x128xbf16, #tpu.memory_space<hbm>>) dst(%arg14 : memref<100x128xbf16, #tpu.memory_space<vmem>>)
      %dma_start3A_557 = arith.constant 0 : i32
      %dma_start3A_558 = tpu.memref_slice %arg8[%add3A_550, %dma_start3A_557] : memref<100x100xi32, #tpu.memory_space<vmem>> -> memref<1x100xi32, #tpu.memory_space<vmem>>
      %dma_start3A_559 = tpu.memref_squeeze %dma_start3A_558 : memref<1x100xi32, #tpu.memory_space<vmem>> -> memref<100xi32, #tpu.memory_space<vmem>>
      %dma_start3A_560 = arith.constant 0 : i32
      %dma_start3A_561 = arith.constant 0 : i32
      %dma_start3A_562 = tpu.memref_slice %arg6[%dma_start3A_560, %dma_start3A_561] : memref<10000x128xbf16, #tpu.memory_space<vmem_shared>> -> memref<10000x128xbf16, #tpu.memory_space<vmem_shared>>
      tpu.enqueue_indirect_dma source(%arg14 : memref<100x128xbf16, #tpu.memory_space<vmem>>) target(%dma_start3A_562 : memref<10000x128xbf16, #tpu.memory_space<vmem_shared>>) offsets(%dma_start3A_559 : memref<100xi32, #tpu.memory_space<vmem>>) semaphore(%arg34 : memref<!tpu.dma_semaphore, #tpu.memory_space<semaphore_mem>>) {add = true}
      %sub3A_563 = arith.constant 2 : i32
      %sub3A_564 = arith.subi %add3A_550, %sub3A_563 : i32
      %dma_wait3A_565 = arith.constant 0 : i32
      %dma_wait3A_566 = tpu.memref_slice %arg8[%sub3A_564, %dma_wait3A_565] : memref<100x100xi32, #tpu.memory_space<vmem>> -> memref<1x100xi32, #tpu.memory_space<vmem>>
      %dma_wait3A_567 = tpu.memref_squeeze %dma_wait3A_566 : memref<1x100xi32, #tpu.memory_space<vmem>> -> memref<100xi32, #tpu.memory_space<vmem>>
      %dma_wait3A_568 = arith.constant 0 : i32
      %dma_wait3A_569 = arith.constant 0 : i32
      %dma_wait3A_570 = tpu.memref_slice %arg6[%dma_wait3A_568, %dma_wait3A_569] : memref<10000x128xbf16, #tpu.memory_space<vmem_shared>> -> memref<10000x128xbf16, #tpu.memory_space<vmem_shared>>
      tpu.wait_indirect_dma semaphore(%arg32 : memref<!tpu.dma_semaphore, #tpu.memory_space<semaphore_mem>>) src(%arg12 : memref<100x128xbf16, #tpu.memory_space<vmem>>) dst(%dma_wait3A_570 : memref<10000x128xbf16, #tpu.memory_space<vmem_shared>>)
      %add3A_571 = arith.constant 8 : i32
      %add3A_572 = arith.addi %add3A_550, %add3A_571 : i32
      %dma_start3A_573 = arith.constant 0 : i32
      %dma_start3A_574 = tpu.memref_slice %arg7[%add3A_572, %dma_start3A_573] : memref<100x100xi32, #tpu.memory_space<vmem>> -> memref<1x100xi32, #tpu.memory_space<vmem>>
      %dma_start3A_575 = tpu.memref_squeeze %dma_start3A_574 : memref<1x100xi32, #tpu.memory_space<vmem>> -> memref<100xi32, #tpu.memory_space<vmem>>
      %dma_start3A_576 = arith.constant 0 : i32
      %dma_start3A_577 = arith.constant 0 : i32
      %dma_start3A_578 = tpu.memref_slice %arg4[%dma_start3A_576, %dma_start3A_577] : memref<20000x128xbf16, #tpu.memory_space<hbm>> -> memref<20000x128xbf16, #tpu.memory_space<hbm>>
      tpu.enqueue_indirect_dma source(%dma_start3A_578 : memref<20000x128xbf16, #tpu.memory_space<hbm>>) target(%arg12 : memref<100x128xbf16, #tpu.memory_space<vmem>>) offsets(%dma_start3A_575 : memref<100xi32, #tpu.memory_space<vmem>>) semaphore(%arg22 : memref<!tpu.dma_semaphore, #tpu.memory_space<semaphore_mem>>)
      %mul3A_579 = arith.constant 10 : i32
      %mul3A_580 = arith.muli %mul3A_579, %scan3A_443 : i32
      %add3A_581 = arith.constant 4 : i32
      %add3A_582 = arith.addi %mul3A_580, %add3A_581 : i32
      %add3A_583 = arith.constant 2 : i32
      %add3A_584 = arith.addi %add3A_582, %add3A_583 : i32
      %dma_wait3A_585 = arith.constant 0 : i32
      %dma_wait3A_586 = tpu.memref_slice %arg7[%add3A_584, %dma_wait3A_585] : memref<100x100xi32, #tpu.memory_space<vmem>> -> memref<1x100xi32, #tpu.memory_space<vmem>>
      %dma_wait3A_587 = tpu.memref_squeeze %dma_wait3A_586 : memref<1x100xi32, #tpu.memory_space<vmem>> -> memref<100xi32, #tpu.memory_space<vmem>>
      %dma_wait3A_588 = arith.constant 0 : i32
      %dma_wait3A_589 = arith.constant 0 : i32
      %dma_wait3A_590 = tpu.memref_slice %arg4[%dma_wait3A_588, %dma_wait3A_589] : memref<20000x128xbf16, #tpu.memory_space<hbm>> -> memref<20000x128xbf16, #tpu.memory_space<hbm>>
      tpu.wait_indirect_dma semaphore(%arg25 : memref<!tpu.dma_semaphore, #tpu.memory_space<semaphore_mem>>) src(%dma_wait3A_590 : memref<20000x128xbf16, #tpu.memory_space<hbm>>) dst(%arg15 : memref<100x128xbf16, #tpu.memory_space<vmem>>)
      %dma_start3A_591 = arith.constant 0 : i32
      %dma_start3A_592 = tpu.memref_slice %arg8[%add3A_584, %dma_start3A_591] : memref<100x100xi32, #tpu.memory_space<vmem>> -> memref<1x100xi32, #tpu.memory_space<vmem>>
      %dma_start3A_593 = tpu.memref_squeeze %dma_start3A_592 : memref<1x100xi32, #tpu.memory_space<vmem>> -> memref<100xi32, #tpu.memory_space<vmem>>
      %dma_start3A_594 = arith.constant 0 : i32
      %dma_start3A_595 = arith.constant 0 : i32
      %dma_start3A_596 = tpu.memref_slice %arg6[%dma_start3A_594, %dma_start3A_595] : memref<10000x128xbf16, #tpu.memory_space<vmem_shared>> -> memref<10000x128xbf16, #tpu.memory_space<vmem_shared>>
      tpu.enqueue_indirect_dma source(%arg15 : memref<100x128xbf16, #tpu.memory_space<vmem>>) target(%dma_start3A_596 : memref<10000x128xbf16, #tpu.memory_space<vmem_shared>>) offsets(%dma_start3A_593 : memref<100xi32, #tpu.memory_space<vmem>>) semaphore(%arg35 : memref<!tpu.dma_semaphore, #tpu.memory_space<semaphore_mem>>) {add = true}
      %sub3A_597 = arith.constant 2 : i32
      %sub3A_598 = arith.subi %add3A_584, %sub3A_597 : i32
      %dma_wait3A_599 = arith.constant 0 : i32
      %dma_wait3A_600 = tpu.memref_slice %arg8[%sub3A_598, %dma_wait3A_599] : memref<100x100xi32, #tpu.memory_space<vmem>> -> memref<1x100xi32, #tpu.memory_space<vmem>>
      %dma_wait3A_601 = tpu.memref_squeeze %dma_wait3A_600 : memref<1x100xi32, #tpu.memory_space<vmem>> -> memref<100xi32, #tpu.memory_space<vmem>>
      %dma_wait3A_602 = arith.constant 0 : i32
      %dma_wait3A_603 = arith.constant 0 : i32
      %dma_wait3A_604 = tpu.memref_slice %arg6[%dma_wait3A_602, %dma_wait3A_603] : memref<10000x128xbf16, #tpu.memory_space<vmem_shared>> -> memref<10000x128xbf16, #tpu.memory_space<vmem_shared>>
      tpu.wait_indirect_dma semaphore(%arg33 : memref<!tpu.dma_semaphore, #tpu.memory_space<semaphore_mem>>) src(%arg13 : memref<100x128xbf16, #tpu.memory_space<vmem>>) dst(%dma_wait3A_604 : memref<10000x128xbf16, #tpu.memory_space<vmem_shared>>)
      %add3A_605 = arith.constant 8 : i32
      %add3A_606 = arith.addi %add3A_584, %add3A_605 : i32
      %dma_start3A_607 = arith.constant 0 : i32
      %dma_start3A_608 = tpu.memref_slice %arg7[%add3A_606, %dma_start3A_607] : memref<100x100xi32, #tpu.memory_space<vmem>> -> memref<1x100xi32, #tpu.memory_space<vmem>>
      %dma_start3A_609 = tpu.memref_squeeze %dma_start3A_608 : memref<1x100xi32, #tpu.memory_space<vmem>> -> memref<100xi32, #tpu.memory_space<vmem>>
      %dma_start3A_610 = arith.constant 0 : i32
      %dma_start3A_611 = arith.constant 0 : i32
      %dma_start3A_612 = tpu.memref_slice %arg4[%dma_start3A_610, %dma_start3A_611] : memref<20000x128xbf16, #tpu.memory_space<hbm>> -> memref<20000x128xbf16, #tpu.memory_space<hbm>>
      tpu.enqueue_indirect_dma source(%dma_start3A_612 : memref<20000x128xbf16, #tpu.memory_space<hbm>>) target(%arg13 : memref<100x128xbf16, #tpu.memory_space<vmem>>) offsets(%dma_start3A_609 : memref<100xi32, #tpu.memory_space<vmem>>) semaphore(%arg23 : memref<!tpu.dma_semaphore, #tpu.memory_space<semaphore_mem>>)
      %mul3A_613 = arith.constant 10 : i32
      %mul3A_614 = arith.muli %mul3A_613, %scan3A_443 : i32
      %add3A_615 = arith.constant 5 : i32
      %add3A_616 = arith.addi %mul3A_614, %add3A_615 : i32
      %add3A_617 = arith.constant 2 : i32
      %add3A_618 = arith.addi %add3A_616, %add3A_617 : i32
      %dma_wait3A_619 = arith.constant 0 : i32
      %dma_wait3A_620 = tpu.memref_slice %arg7[%add3A_618, %dma_wait3A_619] : memref<100x100xi32, #tpu.memory_space<vmem>> -> memref<1x100xi32, #tpu.memory_space<vmem>>
      %dma_wait3A_621 = tpu.memref_squeeze %dma_wait3A_620 : memref<1x100xi32, #tpu.memory_space<vmem>> -> memref<100xi32, #tpu.memory_space<vmem>>
      %dma_wait3A_622 = arith.constant 0 : i32
      %dma_wait3A_623 = arith.constant 0 : i32
      %dma_wait3A_624 = tpu.memref_slice %arg4[%dma_wait3A_622, %dma_wait3A_623] : memref<20000x128xbf16, #tpu.memory_space<hbm>> -> memref<20000x128xbf16, #tpu.memory_space<hbm>>
      tpu.wait_indirect_dma semaphore(%arg26 : memref<!tpu.dma_semaphore, #tpu.memory_space<semaphore_mem>>) src(%dma_wait3A_624 : memref<20000x128xbf16, #tpu.memory_space<hbm>>) dst(%arg16 : memref<100x128xbf16, #tpu.memory_space<vmem>>)
      %dma_start3A_625 = arith.constant 0 : i32
      %dma_start3A_626 = tpu.memref_slice %arg8[%add3A_618, %dma_start3A_625] : memref<100x100xi32, #tpu.memory_space<vmem>> -> memref<1x100xi32, #tpu.memory_space<vmem>>
      %dma_start3A_627 = tpu.memref_squeeze %dma_start3A_626 : memref<1x100xi32, #tpu.memory_space<vmem>> -> memref<100xi32, #tpu.memory_space<vmem>>
      %dma_start3A_628 = arith.constant 0 : i32
      %dma_start3A_629 = arith.constant 0 : i32
      %dma_start3A_630 = tpu.memref_slice %arg6[%dma_start3A_628, %dma_start3A_629] : memref<10000x128xbf16, #tpu.memory_space<vmem_shared>> -> memref<10000x128xbf16, #tpu.memory_space<vmem_shared>>
      tpu.enqueue_indirect_dma source(%arg16 : memref<100x128xbf16, #tpu.memory_space<vmem>>) target(%dma_start3A_630 : memref<10000x128xbf16, #tpu.memory_space<vmem_shared>>) offsets(%dma_start3A_627 : memref<100xi32, #tpu.memory_space<vmem>>) semaphore(%arg36 : memref<!tpu.dma_semaphore, #tpu.memory_space<semaphore_mem>>) {add = true}
      %sub3A_631 = arith.constant 2 : i32
      %sub3A_632 = arith.subi %add3A_618, %sub3A_631 : i32
      %dma_wait3A_633 = arith.constant 0 : i32
      %dma_wait3A_634 = tpu.memref_slice %arg8[%sub3A_632, %dma_wait3A_633] : memref<100x100xi32, #tpu.memory_space<vmem>> -> memref<1x100xi32, #tpu.memory_space<vmem>>
      %dma_wait3A_635 = tpu.memref_squeeze %dma_wait3A_634 : memref<1x100xi32, #tpu.memory_space<vmem>> -> memref<100xi32, #tpu.memory_space<vmem>>
      %dma_wait3A_636 = arith.constant 0 : i32
      %dma_wait3A_637 = arith.constant 0 : i32
      %dma_wait3A_638 = tpu.memref_slice %arg6[%dma_wait3A_636, %dma_wait3A_637] : memref<10000x128xbf16, #tpu.memory_space<vmem_shared>> -> memref<10000x128xbf16, #tpu.memory_space<vmem_shared>>
      tpu.wait_indirect_dma semaphore(%arg34 : memref<!tpu.dma_semaphore, #tpu.memory_space<semaphore_mem>>) src(%arg14 : memref<100x128xbf16, #tpu.memory_space<vmem>>) dst(%dma_wait3A_638 : memref<10000x128xbf16, #tpu.memory_space<vmem_shared>>)
      %add3A_639 = arith.constant 8 : i32
      %add3A_640 = arith.addi %add3A_618, %add3A_639 : i32
      %dma_start3A_641 = arith.constant 0 : i32
      %dma_start3A_642 = tpu.memref_slice %arg7[%add3A_640, %dma_start3A_641] : memref<100x100xi32, #tpu.memory_space<vmem>> -> memref<1x100xi32, #tpu.memory_space<vmem>>
      %dma_start3A_643 = tpu.memref_squeeze %dma_start3A_642 : memref<1x100xi32, #tpu.memory_space<vmem>> -> memref<100xi32, #tpu.memory_space<vmem>>
      %dma_start3A_644 = arith.constant 0 : i32
      %dma_start3A_645 = arith.constant 0 : i32
      %dma_start3A_646 = tpu.memref_slice %arg4[%dma_start3A_644, %dma_start3A_645] : memref<20000x128xbf16, #tpu.memory_space<hbm>> -> memref<20000x128xbf16, #tpu.memory_space<hbm>>
      tpu.enqueue_indirect_dma source(%dma_start3A_646 : memref<20000x128xbf16, #tpu.memory_space<hbm>>) target(%arg14 : memref<100x128xbf16, #tpu.memory_space<vmem>>) offsets(%dma_start3A_643 : memref<100xi32, #tpu.memory_space<vmem>>) semaphore(%arg24 : memref<!tpu.dma_semaphore, #tpu.memory_space<semaphore_mem>>)
      %mul3A_647 = arith.constant 10 : i32
      %mul3A_648 = arith.muli %mul3A_647, %scan3A_443 : i32
      %add3A_649 = arith.constant 6 : i32
      %add3A_650 = arith.addi %mul3A_648, %add3A_649 : i32
      %add3A_651 = arith.constant 2 : i32
      %add3A_652 = arith.addi %add3A_650, %add3A_651 : i32
      %dma_wait3A_653 = arith.constant 0 : i32
      %dma_wait3A_654 = tpu.memref_slice %arg7[%add3A_652, %dma_wait3A_653] : memref<100x100xi32, #tpu.memory_space<vmem>> -> memref<1x100xi32, #tpu.memory_space<vmem>>
      %dma_wait3A_655 = tpu.memref_squeeze %dma_wait3A_654 : memref<1x100xi32, #tpu.memory_space<vmem>> -> memref<100xi32, #tpu.memory_space<vmem>>
      %dma_wait3A_656 = arith.constant 0 : i32
      %dma_wait3A_657 = arith.constant 0 : i32
      %dma_wait3A_658 = tpu.memref_slice %arg4[%dma_wait3A_656, %dma_wait3A_657] : memref<20000x128xbf16, #tpu.memory_space<hbm>> -> memref<20000x128xbf16, #tpu.memory_space<hbm>>
      tpu.wait_indirect_dma semaphore(%arg27 : memref<!tpu.dma_semaphore, #tpu.memory_space<semaphore_mem>>) src(%dma_wait3A_658 : memref<20000x128xbf16, #tpu.memory_space<hbm>>) dst(%arg17 : memref<100x128xbf16, #tpu.memory_space<vmem>>)
      %dma_start3A_659 = arith.constant 0 : i32
      %dma_start3A_660 = tpu.memref_slice %arg8[%add3A_652, %dma_start3A_659] : memref<100x100xi32, #tpu.memory_space<vmem>> -> memref<1x100xi32, #tpu.memory_space<vmem>>
      %dma_start3A_661 = tpu.memref_squeeze %dma_start3A_660 : memref<1x100xi32, #tpu.memory_space<vmem>> -> memref<100xi32, #tpu.memory_space<vmem>>
      %dma_start3A_662 = arith.constant 0 : i32
      %dma_start3A_663 = arith.constant 0 : i32
      %dma_start3A_664 = tpu.memref_slice %arg6[%dma_start3A_662, %dma_start3A_663] : memref<10000x128xbf16, #tpu.memory_space<vmem_shared>> -> memref<10000x128xbf16, #tpu.memory_space<vmem_shared>>
      tpu.enqueue_indirect_dma source(%arg17 : memref<100x128xbf16, #tpu.memory_space<vmem>>) target(%dma_start3A_664 : memref<10000x128xbf16, #tpu.memory_space<vmem_shared>>) offsets(%dma_start3A_661 : memref<100xi32, #tpu.memory_space<vmem>>) semaphore(%arg37 : memref<!tpu.dma_semaphore, #tpu.memory_space<semaphore_mem>>) {add = true}
      %sub3A_665 = arith.constant 2 : i32
      %sub3A_666 = arith.subi %add3A_652, %sub3A_665 : i32
      %dma_wait3A_667 = arith.constant 0 : i32
      %dma_wait3A_668 = tpu.memref_slice %arg8[%sub3A_666, %dma_wait3A_667] : memref<100x100xi32, #tpu.memory_space<vmem>> -> memref<1x100xi32, #tpu.memory_space<vmem>>
      %dma_wait3A_669 = tpu.memref_squeeze %dma_wait3A_668 : memref<1x100xi32, #tpu.memory_space<vmem>> -> memref<100xi32, #tpu.memory_space<vmem>>
      %dma_wait3A_670 = arith.constant 0 : i32
      %dma_wait3A_671 = arith.constant 0 : i32
      %dma_wait3A_672 = tpu.memref_slice %arg6[%dma_wait3A_670, %dma_wait3A_671] : memref<10000x128xbf16, #tpu.memory_space<vmem_shared>> -> memref<10000x128xbf16, #tpu.memory_space<vmem_shared>>
      tpu.wait_indirect_dma semaphore(%arg35 : memref<!tpu.dma_semaphore, #tpu.memory_space<semaphore_mem>>) src(%arg15 : memref<100x128xbf16, #tpu.memory_space<vmem>>) dst(%dma_wait3A_672 : memref<10000x128xbf16, #tpu.memory_space<vmem_shared>>)
      %add3A_673 = arith.constant 8 : i32
      %add3A_674 = arith.addi %add3A_652, %add3A_673 : i32
      %dma_start3A_675 = arith.constant 0 : i32
      %dma_start3A_676 = tpu.memref_slice %arg7[%add3A_674, %dma_start3A_675] : memref<100x100xi32, #tpu.memory_space<vmem>> -> memref<1x100xi32, #tpu.memory_space<vmem>>
      %dma_start3A_677 = tpu.memref_squeeze %dma_start3A_676 : memref<1x100xi32, #tpu.memory_space<vmem>> -> memref<100xi32, #tpu.memory_space<vmem>>
      %dma_start3A_678 = arith.constant 0 : i32
      %dma_start3A_679 = arith.constant 0 : i32
      %dma_start3A_680 = tpu.memref_slice %arg4[%dma_start3A_678, %dma_start3A_679] : memref<20000x128xbf16, #tpu.memory_space<hbm>> -> memref<20000x128xbf16, #tpu.memory_space<hbm>>
      tpu.enqueue_indirect_dma source(%dma_start3A_680 : memref<20000x128xbf16, #tpu.memory_space<hbm>>) target(%arg15 : memref<100x128xbf16, #tpu.memory_space<vmem>>) offsets(%dma_start3A_677 : memref<100xi32, #tpu.memory_space<vmem>>) semaphore(%arg25 : memref<!tpu.dma_semaphore, #tpu.memory_space<semaphore_mem>>)
      %mul3A_681 = arith.constant 10 : i32
      %mul3A_682 = arith.muli %mul3A_681, %scan3A_443 : i32
      %add3A_683 = arith.constant 7 : i32
      %add3A_684 = arith.addi %mul3A_682, %add3A_683 : i32
      %add3A_685 = arith.constant 2 : i32
      %add3A_686 = arith.addi %add3A_684, %add3A_685 : i32
      %dma_wait3A_687 = arith.constant 0 : i32
      %dma_wait3A_688 = tpu.memref_slice %arg7[%add3A_686, %dma_wait3A_687] : memref<100x100xi32, #tpu.memory_space<vmem>> -> memref<1x100xi32, #tpu.memory_space<vmem>>
      %dma_wait3A_689 = tpu.memref_squeeze %dma_wait3A_688 : memref<1x100xi32, #tpu.memory_space<vmem>> -> memref<100xi32, #tpu.memory_space<vmem>>
      %dma_wait3A_690 = arith.constant 0 : i32
      %dma_wait3A_691 = arith.constant 0 : i32
      %dma_wait3A_692 = tpu.memref_slice %arg4[%dma_wait3A_690, %dma_wait3A_691] : memref<20000x128xbf16, #tpu.memory_space<hbm>> -> memref<20000x128xbf16, #tpu.memory_space<hbm>>
      tpu.wait_indirect_dma semaphore(%arg28 : memref<!tpu.dma_semaphore, #tpu.memory_space<semaphore_mem>>) src(%dma_wait3A_692 : memref<20000x128xbf16, #tpu.memory_space<hbm>>) dst(%arg18 : memref<100x128xbf16, #tpu.memory_space<vmem>>)
      %dma_start3A_693 = arith.constant 0 : i32
      %dma_start3A_694 = tpu.memref_slice %arg8[%add3A_686, %dma_start3A_693] : memref<100x100xi32, #tpu.memory_space<vmem>> -> memref<1x100xi32, #tpu.memory_space<vmem>>
      %dma_start3A_695 = tpu.memref_squeeze %dma_start3A_694 : memref<1x100xi32, #tpu.memory_space<vmem>> -> memref<100xi32, #tpu.memory_space<vmem>>
      %dma_start3A_696 = arith.constant 0 : i32
      %dma_start3A_697 = arith.constant 0 : i32
      %dma_start3A_698 = tpu.memref_slice %arg6[%dma_start3A_696, %dma_start3A_697] : memref<10000x128xbf16, #tpu.memory_space<vmem_shared>> -> memref<10000x128xbf16, #tpu.memory_space<vmem_shared>>
      tpu.enqueue_indirect_dma source(%arg18 : memref<100x128xbf16, #tpu.memory_space<vmem>>) target(%dma_start3A_698 : memref<10000x128xbf16, #tpu.memory_space<vmem_shared>>) offsets(%dma_start3A_695 : memref<100xi32, #tpu.memory_space<vmem>>) semaphore(%arg38 : memref<!tpu.dma_semaphore, #tpu.memory_space<semaphore_mem>>) {add = true}
      %sub3A_699 = arith.constant 2 : i32
      %sub3A_700 = arith.subi %add3A_686, %sub3A_699 : i32
      %dma_wait3A_701 = arith.constant 0 : i32
      %dma_wait3A_702 = tpu.memref_slice %arg8[%sub3A_700, %dma_wait3A_701] : memref<100x100xi32, #tpu.memory_space<vmem>> -> memref<1x100xi32, #tpu.memory_space<vmem>>
      %dma_wait3A_703 = tpu.memref_squeeze %dma_wait3A_702 : memref<1x100xi32, #tpu.memory_space<vmem>> -> memref<100xi32, #tpu.memory_space<vmem>>
      %dma_wait3A_704 = arith.constant 0 : i32
      %dma_wait3A_705 = arith.constant 0 : i32
      %dma_wait3A_706 = tpu.memref_slice %arg6[%dma_wait3A_704, %dma_wait3A_705] : memref<10000x128xbf16, #tpu.memory_space<vmem_shared>> -> memref<10000x128xbf16, #tpu.memory_space<vmem_shared>>
      tpu.wait_indirect_dma semaphore(%arg36 : memref<!tpu.dma_semaphore, #tpu.memory_space<semaphore_mem>>) src(%arg16 : memref<100x128xbf16, #tpu.memory_space<vmem>>) dst(%dma_wait3A_706 : memref<10000x128xbf16, #tpu.memory_space<vmem_shared>>)
      %add3A_707 = arith.constant 8 : i32
      %add3A_708 = arith.addi %add3A_686, %add3A_707 : i32
      %dma_start3A_709 = arith.constant 0 : i32
      %dma_start3A_710 = tpu.memref_slice %arg7[%add3A_708, %dma_start3A_709] : memref<100x100xi32, #tpu.memory_space<vmem>> -> memref<1x100xi32, #tpu.memory_space<vmem>>
      %dma_start3A_711 = tpu.memref_squeeze %dma_start3A_710 : memref<1x100xi32, #tpu.memory_space<vmem>> -> memref<100xi32, #tpu.memory_space<vmem>>
      %dma_start3A_712 = arith.constant 0 : i32
      %dma_start3A_713 = arith.constant 0 : i32
      %dma_start3A_714 = tpu.memref_slice %arg4[%dma_start3A_712, %dma_start3A_713] : memref<20000x128xbf16, #tpu.memory_space<hbm>> -> memref<20000x128xbf16, #tpu.memory_space<hbm>>
      tpu.enqueue_indirect_dma source(%dma_start3A_714 : memref<20000x128xbf16, #tpu.memory_space<hbm>>) target(%arg16 : memref<100x128xbf16, #tpu.memory_space<vmem>>) offsets(%dma_start3A_711 : memref<100xi32, #tpu.memory_space<vmem>>) semaphore(%arg26 : memref<!tpu.dma_semaphore, #tpu.memory_space<semaphore_mem>>)
      %mul3A_715 = arith.constant 10 : i32
      %mul3A_716 = arith.muli %mul3A_715, %scan3A_443 : i32
      %add3A_717 = arith.constant 8 : i32
      %add3A_718 = arith.addi %mul3A_716, %add3A_717 : i32
      %add3A_719 = arith.constant 2 : i32
      %add3A_720 = arith.addi %add3A_718, %add3A_719 : i32
      %dma_wait3A_721 = arith.constant 0 : i32
      %dma_wait3A_722 = tpu.memref_slice %arg7[%add3A_720, %dma_wait3A_721] : memref<100x100xi32, #tpu.memory_space<vmem>> -> memref<1x100xi32, #tpu.memory_space<vmem>>
      %dma_wait3A_723 = tpu.memref_squeeze %dma_wait3A_722 : memref<1x100xi32, #tpu.memory_space<vmem>> -> memref<100xi32, #tpu.memory_space<vmem>>
      %dma_wait3A_724 = arith.constant 0 : i32
      %dma_wait3A_725 = arith.constant 0 : i32
      %dma_wait3A_726 = tpu.memref_slice %arg4[%dma_wait3A_724, %dma_wait3A_725] : memref<20000x128xbf16, #tpu.memory_space<hbm>> -> memref<20000x128xbf16, #tpu.memory_space<hbm>>
      tpu.wait_indirect_dma semaphore(%arg19 : memref<!tpu.dma_semaphore, #tpu.memory_space<semaphore_mem>>) src(%dma_wait3A_726 : memref<20000x128xbf16, #tpu.memory_space<hbm>>) dst(%arg9 : memref<100x128xbf16, #tpu.memory_space<vmem>>)
      %dma_start3A_727 = arith.constant 0 : i32
      %dma_start3A_728 = tpu.memref_slice %arg8[%add3A_720, %dma_start3A_727] : memref<100x100xi32, #tpu.memory_space<vmem>> -> memref<1x100xi32, #tpu.memory_space<vmem>>
      %dma_start3A_729 = tpu.memref_squeeze %dma_start3A_728 : memref<1x100xi32, #tpu.memory_space<vmem>> -> memref<100xi32, #tpu.memory_space<vmem>>
      %dma_start3A_730 = arith.constant 0 : i32
      %dma_start3A_731 = arith.constant 0 : i32
      %dma_start3A_732 = tpu.memref_slice %arg6[%dma_start3A_730, %dma_start3A_731] : memref<10000x128xbf16, #tpu.memory_space<vmem_shared>> -> memref<10000x128xbf16, #tpu.memory_space<vmem_shared>>
      tpu.enqueue_indirect_dma source(%arg9 : memref<100x128xbf16, #tpu.memory_space<vmem>>) target(%dma_start3A_732 : memref<10000x128xbf16, #tpu.memory_space<vmem_shared>>) offsets(%dma_start3A_729 : memref<100xi32, #tpu.memory_space<vmem>>) semaphore(%arg29 : memref<!tpu.dma_semaphore, #tpu.memory_space<semaphore_mem>>) {add = true}
      %sub3A_733 = arith.constant 2 : i32
      %sub3A_734 = arith.subi %add3A_720, %sub3A_733 : i32
      %dma_wait3A_735 = arith.constant 0 : i32
      %dma_wait3A_736 = tpu.memref_slice %arg8[%sub3A_734, %dma_wait3A_735] : memref<100x100xi32, #tpu.memory_space<vmem>> -> memref<1x100xi32, #tpu.memory_space<vmem>>
      %dma_wait3A_737 = tpu.memref_squeeze %dma_wait3A_736 : memref<1x100xi32, #tpu.memory_space<vmem>> -> memref<100xi32, #tpu.memory_space<vmem>>
      %dma_wait3A_738 = arith.constant 0 : i32
      %dma_wait3A_739 = arith.constant 0 : i32
      %dma_wait3A_740 = tpu.memref_slice %arg6[%dma_wait3A_738, %dma_wait3A_739] : memref<10000x128xbf16, #tpu.memory_space<vmem_shared>> -> memref<10000x128xbf16, #tpu.memory_space<vmem_shared>>
      tpu.wait_indirect_dma semaphore(%arg37 : memref<!tpu.dma_semaphore, #tpu.memory_space<semaphore_mem>>) src(%arg17 : memref<100x128xbf16, #tpu.memory_space<vmem>>) dst(%dma_wait3A_740 : memref<10000x128xbf16, #tpu.memory_space<vmem_shared>>)
      %add3A_741 = arith.constant 8 : i32
      %add3A_742 = arith.addi %add3A_720, %add3A_741 : i32
      %dma_start3A_743 = arith.constant 0 : i32
      %dma_start3A_744 = tpu.memref_slice %arg7[%add3A_742, %dma_start3A_743] : memref<100x100xi32, #tpu.memory_space<vmem>> -> memref<1x100xi32, #tpu.memory_space<vmem>>
      %dma_start3A_745 = tpu.memref_squeeze %dma_start3A_744 : memref<1x100xi32, #tpu.memory_space<vmem>> -> memref<100xi32, #tpu.memory_space<vmem>>
      %dma_start3A_746 = arith.constant 0 : i32
      %dma_start3A_747 = arith.constant 0 : i32
      %dma_start3A_748 = tpu.memref_slice %arg4[%dma_start3A_746, %dma_start3A_747] : memref<20000x128xbf16, #tpu.memory_space<hbm>> -> memref<20000x128xbf16, #tpu.memory_space<hbm>>
      tpu.enqueue_indirect_dma source(%dma_start3A_748 : memref<20000x128xbf16, #tpu.memory_space<hbm>>) target(%arg17 : memref<100x128xbf16, #tpu.memory_space<vmem>>) offsets(%dma_start3A_745 : memref<100xi32, #tpu.memory_space<vmem>>) semaphore(%arg27 : memref<!tpu.dma_semaphore, #tpu.memory_space<semaphore_mem>>)
      %mul3A_749 = arith.constant 10 : i32
      %mul3A_750 = arith.muli %mul3A_749, %scan3A_443 : i32
      %add3A_751 = arith.constant 9 : i32
      %add3A_752 = arith.addi %mul3A_750, %add3A_751 : i32
      %add3A_753 = arith.constant 2 : i32
      %add3A_754 = arith.addi %add3A_752, %add3A_753 : i32
      %dma_wait3A_755 = arith.constant 0 : i32
      %dma_wait3A_756 = tpu.memref_slice %arg7[%add3A_754, %dma_wait3A_755] : memref<100x100xi32, #tpu.memory_space<vmem>> -> memref<1x100xi32, #tpu.memory_space<vmem>>
      %dma_wait3A_757 = tpu.memref_squeeze %dma_wait3A_756 : memref<1x100xi32, #tpu.memory_space<vmem>> -> memref<100xi32, #tpu.memory_space<vmem>>
      %dma_wait3A_758 = arith.constant 0 : i32
      %dma_wait3A_759 = arith.constant 0 : i32
      %dma_wait3A_760 = tpu.memref_slice %arg4[%dma_wait3A_758, %dma_wait3A_759] : memref<20000x128xbf16, #tpu.memory_space<hbm>> -> memref<20000x128xbf16, #tpu.memory_space<hbm>>
      tpu.wait_indirect_dma semaphore(%arg20 : memref<!tpu.dma_semaphore, #tpu.memory_space<semaphore_mem>>) src(%dma_wait3A_760 : memref<20000x128xbf16, #tpu.memory_space<hbm>>) dst(%arg10 : memref<100x128xbf16, #tpu.memory_space<vmem>>)
      %dma_start3A_761 = arith.constant 0 : i32
      %dma_start3A_762 = tpu.memref_slice %arg8[%add3A_754, %dma_start3A_761] : memref<100x100xi32, #tpu.memory_space<vmem>> -> memref<1x100xi32, #tpu.memory_space<vmem>>
      %dma_start3A_763 = tpu.memref_squeeze %dma_start3A_762 : memref<1x100xi32, #tpu.memory_space<vmem>> -> memref<100xi32, #tpu.memory_space<vmem>>
      %dma_start3A_764 = arith.constant 0 : i32
      %dma_start3A_765 = arith.constant 0 : i32
      %dma_start3A_766 = tpu.memref_slice %arg6[%dma_start3A_764, %dma_start3A_765] : memref<10000x128xbf16, #tpu.memory_space<vmem_shared>> -> memref<10000x128xbf16, #tpu.memory_space<vmem_shared>>
      tpu.enqueue_indirect_dma source(%arg10 : memref<100x128xbf16, #tpu.memory_space<vmem>>) target(%dma_start3A_766 : memref<10000x128xbf16, #tpu.memory_space<vmem_shared>>) offsets(%dma_start3A_763 : memref<100xi32, #tpu.memory_space<vmem>>) semaphore(%arg30 : memref<!tpu.dma_semaphore, #tpu.memory_space<semaphore_mem>>) {add = true}
      %sub3A_767 = arith.constant 2 : i32
      %sub3A_768 = arith.subi %add3A_754, %sub3A_767 : i32
      %dma_wait3A_769 = arith.constant 0 : i32
      %dma_wait3A_770 = tpu.memref_slice %arg8[%sub3A_768, %dma_wait3A_769] : memref<100x100xi32, #tpu.memory_space<vmem>> -> memref<1x100xi32, #tpu.memory_space<vmem>>
      %dma_wait3A_771 = tpu.memref_squeeze %dma_wait3A_770 : memref<1x100xi32, #tpu.memory_space<vmem>> -> memref<100xi32, #tpu.memory_space<vmem>>
      %dma_wait3A_772 = arith.constant 0 : i32
      %dma_wait3A_773 = arith.constant 0 : i32
      %dma_wait3A_774 = tpu.memref_slice %arg6[%dma_wait3A_772, %dma_wait3A_773] : memref<10000x128xbf16, #tpu.memory_space<vmem_shared>> -> memref<10000x128xbf16, #tpu.memory_space<vmem_shared>>
      tpu.wait_indirect_dma semaphore(%arg38 : memref<!tpu.dma_semaphore, #tpu.memory_space<semaphore_mem>>) src(%arg18 : memref<100x128xbf16, #tpu.memory_space<vmem>>) dst(%dma_wait3A_774 : memref<10000x128xbf16, #tpu.memory_space<vmem_shared>>)
      %add3A_775 = arith.constant 8 : i32
      %add3A_776 = arith.addi %add3A_754, %add3A_775 : i32
      %dma_start3A_777 = arith.constant 0 : i32
      %dma_start3A_778 = tpu.memref_slice %arg7[%add3A_776, %dma_start3A_777] : memref<100x100xi32, #tpu.memory_space<vmem>> -> memref<1x100xi32, #tpu.memory_space<vmem>>
      %dma_start3A_779 = tpu.memref_squeeze %dma_start3A_778 : memref<1x100xi32, #tpu.memory_space<vmem>> -> memref<100xi32, #tpu.memory_space<vmem>>
      %dma_start3A_780 = arith.constant 0 : i32
      %dma_start3A_781 = arith.constant 0 : i32
      %dma_start3A_782 = tpu.memref_slice %arg4[%dma_start3A_780, %dma_start3A_781] : memref<20000x128xbf16, #tpu.memory_space<hbm>> -> memref<20000x128xbf16, #tpu.memory_space<hbm>>
      tpu.enqueue_indirect_dma source(%dma_start3A_782 : memref<20000x128xbf16, #tpu.memory_space<hbm>>) target(%arg18 : memref<100x128xbf16, #tpu.memory_space<vmem>>) offsets(%dma_start3A_779 : memref<100xi32, #tpu.memory_space<vmem>>) semaphore(%arg28 : memref<!tpu.dma_semaphore, #tpu.memory_space<semaphore_mem>>)
    }
    %scan3A_182 = arith.constant 9 : i32
    %dma_wait3A_183 = arith.constant 92 : i32
    %dma_wait3A_184 = arith.constant 0 : i32
    %dma_wait3A_185 = tpu.memref_slice %arg7[%dma_wait3A_183, %dma_wait3A_184] : memref<100x100xi32, #tpu.memory_space<vmem>> -> memref<1x100xi32, #tpu.memory_space<vmem>>
    %dma_wait3A_186 = tpu.memref_squeeze %dma_wait3A_185 : memref<1x100xi32, #tpu.memory_space<vmem>> -> memref<100xi32, #tpu.memory_space<vmem>>
    %dma_wait3A_187 = arith.constant 0 : i32
    %dma_wait3A_188 = arith.constant 0 : i32
    %dma_wait3A_189 = tpu.memref_slice %arg4[%dma_wait3A_187, %dma_wait3A_188] : memref<20000x128xbf16, #tpu.memory_space<hbm>> -> memref<20000x128xbf16, #tpu.memory_space<hbm>>
    tpu.wait_indirect_dma semaphore(%arg21 : memref<!tpu.dma_semaphore, #tpu.memory_space<semaphore_mem>>) src(%dma_wait3A_189 : memref<20000x128xbf16, #tpu.memory_space<hbm>>) dst(%arg11 : memref<100x128xbf16, #tpu.memory_space<vmem>>)
    %dma_start3A_190 = arith.constant 92 : i32
    %dma_start3A_191 = arith.constant 0 : i32
    %dma_start3A_192 = tpu.memref_slice %arg8[%dma_start3A_190, %dma_start3A_191] : memref<100x100xi32, #tpu.memory_space<vmem>> -> memref<1x100xi32, #tpu.memory_space<vmem>>
    %dma_start3A_193 = tpu.memref_squeeze %dma_start3A_192 : memref<1x100xi32, #tpu.memory_space<vmem>> -> memref<100xi32, #tpu.memory_space<vmem>>
    %dma_start3A_194 = arith.constant 0 : i32
    %dma_start3A_195 = arith.constant 0 : i32
    %dma_start3A_196 = tpu.memref_slice %arg6[%dma_start3A_194, %dma_start3A_195] : memref<10000x128xbf16, #tpu.memory_space<vmem_shared>> -> memref<10000x128xbf16, #tpu.memory_space<vmem_shared>>
    tpu.enqueue_indirect_dma source(%arg11 : memref<100x128xbf16, #tpu.memory_space<vmem>>) target(%dma_start3A_196 : memref<10000x128xbf16, #tpu.memory_space<vmem_shared>>) offsets(%dma_start3A_193 : memref<100xi32, #tpu.memory_space<vmem>>) semaphore(%arg31 : memref<!tpu.dma_semaphore, #tpu.memory_space<semaphore_mem>>) {add = true}
    %dma_wait3A_197 = arith.constant 90 : i32
    %dma_wait3A_198 = arith.constant 0 : i32
    %dma_wait3A_199 = tpu.memref_slice %arg8[%dma_wait3A_197, %dma_wait3A_198] : memref<100x100xi32, #tpu.memory_space<vmem>> -> memref<1x100xi32, #tpu.memory_space<vmem>>
    %dma_wait3A_200 = tpu.memref_squeeze %dma_wait3A_199 : memref<1x100xi32, #tpu.memory_space<vmem>> -> memref<100xi32, #tpu.memory_space<vmem>>
    %dma_wait3A_201 = arith.constant 0 : i32
    %dma_wait3A_202 = arith.constant 0 : i32
    %dma_wait3A_203 = tpu.memref_slice %arg6[%dma_wait3A_201, %dma_wait3A_202] : memref<10000x128xbf16, #tpu.memory_space<vmem_shared>> -> memref<10000x128xbf16, #tpu.memory_space<vmem_shared>>
    tpu.wait_indirect_dma semaphore(%arg29 : memref<!tpu.dma_semaphore, #tpu.memory_space<semaphore_mem>>) src(%arg9 : memref<100x128xbf16, #tpu.memory_space<vmem>>) dst(%dma_wait3A_203 : memref<10000x128xbf16, #tpu.memory_space<vmem_shared>>)
    %dma_wait3A_204 = arith.constant 93 : i32
    %dma_wait3A_205 = arith.constant 0 : i32
    %dma_wait3A_206 = tpu.memref_slice %arg7[%dma_wait3A_204, %dma_wait3A_205] : memref<100x100xi32, #tpu.memory_space<vmem>> -> memref<1x100xi32, #tpu.memory_space<vmem>>
    %dma_wait3A_207 = tpu.memref_squeeze %dma_wait3A_206 : memref<1x100xi32, #tpu.memory_space<vmem>> -> memref<100xi32, #tpu.memory_space<vmem>>
    %dma_wait3A_208 = arith.constant 0 : i32
    %dma_wait3A_209 = arith.constant 0 : i32
    %dma_wait3A_210 = tpu.memref_slice %arg4[%dma_wait3A_208, %dma_wait3A_209] : memref<20000x128xbf16, #tpu.memory_space<hbm>> -> memref<20000x128xbf16, #tpu.memory_space<hbm>>
    tpu.wait_indirect_dma semaphore(%arg22 : memref<!tpu.dma_semaphore, #tpu.memory_space<semaphore_mem>>) src(%dma_wait3A_210 : memref<20000x128xbf16, #tpu.memory_space<hbm>>) dst(%arg12 : memref<100x128xbf16, #tpu.memory_space<vmem>>)
    %dma_start3A_211 = arith.constant 93 : i32
    %dma_start3A_212 = arith.constant 0 : i32
    %dma_start3A_213 = tpu.memref_slice %arg8[%dma_start3A_211, %dma_start3A_212] : memref<100x100xi32, #tpu.memory_space<vmem>> -> memref<1x100xi32, #tpu.memory_space<vmem>>
    %dma_start3A_214 = tpu.memref_squeeze %dma_start3A_213 : memref<1x100xi32, #tpu.memory_space<vmem>> -> memref<100xi32, #tpu.memory_space<vmem>>
    %dma_start3A_215 = arith.constant 0 : i32
    %dma_start3A_216 = arith.constant 0 : i32
    %dma_start3A_217 = tpu.memref_slice %arg6[%dma_start3A_215, %dma_start3A_216] : memref<10000x128xbf16, #tpu.memory_space<vmem_shared>> -> memref<10000x128xbf16, #tpu.memory_space<vmem_shared>>
    tpu.enqueue_indirect_dma source(%arg12 : memref<100x128xbf16, #tpu.memory_space<vmem>>) target(%dma_start3A_217 : memref<10000x128xbf16, #tpu.memory_space<vmem_shared>>) offsets(%dma_start3A_214 : memref<100xi32, #tpu.memory_space<vmem>>) semaphore(%arg32 : memref<!tpu.dma_semaphore, #tpu.memory_space<semaphore_mem>>) {add = true}
    %dma_wait3A_218 = arith.constant 91 : i32
    %dma_wait3A_219 = arith.constant 0 : i32
    %dma_wait3A_220 = tpu.memref_slice %arg8[%dma_wait3A_218, %dma_wait3A_219] : memref<100x100xi32, #tpu.memory_space<vmem>> -> memref<1x100xi32, #tpu.memory_space<vmem>>
    %dma_wait3A_221 = tpu.memref_squeeze %dma_wait3A_220 : memref<1x100xi32, #tpu.memory_space<vmem>> -> memref<100xi32, #tpu.memory_space<vmem>>
    %dma_wait3A_222 = arith.constant 0 : i32
    %dma_wait3A_223 = arith.constant 0 : i32
    %dma_wait3A_224 = tpu.memref_slice %arg6[%dma_wait3A_222, %dma_wait3A_223] : memref<10000x128xbf16, #tpu.memory_space<vmem_shared>> -> memref<10000x128xbf16, #tpu.memory_space<vmem_shared>>
    tpu.wait_indirect_dma semaphore(%arg30 : memref<!tpu.dma_semaphore, #tpu.memory_space<semaphore_mem>>) src(%arg10 : memref<100x128xbf16, #tpu.memory_space<vmem>>) dst(%dma_wait3A_224 : memref<10000x128xbf16, #tpu.memory_space<vmem_shared>>)
    %dma_wait3A_225 = arith.constant 94 : i32
    %dma_wait3A_226 = arith.constant 0 : i32
    %dma_wait3A_227 = tpu.memref_slice %arg7[%dma_wait3A_225, %dma_wait3A_226] : memref<100x100xi32, #tpu.memory_space<vmem>> -> memref<1x100xi32, #tpu.memory_space<vmem>>
    %dma_wait3A_228 = tpu.memref_squeeze %dma_wait3A_227 : memref<1x100xi32, #tpu.memory_space<vmem>> -> memref<100xi32, #tpu.memory_space<vmem>>
    %dma_wait3A_229 = arith.constant 0 : i32
    %dma_wait3A_230 = arith.constant 0 : i32
    %dma_wait3A_231 = tpu.memref_slice %arg4[%dma_wait3A_229, %dma_wait3A_230] : memref<20000x128xbf16, #tpu.memory_space<hbm>> -> memref<20000x128xbf16, #tpu.memory_space<hbm>>
    tpu.wait_indirect_dma semaphore(%arg23 : memref<!tpu.dma_semaphore, #tpu.memory_space<semaphore_mem>>) src(%dma_wait3A_231 : memref<20000x128xbf16, #tpu.memory_space<hbm>>) dst(%arg13 : memref<100x128xbf16, #tpu.memory_space<vmem>>)
    %dma_start3A_232 = arith.constant 94 : i32
    %dma_start3A_233 = arith.constant 0 : i32
    %dma_start3A_234 = tpu.memref_slice %arg8[%dma_start3A_232, %dma_start3A_233] : memref<100x100xi32, #tpu.memory_space<vmem>> -> memref<1x100xi32, #tpu.memory_space<vmem>>
    %dma_start3A_235 = tpu.memref_squeeze %dma_start3A_234 : memref<1x100xi32, #tpu.memory_space<vmem>> -> memref<100xi32, #tpu.memory_space<vmem>>
    %dma_start3A_236 = arith.constant 0 : i32
    %dma_start3A_237 = arith.constant 0 : i32
    %dma_start3A_238 = tpu.memref_slice %arg6[%dma_start3A_236, %dma_start3A_237] : memref<10000x128xbf16, #tpu.memory_space<vmem_shared>> -> memref<10000x128xbf16, #tpu.memory_space<vmem_shared>>
    tpu.enqueue_indirect_dma source(%arg13 : memref<100x128xbf16, #tpu.memory_space<vmem>>) target(%dma_start3A_238 : memref<10000x128xbf16, #tpu.memory_space<vmem_shared>>) offsets(%dma_start3A_235 : memref<100xi32, #tpu.memory_space<vmem>>) semaphore(%arg33 : memref<!tpu.dma_semaphore, #tpu.memory_space<semaphore_mem>>) {add = true}
    %dma_wait3A_239 = arith.constant 92 : i32
    %dma_wait3A_240 = arith.constant 0 : i32
    %dma_wait3A_241 = tpu.memref_slice %arg8[%dma_wait3A_239, %dma_wait3A_240] : memref<100x100xi32, #tpu.memory_space<vmem>> -> memref<1x100xi32, #tpu.memory_space<vmem>>
    %dma_wait3A_242 = tpu.memref_squeeze %dma_wait3A_241 : memref<1x100xi32, #tpu.memory_space<vmem>> -> memref<100xi32, #tpu.memory_space<vmem>>
    %dma_wait3A_243 = arith.constant 0 : i32
    %dma_wait3A_244 = arith.constant 0 : i32
    %dma_wait3A_245 = tpu.memref_slice %arg6[%dma_wait3A_243, %dma_wait3A_244] : memref<10000x128xbf16, #tpu.memory_space<vmem_shared>> -> memref<10000x128xbf16, #tpu.memory_space<vmem_shared>>
    tpu.wait_indirect_dma semaphore(%arg31 : memref<!tpu.dma_semaphore, #tpu.memory_space<semaphore_mem>>) src(%arg11 : memref<100x128xbf16, #tpu.memory_space<vmem>>) dst(%dma_wait3A_245 : memref<10000x128xbf16, #tpu.memory_space<vmem_shared>>)
    %dma_wait3A_246 = arith.constant 95 : i32
    %dma_wait3A_247 = arith.constant 0 : i32
    %dma_wait3A_248 = tpu.memref_slice %arg7[%dma_wait3A_246, %dma_wait3A_247] : memref<100x100xi32, #tpu.memory_space<vmem>> -> memref<1x100xi32, #tpu.memory_space<vmem>>
    %dma_wait3A_249 = tpu.memref_squeeze %dma_wait3A_248 : memref<1x100xi32, #tpu.memory_space<vmem>> -> memref<100xi32, #tpu.memory_space<vmem>>
    %dma_wait3A_250 = arith.constant 0 : i32
    %dma_wait3A_251 = arith.constant 0 : i32
    %dma_wait3A_252 = tpu.memref_slice %arg4[%dma_wait3A_250, %dma_wait3A_251] : memref<20000x128xbf16, #tpu.memory_space<hbm>> -> memref<20000x128xbf16, #tpu.memory_space<hbm>>
    tpu.wait_indirect_dma semaphore(%arg24 : memref<!tpu.dma_semaphore, #tpu.memory_space<semaphore_mem>>) src(%dma_wait3A_252 : memref<20000x128xbf16, #tpu.memory_space<hbm>>) dst(%arg14 : memref<100x128xbf16, #tpu.memory_space<vmem>>)
    %dma_start3A_253 = arith.constant 95 : i32
    %dma_start3A_254 = arith.constant 0 : i32
    %dma_start3A_255 = tpu.memref_slice %arg8[%dma_start3A_253, %dma_start3A_254] : memref<100x100xi32, #tpu.memory_space<vmem>> -> memref<1x100xi32, #tpu.memory_space<vmem>>
    %dma_start3A_256 = tpu.memref_squeeze %dma_start3A_255 : memref<1x100xi32, #tpu.memory_space<vmem>> -> memref<100xi32, #tpu.memory_space<vmem>>
    %dma_start3A_257 = arith.constant 0 : i32
    %dma_start3A_258 = arith.constant 0 : i32
    %dma_start3A_259 = tpu.memref_slice %arg6[%dma_start3A_257, %dma_start3A_258] : memref<10000x128xbf16, #tpu.memory_space<vmem_shared>> -> memref<10000x128xbf16, #tpu.memory_space<vmem_shared>>
    tpu.enqueue_indirect_dma source(%arg14 : memref<100x128xbf16, #tpu.memory_space<vmem>>) target(%dma_start3A_259 : memref<10000x128xbf16, #tpu.memory_space<vmem_shared>>) offsets(%dma_start3A_256 : memref<100xi32, #tpu.memory_space<vmem>>) semaphore(%arg34 : memref<!tpu.dma_semaphore, #tpu.memory_space<semaphore_mem>>) {add = true}
    %dma_wait3A_260 = arith.constant 93 : i32
    %dma_wait3A_261 = arith.constant 0 : i32
    %dma_wait3A_262 = tpu.memref_slice %arg8[%dma_wait3A_260, %dma_wait3A_261] : memref<100x100xi32, #tpu.memory_space<vmem>> -> memref<1x100xi32, #tpu.memory_space<vmem>>
    %dma_wait3A_263 = tpu.memref_squeeze %dma_wait3A_262 : memref<1x100xi32, #tpu.memory_space<vmem>> -> memref<100xi32, #tpu.memory_space<vmem>>
    %dma_wait3A_264 = arith.constant 0 : i32
    %dma_wait3A_265 = arith.constant 0 : i32
    %dma_wait3A_266 = tpu.memref_slice %arg6[%dma_wait3A_264, %dma_wait3A_265] : memref<10000x128xbf16, #tpu.memory_space<vmem_shared>> -> memref<10000x128xbf16, #tpu.memory_space<vmem_shared>>
    tpu.wait_indirect_dma semaphore(%arg32 : memref<!tpu.dma_semaphore, #tpu.memory_space<semaphore_mem>>) src(%arg12 : memref<100x128xbf16, #tpu.memory_space<vmem>>) dst(%dma_wait3A_266 : memref<10000x128xbf16, #tpu.memory_space<vmem_shared>>)
    %dma_wait3A_267 = arith.constant 96 : i32
    %dma_wait3A_268 = arith.constant 0 : i32
    %dma_wait3A_269 = tpu.memref_slice %arg7[%dma_wait3A_267, %dma_wait3A_268] : memref<100x100xi32, #tpu.memory_space<vmem>> -> memref<1x100xi32, #tpu.memory_space<vmem>>
    %dma_wait3A_270 = tpu.memref_squeeze %dma_wait3A_269 : memref<1x100xi32, #tpu.memory_space<vmem>> -> memref<100xi32, #tpu.memory_space<vmem>>
    %dma_wait3A_271 = arith.constant 0 : i32
    %dma_wait3A_272 = arith.constant 0 : i32
    %dma_wait3A_273 = tpu.memref_slice %arg4[%dma_wait3A_271, %dma_wait3A_272] : memref<20000x128xbf16, #tpu.memory_space<hbm>> -> memref<20000x128xbf16, #tpu.memory_space<hbm>>
    tpu.wait_indirect_dma semaphore(%arg25 : memref<!tpu.dma_semaphore, #tpu.memory_space<semaphore_mem>>) src(%dma_wait3A_273 : memref<20000x128xbf16, #tpu.memory_space<hbm>>) dst(%arg15 : memref<100x128xbf16, #tpu.memory_space<vmem>>)
    %dma_start3A_274 = arith.constant 96 : i32
    %dma_start3A_275 = arith.constant 0 : i32
    %dma_start3A_276 = tpu.memref_slice %arg8[%dma_start3A_274, %dma_start3A_275] : memref<100x100xi32, #tpu.memory_space<vmem>> -> memref<1x100xi32, #tpu.memory_space<vmem>>
    %dma_start3A_277 = tpu.memref_squeeze %dma_start3A_276 : memref<1x100xi32, #tpu.memory_space<vmem>> -> memref<100xi32, #tpu.memory_space<vmem>>
    %dma_start3A_278 = arith.constant 0 : i32
    %dma_start3A_279 = arith.constant 0 : i32
    %dma_start3A_280 = tpu.memref_slice %arg6[%dma_start3A_278, %dma_start3A_279] : memref<10000x128xbf16, #tpu.memory_space<vmem_shared>> -> memref<10000x128xbf16, #tpu.memory_space<vmem_shared>>
    tpu.enqueue_indirect_dma source(%arg15 : memref<100x128xbf16, #tpu.memory_space<vmem>>) target(%dma_start3A_280 : memref<10000x128xbf16, #tpu.memory_space<vmem_shared>>) offsets(%dma_start3A_277 : memref<100xi32, #tpu.memory_space<vmem>>) semaphore(%arg35 : memref<!tpu.dma_semaphore, #tpu.memory_space<semaphore_mem>>) {add = true}
    %dma_wait3A_281 = arith.constant 94 : i32
    %dma_wait3A_282 = arith.constant 0 : i32
    %dma_wait3A_283 = tpu.memref_slice %arg8[%dma_wait3A_281, %dma_wait3A_282] : memref<100x100xi32, #tpu.memory_space<vmem>> -> memref<1x100xi32, #tpu.memory_space<vmem>>
    %dma_wait3A_284 = tpu.memref_squeeze %dma_wait3A_283 : memref<1x100xi32, #tpu.memory_space<vmem>> -> memref<100xi32, #tpu.memory_space<vmem>>
    %dma_wait3A_285 = arith.constant 0 : i32
    %dma_wait3A_286 = arith.constant 0 : i32
    %dma_wait3A_287 = tpu.memref_slice %arg6[%dma_wait3A_285, %dma_wait3A_286] : memref<10000x128xbf16, #tpu.memory_space<vmem_shared>> -> memref<10000x128xbf16, #tpu.memory_space<vmem_shared>>
    tpu.wait_indirect_dma semaphore(%arg33 : memref<!tpu.dma_semaphore, #tpu.memory_space<semaphore_mem>>) src(%arg13 : memref<100x128xbf16, #tpu.memory_space<vmem>>) dst(%dma_wait3A_287 : memref<10000x128xbf16, #tpu.memory_space<vmem_shared>>)
    %dma_wait3A_288 = arith.constant 97 : i32
    %dma_wait3A_289 = arith.constant 0 : i32
    %dma_wait3A_290 = tpu.memref_slice %arg7[%dma_wait3A_288, %dma_wait3A_289] : memref<100x100xi32, #tpu.memory_space<vmem>> -> memref<1x100xi32, #tpu.memory_space<vmem>>
    %dma_wait3A_291 = tpu.memref_squeeze %dma_wait3A_290 : memref<1x100xi32, #tpu.memory_space<vmem>> -> memref<100xi32, #tpu.memory_space<vmem>>
    %dma_wait3A_292 = arith.constant 0 : i32
    %dma_wait3A_293 = arith.constant 0 : i32
    %dma_wait3A_294 = tpu.memref_slice %arg4[%dma_wait3A_292, %dma_wait3A_293] : memref<20000x128xbf16, #tpu.memory_space<hbm>> -> memref<20000x128xbf16, #tpu.memory_space<hbm>>
    tpu.wait_indirect_dma semaphore(%arg26 : memref<!tpu.dma_semaphore, #tpu.memory_space<semaphore_mem>>) src(%dma_wait3A_294 : memref<20000x128xbf16, #tpu.memory_space<hbm>>) dst(%arg16 : memref<100x128xbf16, #tpu.memory_space<vmem>>)
    %dma_start3A_295 = arith.constant 97 : i32
    %dma_start3A_296 = arith.constant 0 : i32
    %dma_start3A_297 = tpu.memref_slice %arg8[%dma_start3A_295, %dma_start3A_296] : memref<100x100xi32, #tpu.memory_space<vmem>> -> memref<1x100xi32, #tpu.memory_space<vmem>>
    %dma_start3A_298 = tpu.memref_squeeze %dma_start3A_297 : memref<1x100xi32, #tpu.memory_space<vmem>> -> memref<100xi32, #tpu.memory_space<vmem>>
    %dma_start3A_299 = arith.constant 0 : i32
    %dma_start3A_300 = arith.constant 0 : i32
    %dma_start3A_301 = tpu.memref_slice %arg6[%dma_start3A_299, %dma_start3A_300] : memref<10000x128xbf16, #tpu.memory_space<vmem_shared>> -> memref<10000x128xbf16, #tpu.memory_space<vmem_shared>>
    tpu.enqueue_indirect_dma source(%arg16 : memref<100x128xbf16, #tpu.memory_space<vmem>>) target(%dma_start3A_301 : memref<10000x128xbf16, #tpu.memory_space<vmem_shared>>) offsets(%dma_start3A_298 : memref<100xi32, #tpu.memory_space<vmem>>) semaphore(%arg36 : memref<!tpu.dma_semaphore, #tpu.memory_space<semaphore_mem>>) {add = true}
    %dma_wait3A_302 = arith.constant 95 : i32
    %dma_wait3A_303 = arith.constant 0 : i32
    %dma_wait3A_304 = tpu.memref_slice %arg8[%dma_wait3A_302, %dma_wait3A_303] : memref<100x100xi32, #tpu.memory_space<vmem>> -> memref<1x100xi32, #tpu.memory_space<vmem>>
    %dma_wait3A_305 = tpu.memref_squeeze %dma_wait3A_304 : memref<1x100xi32, #tpu.memory_space<vmem>> -> memref<100xi32, #tpu.memory_space<vmem>>
    %dma_wait3A_306 = arith.constant 0 : i32
    %dma_wait3A_307 = arith.constant 0 : i32
    %dma_wait3A_308 = tpu.memref_slice %arg6[%dma_wait3A_306, %dma_wait3A_307] : memref<10000x128xbf16, #tpu.memory_space<vmem_shared>> -> memref<10000x128xbf16, #tpu.memory_space<vmem_shared>>
    tpu.wait_indirect_dma semaphore(%arg34 : memref<!tpu.dma_semaphore, #tpu.memory_space<semaphore_mem>>) src(%arg14 : memref<100x128xbf16, #tpu.memory_space<vmem>>) dst(%dma_wait3A_308 : memref<10000x128xbf16, #tpu.memory_space<vmem_shared>>)
    %dma_wait3A_309 = arith.constant 98 : i32
    %dma_wait3A_310 = arith.constant 0 : i32
    %dma_wait3A_311 = tpu.memref_slice %arg7[%dma_wait3A_309, %dma_wait3A_310] : memref<100x100xi32, #tpu.memory_space<vmem>> -> memref<1x100xi32, #tpu.memory_space<vmem>>
    %dma_wait3A_312 = tpu.memref_squeeze %dma_wait3A_311 : memref<1x100xi32, #tpu.memory_space<vmem>> -> memref<100xi32, #tpu.memory_space<vmem>>
    %dma_wait3A_313 = arith.constant 0 : i32
    %dma_wait3A_314 = arith.constant 0 : i32
    %dma_wait3A_315 = tpu.memref_slice %arg4[%dma_wait3A_313, %dma_wait3A_314] : memref<20000x128xbf16, #tpu.memory_space<hbm>> -> memref<20000x128xbf16, #tpu.memory_space<hbm>>
    tpu.wait_indirect_dma semaphore(%arg27 : memref<!tpu.dma_semaphore, #tpu.memory_space<semaphore_mem>>) src(%dma_wait3A_315 : memref<20000x128xbf16, #tpu.memory_space<hbm>>) dst(%arg17 : memref<100x128xbf16, #tpu.memory_space<vmem>>)
    %dma_start3A_316 = arith.constant 98 : i32
    %dma_start3A_317 = arith.constant 0 : i32
    %dma_start3A_318 = tpu.memref_slice %arg8[%dma_start3A_316, %dma_start3A_317] : memref<100x100xi32, #tpu.memory_space<vmem>> -> memref<1x100xi32, #tpu.memory_space<vmem>>
    %dma_start3A_319 = tpu.memref_squeeze %dma_start3A_318 : memref<1x100xi32, #tpu.memory_space<vmem>> -> memref<100xi32, #tpu.memory_space<vmem>>
    %dma_start3A_320 = arith.constant 0 : i32
    %dma_start3A_321 = arith.constant 0 : i32
    %dma_start3A_322 = tpu.memref_slice %arg6[%dma_start3A_320, %dma_start3A_321] : memref<10000x128xbf16, #tpu.memory_space<vmem_shared>> -> memref<10000x128xbf16, #tpu.memory_space<vmem_shared>>
    tpu.enqueue_indirect_dma source(%arg17 : memref<100x128xbf16, #tpu.memory_space<vmem>>) target(%dma_start3A_322 : memref<10000x128xbf16, #tpu.memory_space<vmem_shared>>) offsets(%dma_start3A_319 : memref<100xi32, #tpu.memory_space<vmem>>) semaphore(%arg37 : memref<!tpu.dma_semaphore, #tpu.memory_space<semaphore_mem>>) {add = true}
    %dma_wait3A_323 = arith.constant 96 : i32
    %dma_wait3A_324 = arith.constant 0 : i32
    %dma_wait3A_325 = tpu.memref_slice %arg8[%dma_wait3A_323, %dma_wait3A_324] : memref<100x100xi32, #tpu.memory_space<vmem>> -> memref<1x100xi32, #tpu.memory_space<vmem>>
    %dma_wait3A_326 = tpu.memref_squeeze %dma_wait3A_325 : memref<1x100xi32, #tpu.memory_space<vmem>> -> memref<100xi32, #tpu.memory_space<vmem>>
    %dma_wait3A_327 = arith.constant 0 : i32
    %dma_wait3A_328 = arith.constant 0 : i32
    %dma_wait3A_329 = tpu.memref_slice %arg6[%dma_wait3A_327, %dma_wait3A_328] : memref<10000x128xbf16, #tpu.memory_space<vmem_shared>> -> memref<10000x128xbf16, #tpu.memory_space<vmem_shared>>
    tpu.wait_indirect_dma semaphore(%arg35 : memref<!tpu.dma_semaphore, #tpu.memory_space<semaphore_mem>>) src(%arg15 : memref<100x128xbf16, #tpu.memory_space<vmem>>) dst(%dma_wait3A_329 : memref<10000x128xbf16, #tpu.memory_space<vmem_shared>>)
    %dma_wait3A_330 = arith.constant 99 : i32
    %dma_wait3A_331 = arith.constant 0 : i32
    %dma_wait3A_332 = tpu.memref_slice %arg7[%dma_wait3A_330, %dma_wait3A_331] : memref<100x100xi32, #tpu.memory_space<vmem>> -> memref<1x100xi32, #tpu.memory_space<vmem>>
    %dma_wait3A_333 = tpu.memref_squeeze %dma_wait3A_332 : memref<1x100xi32, #tpu.memory_space<vmem>> -> memref<100xi32, #tpu.memory_space<vmem>>
    %dma_wait3A_334 = arith.constant 0 : i32
    %dma_wait3A_335 = arith.constant 0 : i32
    %dma_wait3A_336 = tpu.memref_slice %arg4[%dma_wait3A_334, %dma_wait3A_335] : memref<20000x128xbf16, #tpu.memory_space<hbm>> -> memref<20000x128xbf16, #tpu.memory_space<hbm>>
    tpu.wait_indirect_dma semaphore(%arg28 : memref<!tpu.dma_semaphore, #tpu.memory_space<semaphore_mem>>) src(%dma_wait3A_336 : memref<20000x128xbf16, #tpu.memory_space<hbm>>) dst(%arg18 : memref<100x128xbf16, #tpu.memory_space<vmem>>)
    %dma_start3A_337 = arith.constant 99 : i32
    %dma_start3A_338 = arith.constant 0 : i32
    %dma_start3A_339 = tpu.memref_slice %arg8[%dma_start3A_337, %dma_start3A_338] : memref<100x100xi32, #tpu.memory_space<vmem>> -> memref<1x100xi32, #tpu.memory_space<vmem>>
    %dma_start3A_340 = tpu.memref_squeeze %dma_start3A_339 : memref<1x100xi32, #tpu.memory_space<vmem>> -> memref<100xi32, #tpu.memory_space<vmem>>
    %dma_start3A_341 = arith.constant 0 : i32
    %dma_start3A_342 = arith.constant 0 : i32
    %dma_start3A_343 = tpu.memref_slice %arg6[%dma_start3A_341, %dma_start3A_342] : memref<10000x128xbf16, #tpu.memory_space<vmem_shared>> -> memref<10000x128xbf16, #tpu.memory_space<vmem_shared>>
    tpu.enqueue_indirect_dma source(%arg18 : memref<100x128xbf16, #tpu.memory_space<vmem>>) target(%dma_start3A_343 : memref<10000x128xbf16, #tpu.memory_space<vmem_shared>>) offsets(%dma_start3A_340 : memref<100xi32, #tpu.memory_space<vmem>>) semaphore(%arg38 : memref<!tpu.dma_semaphore, #tpu.memory_space<semaphore_mem>>) {add = true}
    %dma_wait3A_344 = arith.constant 97 : i32
    %dma_wait3A_345 = arith.constant 0 : i32
    %dma_wait3A_346 = tpu.memref_slice %arg8[%dma_wait3A_344, %dma_wait3A_345] : memref<100x100xi32, #tpu.memory_space<vmem>> -> memref<1x100xi32, #tpu.memory_space<vmem>>
    %dma_wait3A_347 = tpu.memref_squeeze %dma_wait3A_346 : memref<1x100xi32, #tpu.memory_space<vmem>> -> memref<100xi32, #tpu.memory_space<vmem>>
    %dma_wait3A_348 = arith.constant 0 : i32
    %dma_wait3A_349 = arith.constant 0 : i32
    %dma_wait3A_350 = tpu.memref_slice %arg6[%dma_wait3A_348, %dma_wait3A_349] : memref<10000x128xbf16, #tpu.memory_space<vmem_shared>> -> memref<10000x128xbf16, #tpu.memory_space<vmem_shared>>
    tpu.wait_indirect_dma semaphore(%arg36 : memref<!tpu.dma_semaphore, #tpu.memory_space<semaphore_mem>>) src(%arg16 : memref<100x128xbf16, #tpu.memory_space<vmem>>) dst(%dma_wait3A_350 : memref<10000x128xbf16, #tpu.memory_space<vmem_shared>>)
    %dma_wait3A_351 = arith.constant 98 : i32
    %dma_wait3A_352 = arith.constant 0 : i32
    %dma_wait3A_353 = tpu.memref_slice %arg8[%dma_wait3A_351, %dma_wait3A_352] : memref<100x100xi32, #tpu.memory_space<vmem>> -> memref<1x100xi32, #tpu.memory_space<vmem>>
    %dma_wait3A_354 = tpu.memref_squeeze %dma_wait3A_353 : memref<1x100xi32, #tpu.memory_space<vmem>> -> memref<100xi32, #tpu.memory_space<vmem>>
    %dma_wait3A_355 = arith.constant 0 : i32
    %dma_wait3A_356 = arith.constant 0 : i32
    %dma_wait3A_357 = tpu.memref_slice %arg6[%dma_wait3A_355, %dma_wait3A_356] : memref<10000x128xbf16, #tpu.memory_space<vmem_shared>> -> memref<10000x128xbf16, #tpu.memory_space<vmem_shared>>
    tpu.wait_indirect_dma semaphore(%arg37 : memref<!tpu.dma_semaphore, #tpu.memory_space<semaphore_mem>>) src(%arg17 : memref<100x128xbf16, #tpu.memory_space<vmem>>) dst(%dma_wait3A_357 : memref<10000x128xbf16, #tpu.memory_space<vmem_shared>>)
    %dma_wait3A_358 = arith.constant 99 : i32
    %dma_wait3A_359 = arith.constant 0 : i32
    %dma_wait3A_360 = tpu.memref_slice %arg8[%dma_wait3A_358, %dma_wait3A_359] : memref<100x100xi32, #tpu.memory_space<vmem>> -> memref<1x100xi32, #tpu.memory_space<vmem>>
    %dma_wait3A_361 = tpu.memref_squeeze %dma_wait3A_360 : memref<1x100xi32, #tpu.memory_space<vmem>> -> memref<100xi32, #tpu.memory_space<vmem>>
    %dma_wait3A_362 = arith.constant 0 : i32
    %dma_wait3A_363 = arith.constant 0 : i32
    %dma_wait3A_364 = tpu.memref_slice %arg6[%dma_wait3A_362, %dma_wait3A_363] : memref<10000x128xbf16, #tpu.memory_space<vmem_shared>> -> memref<10000x128xbf16, #tpu.memory_space<vmem_shared>>
    tpu.wait_indirect_dma semaphore(%arg38 : memref<!tpu.dma_semaphore, #tpu.memory_space<semaphore_mem>>) src(%arg18 : memref<100x128xbf16, #tpu.memory_space<vmem>>) dst(%dma_wait3A_364 : memref<10000x128xbf16, #tpu.memory_space<vmem_shared>>)
    %barrier3A_365 = arith.constant 0 : index
    tpu.barrier barrier_id(%barrier3A_365)
    %mul3A_366 = arith.constant 625 : i32
    %mul3A_367 = arith.muli %arg1, %mul3A_366 : i32
    %add3A_368 = arith.constant 0 : i32
    %add3A_369 = arith.addi %mul3A_367, %add3A_368 : i32
    "tpu.region"() ({
      %run_scoped3A = tpu.sem_alloc : memref<!tpu.dma_semaphore, #tpu.memory_space<semaphore_mem>>
      %dma_start3A_443 = arith.constant 0 : i32
      %dma_start3A_444 = tpu.memref_slice %arg6[%add3A_369, %dma_start3A_443] : memref<10000x128xbf16, #tpu.memory_space<vmem_shared>> -> memref<100x128xbf16, #tpu.memory_space<vmem_shared>>
      %dma_start3A_445 = arith.constant 0 : i32
      %dma_start3A_446 = tpu.memref_slice %arg6[%add3A_369, %dma_start3A_445] : memref<10000x128xbf16, #tpu.memory_space<vmem_shared>> -> memref<100x128xbf16, #tpu.memory_space<vmem_shared>>
      tpu.enqueue_dma source(%dma_start3A_446 : memref<100x128xbf16, #tpu.memory_space<vmem_shared>>) target(%arg9 : memref<100x128xbf16, #tpu.memory_space<vmem>>) target_semaphore(%run_scoped3A : memref<!tpu.dma_semaphore, #tpu.memory_space<semaphore_mem>>)
      %dma_wait3A_447 = arith.constant 0 : i32
      %dma_wait3A_448 = tpu.memref_slice %arg6[%add3A_369, %dma_wait3A_447] : memref<10000x128xbf16, #tpu.memory_space<vmem_shared>> -> memref<100x128xbf16, #tpu.memory_space<vmem_shared>>
      %dma_wait3A_449 = arith.constant 0 : i32
      %dma_wait3A_450 = tpu.memref_slice %arg6[%add3A_369, %dma_wait3A_449] : memref<10000x128xbf16, #tpu.memory_space<vmem_shared>> -> memref<100x128xbf16, #tpu.memory_space<vmem_shared>>
      tpu.wait_dma2 semaphore(%run_scoped3A : memref<!tpu.dma_semaphore, #tpu.memory_space<semaphore_mem>>) src(%dma_wait3A_450 : memref<100x128xbf16, #tpu.memory_space<vmem_shared>>) dst(%arg9 : memref<100x128xbf16, #tpu.memory_space<vmem>>)
      tpu.yield
    }) : () -> ()
    %mul3A_370 = arith.constant 10000 : i32
    %mul3A_371 = arith.muli %arg0, %mul3A_370 : i32
    %mul3A_372 = arith.constant 625 : i32
    %mul3A_373 = arith.muli %arg1, %mul3A_372 : i32
    %add3A_374 = arith.addi %mul3A_371, %mul3A_373 : i32
    %add3A_375 = arith.constant 0 : i32
    %add3A_376 = arith.addi %add3A_374, %add3A_375 : i32
    "tpu.region"() ({
      %run_scoped3A = tpu.sem_alloc : memref<!tpu.dma_semaphore, #tpu.memory_space<semaphore_mem>>
      %dma_start3A_443 = arith.constant 0 : i32
      %dma_start3A_444 = tpu.memref_slice %arg5[%add3A_376, %dma_start3A_443] : memref<20000x128xbf16, #tpu.memory_space<hbm>> -> memref<100x128xbf16, #tpu.memory_space<hbm>>
      %dma_start3A_445 = arith.constant 0 : i32
      %dma_start3A_446 = tpu.memref_slice %arg5[%add3A_376, %dma_start3A_445] : memref<20000x128xbf16, #tpu.memory_space<hbm>> -> memref<100x128xbf16, #tpu.memory_space<hbm>>
      tpu.enqueue_dma source(%arg9 : memref<100x128xbf16, #tpu.memory_space<vmem>>) target(%dma_start3A_446 : memref<100x128xbf16, #tpu.memory_space<hbm>>) target_semaphore(%run_scoped3A : memref<!tpu.dma_semaphore, #tpu.memory_space<semaphore_mem>>)
      %dma_wait3A_447 = arith.constant 0 : i32
      %dma_wait3A_448 = tpu.memref_slice %arg5[%add3A_376, %dma_wait3A_447] : memref<20000x128xbf16, #tpu.memory_space<hbm>> -> memref<100x128xbf16, #tpu.memory_space<hbm>>
      %dma_wait3A_449 = arith.constant 0 : i32
      %dma_wait3A_450 = tpu.memref_slice %arg5[%add3A_376, %dma_wait3A_449] : memref<20000x128xbf16, #tpu.memory_space<hbm>> -> memref<100x128xbf16, #tpu.memory_space<hbm>>
      tpu.wait_dma2 semaphore(%run_scoped3A : memref<!tpu.dma_semaphore, #tpu.memory_space<semaphore_mem>>) src(%arg9 : memref<100x128xbf16, #tpu.memory_space<vmem>>) dst(%dma_wait3A_450 : memref<100x128xbf16, #tpu.memory_space<hbm>>)
      tpu.yield
    }) : () -> ()
    %mul3A_377 = arith.constant 625 : i32
    %mul3A_378 = arith.muli %arg1, %mul3A_377 : i32
    %add3A_379 = arith.constant 100 : i32
    %add3A_380 = arith.addi %mul3A_378, %add3A_379 : i32
    "tpu.region"() ({
      %run_scoped3A = tpu.sem_alloc : memref<!tpu.dma_semaphore, #tpu.memory_space<semaphore_mem>>
      %dma_start3A_443 = arith.constant 0 : i32
      %dma_start3A_444 = tpu.memref_slice %arg6[%add3A_380, %dma_start3A_443] : memref<10000x128xbf16, #tpu.memory_space<vmem_shared>> -> memref<100x128xbf16, #tpu.memory_space<vmem_shared>>
      %dma_start3A_445 = arith.constant 0 : i32
      %dma_start3A_446 = tpu.memref_slice %arg6[%add3A_380, %dma_start3A_445] : memref<10000x128xbf16, #tpu.memory_space<vmem_shared>> -> memref<100x128xbf16, #tpu.memory_space<vmem_shared>>
      tpu.enqueue_dma source(%dma_start3A_446 : memref<100x128xbf16, #tpu.memory_space<vmem_shared>>) target(%arg9 : memref<100x128xbf16, #tpu.memory_space<vmem>>) target_semaphore(%run_scoped3A : memref<!tpu.dma_semaphore, #tpu.memory_space<semaphore_mem>>)
      %dma_wait3A_447 = arith.constant 0 : i32
      %dma_wait3A_448 = tpu.memref_slice %arg6[%add3A_380, %dma_wait3A_447] : memref<10000x128xbf16, #tpu.memory_space<vmem_shared>> -> memref<100x128xbf16, #tpu.memory_space<vmem_shared>>
      %dma_wait3A_449 = arith.constant 0 : i32
      %dma_wait3A_450 = tpu.memref_slice %arg6[%add3A_380, %dma_wait3A_449] : memref<10000x128xbf16, #tpu.memory_space<vmem_shared>> -> memref<100x128xbf16, #tpu.memory_space<vmem_shared>>
      tpu.wait_dma2 semaphore(%run_scoped3A : memref<!tpu.dma_semaphore, #tpu.memory_space<semaphore_mem>>) src(%dma_wait3A_450 : memref<100x128xbf16, #tpu.memory_space<vmem_shared>>) dst(%arg9 : memref<100x128xbf16, #tpu.memory_space<vmem>>)
      tpu.yield
    }) : () -> ()
    %mul3A_381 = arith.constant 10000 : i32
    %mul3A_382 = arith.muli %arg0, %mul3A_381 : i32
    %mul3A_383 = arith.constant 625 : i32
    %mul3A_384 = arith.muli %arg1, %mul3A_383 : i32
    %add3A_385 = arith.addi %mul3A_382, %mul3A_384 : i32
    %add3A_386 = arith.constant 100 : i32
    %add3A_387 = arith.addi %add3A_385, %add3A_386 : i32
    "tpu.region"() ({
      %run_scoped3A = tpu.sem_alloc : memref<!tpu.dma_semaphore, #tpu.memory_space<semaphore_mem>>
      %dma_start3A_443 = arith.constant 0 : i32
      %dma_start3A_444 = tpu.memref_slice %arg5[%add3A_387, %dma_start3A_443] : memref<20000x128xbf16, #tpu.memory_space<hbm>> -> memref<100x128xbf16, #tpu.memory_space<hbm>>
      %dma_start3A_445 = arith.constant 0 : i32
      %dma_start3A_446 = tpu.memref_slice %arg5[%add3A_387, %dma_start3A_445] : memref<20000x128xbf16, #tpu.memory_space<hbm>> -> memref<100x128xbf16, #tpu.memory_space<hbm>>
      tpu.enqueue_dma source(%arg9 : memref<100x128xbf16, #tpu.memory_space<vmem>>) target(%dma_start3A_446 : memref<100x128xbf16, #tpu.memory_space<hbm>>) target_semaphore(%run_scoped3A : memref<!tpu.dma_semaphore, #tpu.memory_space<semaphore_mem>>)
      %dma_wait3A_447 = arith.constant 0 : i32
      %dma_wait3A_448 = tpu.memref_slice %arg5[%add3A_387, %dma_wait3A_447] : memref<20000x128xbf16, #tpu.memory_space<hbm>> -> memref<100x128xbf16, #tpu.memory_space<hbm>>
      %dma_wait3A_449 = arith.constant 0 : i32
      %dma_wait3A_450 = tpu.memref_slice %arg5[%add3A_387, %dma_wait3A_449] : memref<20000x128xbf16, #tpu.memory_space<hbm>> -> memref<100x128xbf16, #tpu.memory_space<hbm>>
      tpu.wait_dma2 semaphore(%run_scoped3A : memref<!tpu.dma_semaphore, #tpu.memory_space<semaphore_mem>>) src(%arg9 : memref<100x128xbf16, #tpu.memory_space<vmem>>) dst(%dma_wait3A_450 : memref<100x128xbf16, #tpu.memory_space<hbm>>)
      tpu.yield
    }) : () -> ()
    %mul3A_388 = arith.constant 625 : i32
    %mul3A_389 = arith.muli %arg1, %mul3A_388 : i32
    %add3A_390 = arith.constant 200 : i32
    %add3A_391 = arith.addi %mul3A_389, %add3A_390 : i32
    "tpu.region"() ({
      %run_scoped3A = tpu.sem_alloc : memref<!tpu.dma_semaphore, #tpu.memory_space<semaphore_mem>>
      %dma_start3A_443 = arith.constant 0 : i32
      %dma_start3A_444 = tpu.memref_slice %arg6[%add3A_391, %dma_start3A_443] : memref<10000x128xbf16, #tpu.memory_space<vmem_shared>> -> memref<100x128xbf16, #tpu.memory_space<vmem_shared>>
      %dma_start3A_445 = arith.constant 0 : i32
      %dma_start3A_446 = tpu.memref_slice %arg6[%add3A_391, %dma_start3A_445] : memref<10000x128xbf16, #tpu.memory_space<vmem_shared>> -> memref<100x128xbf16, #tpu.memory_space<vmem_shared>>
      tpu.enqueue_dma source(%dma_start3A_446 : memref<100x128xbf16, #tpu.memory_space<vmem_shared>>) target(%arg9 : memref<100x128xbf16, #tpu.memory_space<vmem>>) target_semaphore(%run_scoped3A : memref<!tpu.dma_semaphore, #tpu.memory_space<semaphore_mem>>)
      %dma_wait3A_447 = arith.constant 0 : i32
      %dma_wait3A_448 = tpu.memref_slice %arg6[%add3A_391, %dma_wait3A_447] : memref<10000x128xbf16, #tpu.memory_space<vmem_shared>> -> memref<100x128xbf16, #tpu.memory_space<vmem_shared>>
      %dma_wait3A_449 = arith.constant 0 : i32
      %dma_wait3A_450 = tpu.memref_slice %arg6[%add3A_391, %dma_wait3A_449] : memref<10000x128xbf16, #tpu.memory_space<vmem_shared>> -> memref<100x128xbf16, #tpu.memory_space<vmem_shared>>
      tpu.wait_dma2 semaphore(%run_scoped3A : memref<!tpu.dma_semaphore, #tpu.memory_space<semaphore_mem>>) src(%dma_wait3A_450 : memref<100x128xbf16, #tpu.memory_space<vmem_shared>>) dst(%arg9 : memref<100x128xbf16, #tpu.memory_space<vmem>>)
      tpu.yield
    }) : () -> ()
    %mul3A_392 = arith.constant 10000 : i32
    %mul3A_393 = arith.muli %arg0, %mul3A_392 : i32
    %mul3A_394 = arith.constant 625 : i32
    %mul3A_395 = arith.muli %arg1, %mul3A_394 : i32
    %add3A_396 = arith.addi %mul3A_393, %mul3A_395 : i32
    %add3A_397 = arith.constant 200 : i32
    %add3A_398 = arith.addi %add3A_396, %add3A_397 : i32
    "tpu.region"() ({
      %run_scoped3A = tpu.sem_alloc : memref<!tpu.dma_semaphore, #tpu.memory_space<semaphore_mem>>
      %dma_start3A_443 = arith.constant 0 : i32
      %dma_start3A_444 = tpu.memref_slice %arg5[%add3A_398, %dma_start3A_443] : memref<20000x128xbf16, #tpu.memory_space<hbm>> -> memref<100x128xbf16, #tpu.memory_space<hbm>>
      %dma_start3A_445 = arith.constant 0 : i32
      %dma_start3A_446 = tpu.memref_slice %arg5[%add3A_398, %dma_start3A_445] : memref<20000x128xbf16, #tpu.memory_space<hbm>> -> memref<100x128xbf16, #tpu.memory_space<hbm>>
      tpu.enqueue_dma source(%arg9 : memref<100x128xbf16, #tpu.memory_space<vmem>>) target(%dma_start3A_446 : memref<100x128xbf16, #tpu.memory_space<hbm>>) target_semaphore(%run_scoped3A : memref<!tpu.dma_semaphore, #tpu.memory_space<semaphore_mem>>)
      %dma_wait3A_447 = arith.constant 0 : i32
      %dma_wait3A_448 = tpu.memref_slice %arg5[%add3A_398, %dma_wait3A_447] : memref<20000x128xbf16, #tpu.memory_space<hbm>> -> memref<100x128xbf16, #tpu.memory_space<hbm>>
      %dma_wait3A_449 = arith.constant 0 : i32
      %dma_wait3A_450 = tpu.memref_slice %arg5[%add3A_398, %dma_wait3A_449] : memref<20000x128xbf16, #tpu.memory_space<hbm>> -> memref<100x128xbf16, #tpu.memory_space<hbm>>
      tpu.wait_dma2 semaphore(%run_scoped3A : memref<!tpu.dma_semaphore, #tpu.memory_space<semaphore_mem>>) src(%arg9 : memref<100x128xbf16, #tpu.memory_space<vmem>>) dst(%dma_wait3A_450 : memref<100x128xbf16, #tpu.memory_space<hbm>>)
      tpu.yield
    }) : () -> ()
    %mul3A_399 = arith.constant 625 : i32
    %mul3A_400 = arith.muli %arg1, %mul3A_399 : i32
    %add3A_401 = arith.constant 300 : i32
    %add3A_402 = arith.addi %mul3A_400, %add3A_401 : i32
    "tpu.region"() ({
      %run_scoped3A = tpu.sem_alloc : memref<!tpu.dma_semaphore, #tpu.memory_space<semaphore_mem>>
      %dma_start3A_443 = arith.constant 0 : i32
      %dma_start3A_444 = tpu.memref_slice %arg6[%add3A_402, %dma_start3A_443] : memref<10000x128xbf16, #tpu.memory_space<vmem_shared>> -> memref<100x128xbf16, #tpu.memory_space<vmem_shared>>
      %dma_start3A_445 = arith.constant 0 : i32
      %dma_start3A_446 = tpu.memref_slice %arg6[%add3A_402, %dma_start3A_445] : memref<10000x128xbf16, #tpu.memory_space<vmem_shared>> -> memref<100x128xbf16, #tpu.memory_space<vmem_shared>>
      tpu.enqueue_dma source(%dma_start3A_446 : memref<100x128xbf16, #tpu.memory_space<vmem_shared>>) target(%arg9 : memref<100x128xbf16, #tpu.memory_space<vmem>>) target_semaphore(%run_scoped3A : memref<!tpu.dma_semaphore, #tpu.memory_space<semaphore_mem>>)
      %dma_wait3A_447 = arith.constant 0 : i32
      %dma_wait3A_448 = tpu.memref_slice %arg6[%add3A_402, %dma_wait3A_447] : memref<10000x128xbf16, #tpu.memory_space<vmem_shared>> -> memref<100x128xbf16, #tpu.memory_space<vmem_shared>>
      %dma_wait3A_449 = arith.constant 0 : i32
      %dma_wait3A_450 = tpu.memref_slice %arg6[%add3A_402, %dma_wait3A_449] : memref<10000x128xbf16, #tpu.memory_space<vmem_shared>> -> memref<100x128xbf16, #tpu.memory_space<vmem_shared>>
      tpu.wait_dma2 semaphore(%run_scoped3A : memref<!tpu.dma_semaphore, #tpu.memory_space<semaphore_mem>>) src(%dma_wait3A_450 : memref<100x128xbf16, #tpu.memory_space<vmem_shared>>) dst(%arg9 : memref<100x128xbf16, #tpu.memory_space<vmem>>)
      tpu.yield
    }) : () -> ()
    %mul3A_403 = arith.constant 10000 : i32
    %mul3A_404 = arith.muli %arg0, %mul3A_403 : i32
    %mul3A_405 = arith.constant 625 : i32
    %mul3A_406 = arith.muli %arg1, %mul3A_405 : i32
    %add3A_407 = arith.addi %mul3A_404, %mul3A_406 : i32
    %add3A_408 = arith.constant 300 : i32
    %add3A_409 = arith.addi %add3A_407, %add3A_408 : i32
    "tpu.region"() ({
      %run_scoped3A = tpu.sem_alloc : memref<!tpu.dma_semaphore, #tpu.memory_space<semaphore_mem>>
      %dma_start3A_443 = arith.constant 0 : i32
      %dma_start3A_444 = tpu.memref_slice %arg5[%add3A_409, %dma_start3A_443] : memref<20000x128xbf16, #tpu.memory_space<hbm>> -> memref<100x128xbf16, #tpu.memory_space<hbm>>
      %dma_start3A_445 = arith.constant 0 : i32
      %dma_start3A_446 = tpu.memref_slice %arg5[%add3A_409, %dma_start3A_445] : memref<20000x128xbf16, #tpu.memory_space<hbm>> -> memref<100x128xbf16, #tpu.memory_space<hbm>>
      tpu.enqueue_dma source(%arg9 : memref<100x128xbf16, #tpu.memory_space<vmem>>) target(%dma_start3A_446 : memref<100x128xbf16, #tpu.memory_space<hbm>>) target_semaphore(%run_scoped3A : memref<!tpu.dma_semaphore, #tpu.memory_space<semaphore_mem>>)
      %dma_wait3A_447 = arith.constant 0 : i32
      %dma_wait3A_448 = tpu.memref_slice %arg5[%add3A_409, %dma_wait3A_447] : memref<20000x128xbf16, #tpu.memory_space<hbm>> -> memref<100x128xbf16, #tpu.memory_space<hbm>>
      %dma_wait3A_449 = arith.constant 0 : i32
      %dma_wait3A_450 = tpu.memref_slice %arg5[%add3A_409, %dma_wait3A_449] : memref<20000x128xbf16, #tpu.memory_space<hbm>> -> memref<100x128xbf16, #tpu.memory_space<hbm>>
      tpu.wait_dma2 semaphore(%run_scoped3A : memref<!tpu.dma_semaphore, #tpu.memory_space<semaphore_mem>>) src(%arg9 : memref<100x128xbf16, #tpu.memory_space<vmem>>) dst(%dma_wait3A_450 : memref<100x128xbf16, #tpu.memory_space<hbm>>)
      tpu.yield
    }) : () -> ()
    %mul3A_410 = arith.constant 625 : i32
    %mul3A_411 = arith.muli %arg1, %mul3A_410 : i32
    %add3A_412 = arith.constant 400 : i32
    %add3A_413 = arith.addi %mul3A_411, %add3A_412 : i32
    "tpu.region"() ({
      %run_scoped3A = tpu.sem_alloc : memref<!tpu.dma_semaphore, #tpu.memory_space<semaphore_mem>>
      %dma_start3A_443 = arith.constant 0 : i32
      %dma_start3A_444 = tpu.memref_slice %arg6[%add3A_413, %dma_start3A_443] : memref<10000x128xbf16, #tpu.memory_space<vmem_shared>> -> memref<100x128xbf16, #tpu.memory_space<vmem_shared>>
      %dma_start3A_445 = arith.constant 0 : i32
      %dma_start3A_446 = tpu.memref_slice %arg6[%add3A_413, %dma_start3A_445] : memref<10000x128xbf16, #tpu.memory_space<vmem_shared>> -> memref<100x128xbf16, #tpu.memory_space<vmem_shared>>
      tpu.enqueue_dma source(%dma_start3A_446 : memref<100x128xbf16, #tpu.memory_space<vmem_shared>>) target(%arg9 : memref<100x128xbf16, #tpu.memory_space<vmem>>) target_semaphore(%run_scoped3A : memref<!tpu.dma_semaphore, #tpu.memory_space<semaphore_mem>>)
      %dma_wait3A_447 = arith.constant 0 : i32
      %dma_wait3A_448 = tpu.memref_slice %arg6[%add3A_413, %dma_wait3A_447] : memref<10000x128xbf16, #tpu.memory_space<vmem_shared>> -> memref<100x128xbf16, #tpu.memory_space<vmem_shared>>
      %dma_wait3A_449 = arith.constant 0 : i32
      %dma_wait3A_450 = tpu.memref_slice %arg6[%add3A_413, %dma_wait3A_449] : memref<10000x128xbf16, #tpu.memory_space<vmem_shared>> -> memref<100x128xbf16, #tpu.memory_space<vmem_shared>>
      tpu.wait_dma2 semaphore(%run_scoped3A : memref<!tpu.dma_semaphore, #tpu.memory_space<semaphore_mem>>) src(%dma_wait3A_450 : memref<100x128xbf16, #tpu.memory_space<vmem_shared>>) dst(%arg9 : memref<100x128xbf16, #tpu.memory_space<vmem>>)
      tpu.yield
    }) : () -> ()
    %mul3A_414 = arith.constant 10000 : i32
    %mul3A_415 = arith.muli %arg0, %mul3A_414 : i32
    %mul3A_416 = arith.constant 625 : i32
    %mul3A_417 = arith.muli %arg1, %mul3A_416 : i32
    %add3A_418 = arith.addi %mul3A_415, %mul3A_417 : i32
    %add3A_419 = arith.constant 400 : i32
    %add3A_420 = arith.addi %add3A_418, %add3A_419 : i32
    "tpu.region"() ({
      %run_scoped3A = tpu.sem_alloc : memref<!tpu.dma_semaphore, #tpu.memory_space<semaphore_mem>>
      %dma_start3A_443 = arith.constant 0 : i32
      %dma_start3A_444 = tpu.memref_slice %arg5[%add3A_420, %dma_start3A_443] : memref<20000x128xbf16, #tpu.memory_space<hbm>> -> memref<100x128xbf16, #tpu.memory_space<hbm>>
      %dma_start3A_445 = arith.constant 0 : i32
      %dma_start3A_446 = tpu.memref_slice %arg5[%add3A_420, %dma_start3A_445] : memref<20000x128xbf16, #tpu.memory_space<hbm>> -> memref<100x128xbf16, #tpu.memory_space<hbm>>
      tpu.enqueue_dma source(%arg9 : memref<100x128xbf16, #tpu.memory_space<vmem>>) target(%dma_start3A_446 : memref<100x128xbf16, #tpu.memory_space<hbm>>) target_semaphore(%run_scoped3A : memref<!tpu.dma_semaphore, #tpu.memory_space<semaphore_mem>>)
      %dma_wait3A_447 = arith.constant 0 : i32
      %dma_wait3A_448 = tpu.memref_slice %arg5[%add3A_420, %dma_wait3A_447] : memref<20000x128xbf16, #tpu.memory_space<hbm>> -> memref<100x128xbf16, #tpu.memory_space<hbm>>
      %dma_wait3A_449 = arith.constant 0 : i32
      %dma_wait3A_450 = tpu.memref_slice %arg5[%add3A_420, %dma_wait3A_449] : memref<20000x128xbf16, #tpu.memory_space<hbm>> -> memref<100x128xbf16, #tpu.memory_space<hbm>>
      tpu.wait_dma2 semaphore(%run_scoped3A : memref<!tpu.dma_semaphore, #tpu.memory_space<semaphore_mem>>) src(%arg9 : memref<100x128xbf16, #tpu.memory_space<vmem>>) dst(%dma_wait3A_450 : memref<100x128xbf16, #tpu.memory_space<hbm>>)
      tpu.yield
    }) : () -> ()
    %mul3A_421 = arith.constant 625 : i32
    %mul3A_422 = arith.muli %arg1, %mul3A_421 : i32
    %add3A_423 = arith.constant 500 : i32
    %add3A_424 = arith.addi %mul3A_422, %add3A_423 : i32
    "tpu.region"() ({
      %run_scoped3A = tpu.sem_alloc : memref<!tpu.dma_semaphore, #tpu.memory_space<semaphore_mem>>
      %dma_start3A_443 = arith.constant 0 : i32
      %dma_start3A_444 = tpu.memref_slice %arg6[%add3A_424, %dma_start3A_443] : memref<10000x128xbf16, #tpu.memory_space<vmem_shared>> -> memref<100x128xbf16, #tpu.memory_space<vmem_shared>>
      %dma_start3A_445 = arith.constant 0 : i32
      %dma_start3A_446 = tpu.memref_slice %arg6[%add3A_424, %dma_start3A_445] : memref<10000x128xbf16, #tpu.memory_space<vmem_shared>> -> memref<100x128xbf16, #tpu.memory_space<vmem_shared>>
      tpu.enqueue_dma source(%dma_start3A_446 : memref<100x128xbf16, #tpu.memory_space<vmem_shared>>) target(%arg9 : memref<100x128xbf16, #tpu.memory_space<vmem>>) target_semaphore(%run_scoped3A : memref<!tpu.dma_semaphore, #tpu.memory_space<semaphore_mem>>)
      %dma_wait3A_447 = arith.constant 0 : i32
      %dma_wait3A_448 = tpu.memref_slice %arg6[%add3A_424, %dma_wait3A_447] : memref<10000x128xbf16, #tpu.memory_space<vmem_shared>> -> memref<100x128xbf16, #tpu.memory_space<vmem_shared>>
      %dma_wait3A_449 = arith.constant 0 : i32
      %dma_wait3A_450 = tpu.memref_slice %arg6[%add3A_424, %dma_wait3A_449] : memref<10000x128xbf16, #tpu.memory_space<vmem_shared>> -> memref<100x128xbf16, #tpu.memory_space<vmem_shared>>
      tpu.wait_dma2 semaphore(%run_scoped3A : memref<!tpu.dma_semaphore, #tpu.memory_space<semaphore_mem>>) src(%dma_wait3A_450 : memref<100x128xbf16, #tpu.memory_space<vmem_shared>>) dst(%arg9 : memref<100x128xbf16, #tpu.memory_space<vmem>>)
      tpu.yield
    }) : () -> ()
    %mul3A_425 = arith.constant 10000 : i32
    %mul3A_426 = arith.muli %arg0, %mul3A_425 : i32
    %mul3A_427 = arith.constant 625 : i32
    %mul3A_428 = arith.muli %arg1, %mul3A_427 : i32
    %add3A_429 = arith.addi %mul3A_426, %mul3A_428 : i32
    %add3A_430 = arith.constant 500 : i32
    %add3A_431 = arith.addi %add3A_429, %add3A_430 : i32
    "tpu.region"() ({
      %run_scoped3A = tpu.sem_alloc : memref<!tpu.dma_semaphore, #tpu.memory_space<semaphore_mem>>
      %dma_start3A_443 = arith.constant 0 : i32
      %dma_start3A_444 = tpu.memref_slice %arg5[%add3A_431, %dma_start3A_443] : memref<20000x128xbf16, #tpu.memory_space<hbm>> -> memref<100x128xbf16, #tpu.memory_space<hbm>>
      %dma_start3A_445 = arith.constant 0 : i32
      %dma_start3A_446 = tpu.memref_slice %arg5[%add3A_431, %dma_start3A_445] : memref<20000x128xbf16, #tpu.memory_space<hbm>> -> memref<100x128xbf16, #tpu.memory_space<hbm>>
      tpu.enqueue_dma source(%arg9 : memref<100x128xbf16, #tpu.memory_space<vmem>>) target(%dma_start3A_446 : memref<100x128xbf16, #tpu.memory_space<hbm>>) target_semaphore(%run_scoped3A : memref<!tpu.dma_semaphore, #tpu.memory_space<semaphore_mem>>)
      %dma_wait3A_447 = arith.constant 0 : i32
      %dma_wait3A_448 = tpu.memref_slice %arg5[%add3A_431, %dma_wait3A_447] : memref<20000x128xbf16, #tpu.memory_space<hbm>> -> memref<100x128xbf16, #tpu.memory_space<hbm>>
      %dma_wait3A_449 = arith.constant 0 : i32
      %dma_wait3A_450 = tpu.memref_slice %arg5[%add3A_431, %dma_wait3A_449] : memref<20000x128xbf16, #tpu.memory_space<hbm>> -> memref<100x128xbf16, #tpu.memory_space<hbm>>
      tpu.wait_dma2 semaphore(%run_scoped3A : memref<!tpu.dma_semaphore, #tpu.memory_space<semaphore_mem>>) src(%arg9 : memref<100x128xbf16, #tpu.memory_space<vmem>>) dst(%dma_wait3A_450 : memref<100x128xbf16, #tpu.memory_space<hbm>>)
      tpu.yield
    }) : () -> ()
    %mul3A_432 = arith.constant 625 : i32
    %mul3A_433 = arith.muli %arg1, %mul3A_432 : i32
    %add3A_434 = arith.constant 600 : i32
    %add3A_435 = arith.addi %mul3A_433, %add3A_434 : i32
    "tpu.region"() ({
      %run_scoped3A = tpu.sem_alloc : memref<!tpu.dma_semaphore, #tpu.memory_space<semaphore_mem>>
      %dma_start3A_443 = arith.constant 0 : i32
      %dma_start3A_444 = arith.constant 0 : i32
      %dma_start3A_445 = tpu.memref_slice %arg9[%dma_start3A_443, %dma_start3A_444] : memref<100x128xbf16, #tpu.memory_space<vmem>> -> memref<25x128xbf16, #tpu.memory_space<vmem>>
      %dma_start3A_446 = arith.constant 0 : i32
      %dma_start3A_447 = tpu.memref_slice %arg6[%add3A_435, %dma_start3A_446] : memref<10000x128xbf16, #tpu.memory_space<vmem_shared>> -> memref<25x128xbf16, #tpu.memory_space<vmem_shared>>
      %dma_start3A_448 = arith.constant 0 : i32
      %dma_start3A_449 = arith.constant 0 : i32
      %dma_start3A_450 = tpu.memref_slice %arg9[%dma_start3A_448, %dma_start3A_449] : memref<100x128xbf16, #tpu.memory_space<vmem>> -> memref<25x128xbf16, #tpu.memory_space<vmem>>
      %dma_start3A_451 = arith.constant 0 : i32
      %dma_start3A_452 = tpu.memref_slice %arg6[%add3A_435, %dma_start3A_451] : memref<10000x128xbf16, #tpu.memory_space<vmem_shared>> -> memref<25x128xbf16, #tpu.memory_space<vmem_shared>>
      tpu.enqueue_dma source(%dma_start3A_452 : memref<25x128xbf16, #tpu.memory_space<vmem_shared>>) target(%dma_start3A_450 : memref<25x128xbf16, #tpu.memory_space<vmem>>) target_semaphore(%run_scoped3A : memref<!tpu.dma_semaphore, #tpu.memory_space<semaphore_mem>>)
      %dma_wait3A_453 = arith.constant 0 : i32
      %dma_wait3A_454 = arith.constant 0 : i32
      %dma_wait3A_455 = tpu.memref_slice %arg9[%dma_wait3A_453, %dma_wait3A_454] : memref<100x128xbf16, #tpu.memory_space<vmem>> -> memref<25x128xbf16, #tpu.memory_space<vmem>>
      %dma_wait3A_456 = arith.constant 0 : i32
      %dma_wait3A_457 = tpu.memref_slice %arg6[%add3A_435, %dma_wait3A_456] : memref<10000x128xbf16, #tpu.memory_space<vmem_shared>> -> memref<25x128xbf16, #tpu.memory_space<vmem_shared>>
      %dma_wait3A_458 = arith.constant 0 : i32
      %dma_wait3A_459 = arith.constant 0 : i32
      %dma_wait3A_460 = tpu.memref_slice %arg9[%dma_wait3A_458, %dma_wait3A_459] : memref<100x128xbf16, #tpu.memory_space<vmem>> -> memref<25x128xbf16, #tpu.memory_space<vmem>>
      %dma_wait3A_461 = arith.constant 0 : i32
      %dma_wait3A_462 = tpu.memref_slice %arg6[%add3A_435, %dma_wait3A_461] : memref<10000x128xbf16, #tpu.memory_space<vmem_shared>> -> memref<25x128xbf16, #tpu.memory_space<vmem_shared>>
      tpu.wait_dma2 semaphore(%run_scoped3A : memref<!tpu.dma_semaphore, #tpu.memory_space<semaphore_mem>>) src(%dma_wait3A_462 : memref<25x128xbf16, #tpu.memory_space<vmem_shared>>) dst(%dma_wait3A_460 : memref<25x128xbf16, #tpu.memory_space<vmem>>)
      tpu.yield
    }) : () -> ()
    %mul3A_436 = arith.constant 10000 : i32
    %mul3A_437 = arith.muli %arg0, %mul3A_436 : i32
    %mul3A_438 = arith.constant 625 : i32
    %mul3A_439 = arith.muli %arg1, %mul3A_438 : i32
    %add3A_440 = arith.addi %mul3A_437, %mul3A_439 : i32
    %add3A_441 = arith.constant 600 : i32
    %add3A_442 = arith.addi %add3A_440, %add3A_441 : i32
    "tpu.region"() ({
      %run_scoped3A = tpu.sem_alloc : memref<!tpu.dma_semaphore, #tpu.memory_space<semaphore_mem>>
      %dma_start3A_443 = arith.constant 0 : i32
      %dma_start3A_444 = arith.constant 0 : i32
      %dma_start3A_445 = tpu.memref_slice %arg9[%dma_start3A_443, %dma_start3A_444] : memref<100x128xbf16, #tpu.memory_space<vmem>> -> memref<25x128xbf16, #tpu.memory_space<vmem>>
      %dma_start3A_446 = arith.constant 0 : i32
      %dma_start3A_447 = tpu.memref_slice %arg5[%add3A_442, %dma_start3A_446] : memref<20000x128xbf16, #tpu.memory_space<hbm>> -> memref<25x128xbf16, #tpu.memory_space<hbm>>
      %dma_start3A_448 = arith.constant 0 : i32
      %dma_start3A_449 = tpu.memref_slice %arg5[%add3A_442, %dma_start3A_448] : memref<20000x128xbf16, #tpu.memory_space<hbm>> -> memref<25x128xbf16, #tpu.memory_space<hbm>>
      %dma_start3A_450 = arith.constant 0 : i32
      %dma_start3A_451 = arith.constant 0 : i32
      %dma_start3A_452 = tpu.memref_slice %arg9[%dma_start3A_450, %dma_start3A_451] : memref<100x128xbf16, #tpu.memory_space<vmem>> -> memref<25x128xbf16, #tpu.memory_space<vmem>>
      tpu.enqueue_dma source(%dma_start3A_452 : memref<25x128xbf16, #tpu.memory_space<vmem>>) target(%dma_start3A_449 : memref<25x128xbf16, #tpu.memory_space<hbm>>) target_semaphore(%run_scoped3A : memref<!tpu.dma_semaphore, #tpu.memory_space<semaphore_mem>>)
      %dma_wait3A_453 = arith.constant 0 : i32
      %dma_wait3A_454 = arith.constant 0 : i32
      %dma_wait3A_455 = tpu.memref_slice %arg9[%dma_wait3A_453, %dma_wait3A_454] : memref<100x128xbf16, #tpu.memory_space<vmem>> -> memref<25x128xbf16, #tpu.memory_space<vmem>>
      %dma_wait3A_456 = arith.constant 0 : i32
      %dma_wait3A_457 = tpu.memref_slice %arg5[%add3A_442, %dma_wait3A_456] : memref<20000x128xbf16, #tpu.memory_space<hbm>> -> memref<25x128xbf16, #tpu.memory_space<hbm>>
      %dma_wait3A_458 = arith.constant 0 : i32
      %dma_wait3A_459 = tpu.memref_slice %arg5[%add3A_442, %dma_wait3A_458] : memref<20000x128xbf16, #tpu.memory_space<hbm>> -> memref<25x128xbf16, #tpu.memory_space<hbm>>
      %dma_wait3A_460 = arith.constant 0 : i32
      %dma_wait3A_461 = arith.constant 0 : i32
      %dma_wait3A_462 = tpu.memref_slice %arg9[%dma_wait3A_460, %dma_wait3A_461] : memref<100x128xbf16, #tpu.memory_space<vmem>> -> memref<25x128xbf16, #tpu.memory_space<vmem>>
      tpu.wait_dma2 semaphore(%run_scoped3A : memref<!tpu.dma_semaphore, #tpu.memory_space<semaphore_mem>>) src(%dma_wait3A_462 : memref<25x128xbf16, #tpu.memory_space<vmem>>) dst(%dma_wait3A_459 : memref<25x128xbf16, #tpu.memory_space<hbm>>)
      tpu.yield
    }) : () -> ()
    return
  }
}

module attributes {stable_mosaic.version = 14 : i64} {
  func.func @_mm_body(%arg0: i32, %arg1: memref<1000x256xf32, #tpu.memory_space<vmem>>, %arg2: memref<256x256xf32, #tpu.memory_space<vmem>>, %arg3: memref<256x256xf32, #tpu.memory_space<vmem>>, %arg4: memref<1x256xf32, #tpu.memory_space<vmem>>, %arg5: memref<2x1000x16xf32, #tpu.memory_space<vmem>>, %arg6: memref<2x1000x128xbf16, #tpu.memory_space<vmem>>, %arg7: memref<1000x256xf32, #tpu.memory_space<vmem>>) attributes {dimension_semantics = [#tpu.dimension_semantics<arbitrary>], iteration_bounds = array<i64: 10>, scalar_prefetch = 0 : i64, scratch_operands = 0 : i64, tpu.core_type = #tpu.core_type<tc>, window_params = [{transform_indices = @transform_0, window_bounds = array<i64: 1000, 256>}, {pipeline_mode = #tpu.pipeline_mode<synchronous>, transform_indices = @transform_1, window_bounds = array<i64: 256, 256>}, {pipeline_mode = #tpu.pipeline_mode<synchronous>, transform_indices = @transform_2, window_bounds = array<i64: 256, 256>}, {pipeline_mode = #tpu.pipeline_mode<synchronous>, transform_indices = @transform_3, window_bounds = array<i64: 1, 256>}, {transform_indices = @transform_4, window_bounds = array<i64: 2, 1000, 16>}, {transform_indices = @transform_5, window_bounds = array<i64: 2, 1000, 128>}, {transform_indices = @transform_6, window_bounds = array<i64: 1000, 256>}]} {
    %get3A = arith.constant 0 : index
    %get3A_0 = arith.constant 0 : index
    %get3A_1 = vector.load %arg1[%get3A, %get3A_0] : memref<1000x256xf32, #tpu.memory_space<vmem>>, vector<1000x256xf32>
    %get3A_2 = arith.constant 0 : index
    %get3A_3 = arith.constant 0 : index
    %get3A_4 = arith.constant 0 : index
    %get3A_5 = vector.load %arg5[%get3A_2, %get3A_3, %get3A_4] : memref<2x1000x16xf32, #tpu.memory_space<vmem>>, vector<1x1000x1xf32>
    %get3A_6 = vector.shape_cast %get3A_5 : vector<1x1000x1xf32> to vector<1000x1xf32>
    %get3A_7 = arith.constant 1 : index
    %get3A_8 = arith.constant 0 : index
    %get3A_9 = arith.constant 0 : index
    %get3A_10 = vector.load %arg5[%get3A_7, %get3A_8, %get3A_9] : memref<2x1000x16xf32, #tpu.memory_space<vmem>>, vector<1x1000x1xf32>
    %get3A_11 = vector.shape_cast %get3A_10 : vector<1x1000x1xf32> to vector<1000x1xf32>
    %add3A = arith.addf %get3A_6, %get3A_11 : vector<1000x1xf32>
    %add3A_12 = arith.constant 1.000000e+00 : f32
    %add3A_13 = vector.broadcast %add3A_12 : f32 to vector<1000x1xf32>
    %add3A_14 = arith.addf %add3A, %add3A_13 : vector<1000x1xf32>
    %rsqrt3A = math.rsqrt %add3A_14 : vector<1000x1xf32>
    %get3A_15 = arith.constant 0 : index
    %get3A_16 = arith.constant 0 : index
    %get3A_17 = vector.load %arg2[%get3A_15, %get3A_16] : memref<256x256xf32, #tpu.memory_space<vmem>>, vector<256x256xf32>
    %dot_general3A = arith.constant dense<0.000000e+00> : vector<1000x256xf32>
    %dot_general3A_18 = tpu.matmul %get3A_1, %get3A_17, %dot_general3A {dimension_numbers = #tpu.dot_dimension_numbers<[1], [0], [0], [1], [0, 0, 1, 1], [], []>, transpose_lhs_hint = false} : vector<1000x256xf32>, vector<256x256xf32>, vector<1000x256xf32> -> vector<1000x256xf32>
    %mul3A = vector.broadcast %rsqrt3A : vector<1000x1xf32> to vector<1000x256xf32>
    %mul3A_19 = arith.mulf %dot_general3A_18, %mul3A : vector<1000x256xf32>
    %convert_element_type3A = arith.truncf %mul3A_19 : vector<1000x256xf32> to vector<1000x256xbf16>
    %slice3A = vector.extract_strided_slice %convert_element_type3A {offsets = [0, 0], sizes = [1000, 128], strides = [1, 1]} : vector<1000x256xbf16> to vector<1000x128xbf16>
    %swap3A = arith.constant 0 : index
    %swap3A_20 = arith.constant 0 : index
    %swap3A_21 = arith.constant 0 : index
    %swap3A_22 = vector.load %arg6[%swap3A, %swap3A_20, %swap3A_21] : memref<2x1000x128xbf16, #tpu.memory_space<vmem>>, vector<1x1000x128xbf16>
    %swap3A_23 = vector.shape_cast %swap3A_22 : vector<1x1000x128xbf16> to vector<1000x128xbf16>
    %swap3A_24 = vector.shape_cast %slice3A : vector<1000x128xbf16> to vector<1x1000x128xbf16>
    tpu.vector_store %arg6[%swap3A, %swap3A_20, %swap3A_21], %swap3A_24 {strides = array<i32>} : memref<2x1000x128xbf16, #tpu.memory_space<vmem>>, vector<1x1000x128xbf16>,
    %slice3A_25 = vector.extract_strided_slice %convert_element_type3A {offsets = [0, 128], sizes = [1000, 128], strides = [1, 1]} : vector<1000x256xbf16> to vector<1000x128xbf16>
    %swap3A_26 = arith.constant 1 : index
    %swap3A_27 = arith.constant 0 : index
    %swap3A_28 = arith.constant 0 : index
    %swap3A_29 = vector.load %arg6[%swap3A_26, %swap3A_27, %swap3A_28] : memref<2x1000x128xbf16, #tpu.memory_space<vmem>>, vector<1x1000x128xbf16>
    %swap3A_30 = vector.shape_cast %swap3A_29 : vector<1x1000x128xbf16> to vector<1000x128xbf16>
    %swap3A_31 = vector.shape_cast %slice3A_25 : vector<1000x128xbf16> to vector<1x1000x128xbf16>
    tpu.vector_store %arg6[%swap3A_26, %swap3A_27, %swap3A_28], %swap3A_31 {strides = array<i32>} : memref<2x1000x128xbf16, #tpu.memory_space<vmem>>, vector<1x1000x128xbf16>,
    %get3A_32 = arith.constant 0 : index
    %get3A_33 = arith.constant 0 : index
    %get3A_34 = vector.load %arg3[%get3A_32, %get3A_33] : memref<256x256xf32, #tpu.memory_space<vmem>>, vector<256x256xf32>
    %dot_general3A_35 = arith.constant dense<0.000000e+00> : vector<1000x256xf32>
    %dot_general3A_36 = tpu.matmul %get3A_1, %get3A_34, %dot_general3A_35 {dimension_numbers = #tpu.dot_dimension_numbers<[1], [0], [0], [1], [0, 0, 1, 1], [], []>, transpose_lhs_hint = false} : vector<1000x256xf32>, vector<256x256xf32>, vector<1000x256xf32> -> vector<1000x256xf32>
    %get3A_37 = arith.constant 0 : index
    %get3A_38 = arith.constant 0 : index
    %get3A_39 = vector.load %arg4[%get3A_37, %get3A_38] : memref<1x256xf32, #tpu.memory_space<vmem>>, vector<1x256xf32>
    %add3A_40 = vector.broadcast %get3A_39 : vector<1x256xf32> to vector<1000x256xf32>
    %add3A_41 = arith.addf %dot_general3A_36, %add3A_40 : vector<1000x256xf32>
    %swap3A_42 = arith.constant 0 : index
    %swap3A_43 = arith.constant 0 : index
    %swap3A_44 = vector.load %arg7[%swap3A_42, %swap3A_43] : memref<1000x256xf32, #tpu.memory_space<vmem>>, vector<1000x256xf32>
    tpu.vector_store %arg7[%swap3A_42, %swap3A_43], %add3A_41 {strides = array<i32>} : memref<1000x256xf32, #tpu.memory_space<vmem>>, vector<1000x256xf32>,
    return
  }
  func.func @transform_0(%arg0: i32) -> (i32, i32) {
    %c0_i32 = arith.constant 0 : i32
    %c0_i32_0 = arith.constant 0 : i32
    return %arg0, %c0_i32 : i32, i32
  }
  func.func @transform_1(%arg0: i32) -> (i32, i32) {
    %c0_i32 = arith.constant 0 : i32
    %c0_i32_0 = arith.constant 0 : i32
    %c0_i32_1 = arith.constant 0 : i32
    return %c0_i32, %c0_i32_0 : i32, i32
  }
  func.func @transform_2(%arg0: i32) -> (i32, i32) {
    %c0_i32 = arith.constant 0 : i32
    %c0_i32_0 = arith.constant 0 : i32
    %c0_i32_1 = arith.constant 0 : i32
    return %c0_i32, %c0_i32_0 : i32, i32
  }
  func.func @transform_3(%arg0: i32) -> (i32, i32) {
    %c0_i32 = arith.constant 0 : i32
    %c0_i32_0 = arith.constant 0 : i32
    %c0_i32_1 = arith.constant 0 : i32
    return %c0_i32, %c0_i32_0 : i32, i32
  }
  func.func @transform_4(%arg0: i32) -> (i32, i32, i32) {
    %c0_i32 = arith.constant 0 : i32
    %c0_i32_0 = arith.constant 0 : i32
    %c0_i32_1 = arith.constant 0 : i32
    return %c0_i32, %arg0, %c0_i32_0 : i32, i32, i32
  }
  func.func @transform_5(%arg0: i32) -> (i32, i32, i32) {
    %c0_i32 = arith.constant 0 : i32
    %c0_i32_0 = arith.constant 0 : i32
    %c0_i32_1 = arith.constant 0 : i32
    return %c0_i32, %arg0, %c0_i32_0 : i32, i32, i32
  }
  func.func @transform_6(%arg0: i32) -> (i32, i32) {
    %c0_i32 = arith.constant 0 : i32
    %c0_i32_0 = arith.constant 0 : i32
    return %arg0, %c0_i32 : i32, i32
  }
}

module attributes {stable_mosaic.version = 14 : i64} {
  func.func @_epi_body(%arg0: i32, %arg1: memref<2x1000x128xbf16, #tpu.memory_space<vmem>>, %arg2: memref<1000x256xf32, #tpu.memory_space<vmem>>, %arg3: memref<2x1000x16xf32, #tpu.memory_space<vmem>>, %arg4: memref<1000x256xf32, #tpu.memory_space<vmem>>) attributes {dimension_semantics = [#tpu.dimension_semantics<arbitrary>], iteration_bounds = array<i64: 10>, scalar_prefetch = 0 : i64, scratch_operands = 0 : i64, tpu.core_type = #tpu.core_type<tc>, window_params = [{transform_indices = @transform_0, window_bounds = array<i64: 2, 1000, 128>}, {transform_indices = @transform_1, window_bounds = array<i64: 1000, 256>}, {transform_indices = @transform_2, window_bounds = array<i64: 2, 1000, 16>}, {transform_indices = @transform_3, window_bounds = array<i64: 1000, 256>}]} {
    %get3A = arith.constant 0 : index
    %get3A_0 = arith.constant 0 : index
    %get3A_1 = arith.constant 0 : index
    %get3A_2 = vector.load %arg3[%get3A, %get3A_0, %get3A_1] : memref<2x1000x16xf32, #tpu.memory_space<vmem>>, vector<1x1000x1xf32>
    %get3A_3 = vector.shape_cast %get3A_2 : vector<1x1000x1xf32> to vector<1000x1xf32>
    %get3A_4 = arith.constant 1 : index
    %get3A_5 = arith.constant 0 : index
    %get3A_6 = arith.constant 0 : index
    %get3A_7 = vector.load %arg3[%get3A_4, %get3A_5, %get3A_6] : memref<2x1000x16xf32, #tpu.memory_space<vmem>>, vector<1x1000x1xf32>
    %get3A_8 = vector.shape_cast %get3A_7 : vector<1x1000x1xf32> to vector<1000x1xf32>
    %add3A = arith.addf %get3A_3, %get3A_8 : vector<1000x1xf32>
    %add3A_9 = arith.constant 1.000000e+00 : f32
    %add3A_10 = vector.broadcast %add3A_9 : f32 to vector<1000x1xf32>
    %add3A_11 = arith.addf %add3A, %add3A_10 : vector<1000x1xf32>
    %rsqrt3A = math.rsqrt %add3A_11 : vector<1000x1xf32>
    %get3A_12 = arith.constant 0 : index
    %get3A_13 = arith.constant 0 : index
    %get3A_14 = arith.constant 0 : index
    %get3A_15 = vector.load %arg1[%get3A_12, %get3A_13, %get3A_14] : memref<2x1000x128xbf16, #tpu.memory_space<vmem>>, vector<1x1000x128xbf16>
    %get3A_16 = vector.shape_cast %get3A_15 : vector<1x1000x128xbf16> to vector<1000x128xbf16>
    %get3A_17 = arith.constant 1 : index
    %get3A_18 = arith.constant 0 : index
    %get3A_19 = arith.constant 0 : index
    %get3A_20 = vector.load %arg1[%get3A_17, %get3A_18, %get3A_19] : memref<2x1000x128xbf16, #tpu.memory_space<vmem>>, vector<1x1000x128xbf16>
    %get3A_21 = vector.shape_cast %get3A_20 : vector<1x1000x128xbf16> to vector<1000x128xbf16>
    %concatenate3A = tpu.concatenate %get3A_16, %get3A_21 in 1 : vector<1000x128xbf16>, vector<1000x128xbf16> -> vector<1000x256xbf16>
    %convert_element_type3A = arith.extf %concatenate3A : vector<1000x256xbf16> to vector<1000x256xf32>
    %mul3A = vector.broadcast %rsqrt3A : vector<1000x1xf32> to vector<1000x256xf32>
    %mul3A_22 = arith.mulf %convert_element_type3A, %mul3A : vector<1000x256xf32>
    %get3A_23 = arith.constant 0 : index
    %get3A_24 = arith.constant 0 : index
    %get3A_25 = vector.load %arg2[%get3A_23, %get3A_24] : memref<1000x256xf32, #tpu.memory_space<vmem>>, vector<1000x256xf32>
    %add3A_26 = arith.addf %mul3A_22, %get3A_25 : vector<1000x256xf32>
    %max3A = arith.constant 0.000000e+00 : f32
    %max3A_27 = vector.broadcast %max3A : f32 to vector<1000x256xf32>
    %max3A_28 = arith.maximumf %add3A_26, %max3A_27 : vector<1000x256xf32>
    %swap3A = arith.constant 0 : index
    %swap3A_29 = arith.constant 0 : index
    %swap3A_30 = vector.load %arg4[%swap3A, %swap3A_29] : memref<1000x256xf32, #tpu.memory_space<vmem>>, vector<1000x256xf32>
    tpu.vector_store %arg4[%swap3A, %swap3A_29], %max3A_28 {strides = array<i32>} : memref<1000x256xf32, #tpu.memory_space<vmem>>, vector<1000x256xf32>,
    return
  }
  func.func @transform_0(%arg0: i32) -> (i32, i32, i32) {
    %c0_i32 = arith.constant 0 : i32
    %c0_i32_0 = arith.constant 0 : i32
    %c0_i32_1 = arith.constant 0 : i32
    return %c0_i32, %arg0, %c0_i32_0 : i32, i32, i32
  }
  func.func @transform_1(%arg0: i32) -> (i32, i32) {
    %c0_i32 = arith.constant 0 : i32
    %c0_i32_0 = arith.constant 0 : i32
    return %arg0, %c0_i32 : i32, i32
  }
  func.func @transform_2(%arg0: i32) -> (i32, i32, i32) {
    %c0_i32 = arith.constant 0 : i32
    %c0_i32_0 = arith.constant 0 : i32
    %c0_i32_1 = arith.constant 0 : i32
    return %c0_i32, %arg0, %c0_i32_0 : i32, i32, i32
  }
  func.func @transform_3(%arg0: i32) -> (i32, i32) {
    %c0_i32 = arith.constant 0 : i32
    %c0_i32_0 = arith.constant 0 : i32
    return %arg0, %c0_i32 : i32, i32
  }
}

</mosaic_0001>

<sc_bundles>
// kernel: kernel.6.cloned.1.call-start
scs
__scs_entry_jumppad:
0x0: {  	(pc) =	sbr.rel $0x88, $3  }
0x1: {  	(tag) =	ssettag $0x0;
	lr =	simm.s32 $0x1  }
0x2: {  	[smem:$0x3F9B] =	sst lr;
	_ =	strace $0xD0000000  }
0x3: {  	_ = 	snop  }
0x4: {  	_ = 	snop  }
0x5: {  	_ = 	snop  }
0x6: {  	_ = 	snop  }
0x7: {  	_ = 	snop  }
__scs_overlays_trampoline_lowered:
0x8: {  	[smem:$0x3FAA] =	sst s0  }
0x9: {  	[smem:$0x3FAB] =	sst s1  }
0xa: {  	[smem:$0x3FAC] =	sst s2  }
0xb: {  	[smem:$0x3FAD] =	sst s3  }
0xc: {  	[smem:$0x3FAE] =	sst s4  }
0xd: {  	[smem:$0x3FAF] =	sst s5  }
0xe: {  	[smem:$0x3FB0] =	sst s6  }
0xf: {  	[smem:$0x3FB1] =	sst s7  }
0x10: {  	[smem:$0x3FB2] =	sst s8  }
0x11: {  	[smem:$0x3FB3] =	sst s9;
	s0 =	simm.s32 @!p0 $0x0  }
0x12: {  	s1 =	sld [smem:$0x3F99];
	s0 =	simm.s32 @p0 $0x1  }
0x13: {  	[smem:$0x3FB4] =	sst s0;
	s0 =	simm.s32 @!p1 $0x0  }
0x14: {  	s2 =	sld [smem:$0x3F98];
	s0 =	simm.s32 @p1 $0x1  }
0x15: {  	[smem:$0x3FB5] =	sst s0;
	s0 =	simm.s32 @!p2 $0x0  }
0x16: {  	s3 =	sld [smem:$0x3FDB];
	s0 =	simm.s32 @p2 $0x1  }
0x17: {  	s4 =	simm.s32 $0x1BF5;
	[smem:$0x3FB7] =	sst s0  }
0x18: {  	s0 =	sld [smem:$0x3F9A];
	_ =	swait.ge [sflag:s4], $0x0  }
0x19: {  	s7 =	sld [smem:$0x3F9B]  }
0x1a: {  	s8 =	sadd.s32 $0xFFFFE003, lr  }
0x1b: {  	s9 =	sadd.s32 $0xFFFFFEF7, lr;
	s5 =	simm.s32 $0xFFFFFFFF;
	p2 =	slt.u32 s8, $0xFFFFF086  }
0x1c: {  	p1 =	slt.u32 s9, $0xF7A;
	s5 =	simm.s32 @!p2 $0x0  }
0x1d: {  	s5 =	simm.s32 @p1 $0x1;
	p0 =	seq.s32 s7, s2  }
0x1e: {  	s7 =	smul.u32 @!p0 $0xF7A, s2;
	p2 =	seq.s32 @!p0 s5, $0x0  }
0x1f: {  	s9 =	smul.u32 $0xF7A, s1;
	s8 =	simm.s32 @!p0 $0x1BF5;
	p2 =	por !p2, p0  }
0x20: {  	[sflag:s8] =	ssyncset.s32 @!p0 $0xFFFFF086;
	s6 =	sadd.s32 @!p0 s3, s7;
	s7 =	simm.s32 @!p0 $0x108  }
0x21: {  	s3 =	sadd.s32 s3, s9;
	s6 =	sadd.s32 @!p0 $0x88, s6;
	s7 =	simm.s32 @p2 $0x1082  }
0x22: {  	[simem:s7], [sflag:s8] =	dma.local @!p0 [hbm:s6], $0xF7A  }
0x23: {  	s9 =	sor.u32 $0xD0000000, s2;
	s6 =	simm.s32 $0x108;
	_ =	swait.ge @!p0 [sflag:s8], $0x0  }
0x24: {  	s3 =	sadd.s32 $0x88, s3;
	s6 =	simm.s32 @!p1 $0x1082;
	[sflag:s4] =	ssyncset.s32 $0xFFFFF086  }
0x25: {  	[simem:s6], [sflag:s4] =	dma.local [hbm:s3], $0xF7A  }
0x26: {  	[smem:$0x3F9B] =	sst s1;
	(tag) =	ssettag s2;
	_ =	strace s9  }
0x27: {  	s1 =	sld [smem:$0x3FAB]  }
0x28: {  	s2 =	sld [smem:$0x3FAC]  }
0x29: {  	s4 =	sld [smem:$0x3FAE]  }
0x2a: {  	p0 =	seq.s32 s5, $0x0;
	s5 =	sld [smem:$0x3FAF]  }
0x2b: {  	s6 =	sld [smem:$0x3FB0]  }
0x2c: {  	s7 =	sld [smem:$0x3FB1]  }
0x2d: {  	s3 =	simm.s32 $0x108;
	s8 =	sld [smem:$0x3FB2]  }
0x2e: {  	s3 =	simm.s32 @!p0 $0x1082;
	s9 =	sld [smem:$0x3FB3]  }
0x2f: {  	lr =	sadd.s32 s0, s3;
	s0 =	sld [smem:$0x3FAA]  }
0x30: {  	s3 =	sld [smem:$0x3FAD]  }
0x31: {  	[smem:$0x3FB6] =	sst s10  }
0x32: {  	s10 =	sld [smem:$0x3FB4];
	_ =	sdelay $0x3  }
0x33: {  	p0 =	seq.s32 s10, $0x1;
	s10 =	sld [smem:$0x3FB6];
	_ =	sdelay $0x3  }
0x34: {  	[smem:$0x3FB6] =	sst s10  }
0x35: {  	s10 =	sld [smem:$0x3FB5];
	_ =	sdelay $0x3  }
0x36: {  	p1 =	seq.s32 s10, $0x1;
	s10 =	sld [smem:$0x3FB6];
	_ =	sdelay $0x3  }
0x37: {  	[smem:$0x3FB6] =	sst s10  }
0x38: {  	s10 =	sld [smem:$0x3FB7]  }
0x39: {  	_ = 	snop;
	(pc) =	sbr.ind lr, $3  }
0x3a: {  	_ = 	snop  }
0x3b: {  	_ = 	snop  }
0x3c: {  	p2 =	seq.s32 s10, $0x1;
	s10 =	sld [smem:$0x3FB6]  }
0x3d: {  	_ =	shalt  }
0x3e: {  	_ =	shalt  }
0x3f: {  	_ =	shalt  }
0x40: {  	_ =	shalt  }
0x41: {  	_ =	shalt  }
0x42: {  	_ =	shalt  }
0x43: {  	_ =	shalt  }
0x44: {  	_ =	shalt  }
0x45: {  	_ =	shalt  }
0x46: {  	_ =	shalt  }
0x47: {  	_ =	shalt  }
0x48: {  	_ =	shalt  }
0x49: {  	_ =	shalt  }
0x4a: {  	_ =	shalt  }
0x4b: {  	_ =	shalt  }
0x4c: {  	_ =	shalt  }
0x4d: {  	_ =	shalt  }
0x4e: {  	_ =	shalt  }
0x4f: {  	_ =	shalt  }
0x50: {  	_ =	shalt  }
0x51: {  	_ =	shalt  }
0x52: {  	_ =	shalt  }
0x53: {  	_ =	shalt  }
0x54: {  	_ =	shalt  }
0x55: {  	_ =	shalt  }
0x56: {  	_ =	shalt  }
0x57: {  	_ =	shalt  }
0x58: {  	_ =	shalt  }
0x59: {  	_ =	shalt  }
0x5a: {  	_ =	shalt  }
0x5b: {  	_ =	shalt  }
0x5c: {  	_ =	shalt  }
0x5d: {  	_ =	shalt  }
0x5e: {  	_ =	shalt  }
0x5f: {  	_ =	shalt  }
0x60: {  	_ =	shalt  }
0x61: {  	_ =	shalt  }
0x62: {  	_ =	shalt  }
0x63: {  	_ =	shalt  }
0x64: {  	_ =	shalt  }
0x65: {  	_ =	shalt  }
0x66: {  	_ =	shalt  }
0x67: {  	_ =	shalt  }
0x68: {  	_ =	shalt  }
0x69: {  	_ =	shalt  }
0x6a: {  	_ =	shalt  }
0x6b: {  	_ =	shalt  }
0x6c: {  	_ =	shalt  }
0x6d: {  	_ =	shalt  }
0x6e: {  	_ =	shalt  }
0x6f: {  	_ =	shalt  }
0x70: {  	_ =	shalt  }
0x71: {  	_ =	shalt  }
0x72: {  	_ =	shalt  }
0x73: {  	_ =	shalt  }
0x74: {  	_ =	shalt  }
0x75: {  	_ =	shalt  }
0x76: {  	_ =	shalt  }
0x77: {  	_ =	shalt  }
0x78: {  	_ =	shalt  }
0x79: {  	_ =	shalt  }
0x7a: {  	_ =	shalt  }
0x7b: {  	_ =	shalt  }
0x7c: {  	_ =	shalt  }
0x7d: {  	_ =	shalt  }
0x7e: {  	_ =	shalt  }
0x7f: {  	_ =	shalt  }
0x80: {  	_ =	shalt  }
0x81: {  	_ =	shalt  }
0x82: {  	_ =	shalt  }
0x83: {  	_ =	shalt  }
0x84: {  	_ =	shalt  }
0x85: {  	_ =	shalt  }
0x86: {  	_ =	shalt  }
0x87: {  	_ =	shalt  }
.Lfunc_end0:
.L_simem_size_0:
called_computation_lowered:
.L_overlay_start_0:
0x88: {  	s2 =	sld [smem:$0x3FD9]  }
0x89: {  	s3 =	sld [smem:$0x3FFE];
	_ =	sdelay $0x1  }
0x8a: {  	s1 =	srdreg.scid  }
0x8b: {  	s0 =	sand.u32 $0x1, s1  }
0x8c: {  	s17 =	sshll.u32 s0, $0xA;
	s2 =	sadd.s32 s3, s2  }
0x8d: {  	s2 =	sadd.s32 s2, s17  }
0x8e: {  	[smem:$0x3FC2] =	sst s2  }
0x8f: {  	_ = 	snop  }
0x90: {  	s2 =	sld [smem:$0x3FD0];
	(tm) =	ssettm $0x1  }
0x91: {  	s18 =	sld [smem:$0x3FFB];
	_ =	sdelay $0x3  }
0x92: {  	_ =	strace s18  }
0x93: {  	s3 =	sld [smem:$0x3FFC];
	_ =	sdelay $0x3  }
0x94: {  	_ =	strace s3  }
0x95: {  	s3 =	sld [smem:$0x3FFD];
	_ =	sdelay $0x3  }
0x96: {  	_ =	strace s3  }
0x97: {  	_ =	strace $0x8FFFFFFF  }
0x98: {  	s19 =	sld [smem:$0x3FDB];
	_ =	sdelay $0x1  }
0x99: {  	s4 =	simm.s32 $_scs_section_size  }
0x9a: {  	s5 =	simm.s32 $_size__tile_overlayer_lowered;
	s6 =	simm.s32 $_tile_overlayer_lowered  }
0x9b: {  	s22 =	simm.s32 $0x1BFF;
	s21 =	sshll.u32 s6, $0x1;
	s3 =	sadd.s32 s4, s19  }
0x9c: {  	s7 =	simm.s32 $0x0;
	s20 =	sshll.u32 s5, $0x1;
	s5 =	sadd.s32 s21, s3  }
0x9d: {  	[timem:s7], [sflag:s22] =	dma.local [hbm:s5], s20  }
0x9e: {  	_ =	swait.ge [sflag:s22], s20  }
0x9f: {  	s4 =	ssub.s32 $0x0, s20;
	[sflag:s22] =	ssyncset.done $0x0  }
0xa0: {  	[sflag:s22] =	ssyncadd.s32 s4;
	_ =	sdelay $0x1  }
0xa1: {  	s23 =	simm.s32 $0x1B8B  }
0xa2: {  	_ =	swait.ge [sflag:s23], $0x1  }
0xa3: {  	[sflag:s23] =	ssyncset.done $0x0  }
0xa4: {  	s25 =	simm.s32 $0x1B8E;
	s24 =	sld [smem:$0x3FFE];
	[sflag:s23] =	ssyncadd.s32 $0xFFFFFFFF  }
0xa5: {  	s26 =	simm.s32 $execute0_lowered;
	[smem:$0x3FD2] =	sst s25  }
0xa6: {  	s5 =	sshll.u32 s26, $0x1;
	_ =	strace $0x80000046;
	[dreg:$0x1] =	wrdreg $0xFFFFFFFF  }
0xa7: {  	s28 =	simm.s32 $_size_execute0_lowered;
	s3 =	sadd.s32 s3, s5;
	[dreg:$0x0] =	wrdreg $0x0  }
0xa8: {  	s5 =	sshll.u32 s28, $0x1;
	[dreg:$0x2] =	wrdreg s3  }
0xa9: {  	[dreg:$0x3] =	wrdreg s5  }
0xaa: {  	[dreg:$0x4] =	wrdreg $0xC0  }
0xab: {  	_ =	task [dreg:s7], $0x5FFFF  }
0xac: {  	[dreg:$0x1] =	wrdreg $0xFFFFFFFF  }
0xad: {  	[dreg:$0x0] =	wrdreg $0x60  }
0xae: {  	[dreg:$0x2] =	wrdreg s24  }
0xaf: {  	[dreg:$0x3] =	wrdreg s2  }
0xb0: {  	[dreg:$0x4] =	wrdreg $0x0  }
0xb1: {  	[dreg:$0x5] =	wrdreg $0x9  }
0xb2: {  	_ =	task.clear_ibuf [dreg:s7], $0x6FFFF;
	_ =	strace $0x90000046  }
0xb3: {  	s29 =	simm.s32 $0x9;
	_ =	strace $0x80000048  }
0xb4: {  	_ =	swait.ge [sflag:s29], $0x1  }
0xb5: {  	[sflag:s29] =	ssyncadd.s32 $0xFFFFFFFF  }
0xb6: {  	_ =	strace $0x90000048  }
0xb7: {  	_ =	sfence  }
0xb8: {  	s30 =	sld [smem:$0x0];
	_ =	sdelay $0x2  }
0xb9: {  	s31 =	sshll.u32 s1, $0xD;
	s1 =	sshrl.u32 s1, $0x2  }
0xba: {  	s3 =	sand.u32 $0x4000, s31;
	s1 =	sadd.s32 s1, s30  }
0xbb: {  	s0 =	sor.u32 s3, s0;
	s1 =	sshll.u32 s1, $0x11  }
0xbc: {  	s0 =	sor.u32 s1, s0  }
0xbd: {  	s0 =	sadd.s32 $0x8F2B, s0  }
0xbe: {  	[sflag:s0] =	ssyncadd.remote.s32 $0x1  }
0xbf: {  	_ =	sfence.sel $0xFFFF  }
0xc0: {  	[dreg:$0x0] =	wrdreg $0xFFFFFFFF;
	(pc) =	sbr.abs _section_cstart, $3  }
0xc1: {  	[dreg:$0x1] =	wrdreg $0xFFFFFFFF  }
0xc2: {  	_ =	task.clear_ibuf [dreg:s7], $0x2FFFF;
	_ =	strace $0x9FFFFFFF  }
0xc3: {  	(tm) =	ssettm $0x7FFFFFFF  }
tec
execute0_lowered:
.L_overlay_start_1:
0x0: {  	(tag) =	ssettag $0x1  }
0x1: {  	s5 =	rddreg [dreg:$0x0]  }
0x2: {  	s0 =	srdreg.scid;
	s12 =	rddreg [dreg:$0x1]  }
0x3: {  	s2 =	rddreg [dreg:$0x2];
	s1 =	stileid.u32  }
0x4: {  	s3 =	simm.s32 $0x0;
	s18 =	simm.s32 $0x41A0;
	s19 =	simm.s32 $0x2  }
0x5: {  	s20 =	simm.s32 $0x3B60;
	s21 =	simm.s32 $0x2710;
	s22 =	simm.s32 $0x64  }
0x6: {  	s23 =	simm.s32 $0x1;
	s6 =	sand.u32 $0x1, s0;
	s0 =	rddreg [dreg:$0x3]  }
0x7: {  	s24 =	simm.s32 $0x0;
	[smem:$0x7FF] =	sst s3;
	s7 =	smul.u32 $0x9C40, s1  }
0x8: {  	s8 =	smul.u32 $0x271, s1;
	s4 =	sshll.u32 s6, $0x4;
	_ =	strace $0x80000047  }
0x9: {  	s9 =	ssub.s32 $0x2, s6;
	s10 =	smul.u32 $0x2710, s6;
	s4 =	sor.u32 s1, s4  }
0xa: {  	s7 =	sshrl.u32 s7, $0x2;
	s13 =	sshrl.u32 s9, $0x1;
	s4 =	smul.u32 $0x28A, s4  }
0xb: {  	s6 =	sadd.s32 s7, s2;
	s17 =	ssub.s32 s9, s13;
	s10 =	sadd.s32 s8, s10  }
0xc: {  	s7 =	sadd.s32 $0x7D0, s6;
	s8 =	sadd.s32 $0xFA0, s6;
	s9 =	sadd.s32 $0x1770, s6  }
0xd: {  	s31 =	sshll.u32 s10, $0x1;
	s10 =	sadd.s32 $0x1F40, s6;
	s17 =	smax.u32 s17, $0x1  }
0xe: {  	s11 =	sadd.s32 s4, s5;
	s4 =	sadd.s32 $0x5E00, s5;
	s12 =	sadd.s32 s12, s31  }
0xf: {  	s5 =	sadd.s32 $0x5C00, s5;
	s11 =	sadd.s32 $0xA00, s11;
	s13 =	sadd.s32 $0xFA, s12  }
0x10: {  	s14 =	sadd.s32 $0x1F4, s12;
	s15 =	sadd.s32 $0x2EE, s12;
	s16 =	sadd.s32 $0x3E8, s12  }
.LBB2_1:
0x11: {  	[tilespmem:s18], [sflag:$0x2] =	stream.linear.gather [hbm4b:s4+s3], $0x7D0, $0x38;
	[tilespmem:$0x4970] =	vst v63  }
0x12: {  	_ =	swait.ge [sflag:s19], $0x7D0  }
0x13: {  	[sflag:s19] =	ssyncset.done $0x0  }
0x14: {  	[sflag:s19] =	ssyncadd.s32 $0xFFFFF830  }
0x15: {  	[spmem:s6] =	stream.linear.scatter [tilespmem:s18], [sflag:$0x2], $0x7D0, $0x38;
	[tilespmem:$0x4970] =	vst v63  }
0x16: {  	_ =	swait.ge [sflag:s19], $0x7D0  }
0x17: {  	[sflag:s19] =	ssyncset.done $0x0  }
0x18: {  	[sflag:s19] =	ssyncadd.s32 $0xFFFFF830  }
0x19: {  	[spmem:s7] =	stream.linear.scatter [tilespmem:s18], [sflag:$0x2], $0x7D0, $0x38;
	[tilespmem:$0x4970] =	vst v63  }
0x1a: {  	_ =	swait.ge [sflag:s19], $0x7D0  }
0x1b: {  	[sflag:s19] =	ssyncset.done $0x0  }
0x1c: {  	[sflag:s19] =	ssyncadd.s32 $0xFFFFF830  }
0x1d: {  	[spmem:s8] =	stream.linear.scatter [tilespmem:s18], [sflag:$0x2], $0x7D0, $0x38;
	[tilespmem:$0x4970] =	vst v63  }
0x1e: {  	_ =	swait.ge [sflag:s19], $0x7D0  }
0x1f: {  	[sflag:s19] =	ssyncset.done $0x0  }
0x20: {  	[sflag:s19] =	ssyncadd.s32 $0xFFFFF830  }
0x21: {  	[spmem:s9] =	stream.linear.scatter [tilespmem:s18], [sflag:$0x2], $0x7D0, $0x38;
	[tilespmem:$0x4970] =	vst v63  }
0x22: {  	_ =	swait.ge [sflag:s19], $0x7D0  }
0x23: {  	[sflag:s19] =	ssyncset.done $0x0  }
0x24: {  	[sflag:s19] =	ssyncadd.s32 $0xFFFFF830  }
0x25: {  	[spmem:s10] =	stream.linear.scatter [tilespmem:s18], [sflag:$0x2], $0x7D0, $0x38;
	[tilespmem:$0x4970] =	vst v63  }
0x26: {  	_ =	swait.ge [sflag:s19], $0x7D0  }
0x27: {  	[sflag:s19] =	ssyncset.done $0x0  }
0x28: {  	[sflag:s19] =	ssyncadd.s32 $0xFFFFF830  }
0x29: {  	[tilespmem:s20], [sflag:$0x2] =	stream.linear.gather [hbm4b:s5+s3], $0x640, $0x38;
	[tilespmem:$0x4970] =	vst v63  }
0x2a: {  	_ =	swait.ge [sflag:s19], $0x640  }
0x2b: {  	[sflag:s19] =	ssyncset.done $0x0  }
0x2c: {  	[sflag:s19] =	ssyncadd.s32 $0xFFFFF9C0  }
0x2d: {  	[tilespmem:s21], [sflag:$0x2] =	stream.linear.gather [hbm4b:s11+s3], $0x1450, $0x38;
	[tilespmem:$0x4970] =	vst v63  }
0x2e: {  	_ =	swait.ge [sflag:s19], $0x1450  }
0x2f: {  	[sflag:s19] =	ssyncset.done $0x0  }
0x30: {  	[sflag:s19] =	ssyncadd.s32 $0xFFFFEBB0  }
0x31: {  	s25 =	simm.s32 $0x2710;
	[bflag:$0x0] =	sbarrier.arrive $0xFFFF  }
0x32: {  	[spmem:s2] =	stream.indirect.scatter.add.f32 [tilespmem:s20], [sflag:$0x1], $0x10, s25, s22, $0xb8;
	[tilespmem:$0x4970] =	vst v63  }
0x33: {  	s31 =	simm.s32 $0x2778  }
0x34: {  	[spmem:s2] =	stream.indirect.scatter.add.f32 [tilespmem:s20], [sflag:$0x1], $0x10, s31, s22, $0xb8;
	[tilespmem:$0x4970] =	vst v63  }
0x35: {  	_ =	swait.ge [sflag:s23], $0x640  }
0x36: {  	[sflag:s23] =	ssyncset.done $0x0  }
0x37: {  	[sflag:s23] =	ssyncadd.s32 $0xFFFFF9C0  }
0x38: {  	_ =	swait.ge [sflag:s23], $0x640  }
0x39: {  	s26 =	simm.s32 $0x680;
	s25 =	simm.s32 $0xD0;
	[sflag:s23] =	ssyncset.done $0x0  }
.LBB2_2:
0x3a: {  	s28 =	sadd.s32 $0x2710, s25  }
0x3b: {  	[sflag:s23] =	ssyncadd.s32 $0xFFFFF9C0;
	s29 =	smov.u32 s26;
	s30 =	sadd.s32 $0x340, s26  }
0x3c: {  	[spmem:s2] =	stream.indirect.scatter.add.f32 [tilespmem:s20], [sflag:$0x1], $0x10, s28, s22, $0xb8;
	[tilespmem:$0x4970] =	vst v63  }
0x3d: {  	p0 =	sne.s32 s26, $0x4E00;
	s25 =	sadd.s32 $0x2778, s25  }
0x3e: {  	[spmem:s2] =	stream.indirect.scatter.add.f32 [tilespmem:s20], [sflag:$0x1], $0x10, s25, s22, $0xb8;
	[tilespmem:$0x4970] =	vst v63  }
.Ltmp0:
0x3f: {  	_ =	swait.ge [sflag:s23], $0x640;
	(pc) =	sbr.rel @p0 .LBB2_2-.Ltmp0, $4  }
0x40: {  	[sflag:s23] =	ssyncset.done $0x0  }
0x41: {  	[sflag:s23] =	ssyncadd.s32 $0xFFFFF9C0  }
0x42: {  	_ =	swait.ge [sflag:s23], $0x640  }
0x43: {  	s26 =	smov.u32 s30;
	s25 =	sshra.s32 s29, $0x2;
	[sflag:s23] =	ssyncset.done $0x0  }
0x44: {  	s26 =	sadd.s32 $0x2710, s25;
	[sflag:s23] =	ssyncadd.s32 $0xFFFFF9C0  }
0x45: {  	[spmem:s2] =	stream.indirect.scatter.add.f32 [tilespmem:s20], [sflag:$0x1], $0x10, s26, s22, $0xb8;
	[tilespmem:$0x4970] =	vst v63  }
0x46: {  	s31 =	sadd.s32 $0x2778, s25  }
0x47: {  	[spmem:s2] =	stream.indirect.scatter.add.f32 [tilespmem:s20], [sflag:$0x1], $0x10, s31, s22, $0xb8;
	[tilespmem:$0x4970] =	vst v63  }
0x48: {  	_ =	swait.ge [sflag:s23], $0x640  }
0x49: {  	[sflag:s23] =	ssyncset.done $0x0  }
0x4a: {  	[sflag:s23] =	ssyncadd.s32 $0xFFFFF9C0  }
0x4b: {  	_ =	swait.ge [sflag:s23], $0x640  }
0x4c: {  	[sflag:s23] =	ssyncset.done $0x0  }
0x4d: {  	[sflag:s23] =	ssyncadd.s32 $0xFFFFF9C0  }
0x4e: {  	[bflag:$0x0] =	sbarrier.arrive $0xFFFF  }
0x4f: {  	[tilespmem:s18], [sflag:$0x2] =	stream.linear.gather [spmem:s6], $0x7D0, $0x38;
	[tilespmem:$0x4970] =	vst v63  }
0x50: {  	_ =	swait.ge [sflag:s19], $0x7D0  }
0x51: {  	[sflag:s19] =	ssyncset.done $0x0  }
0x52: {  	[sflag:s19] =	ssyncadd.s32 $0xFFFFF830  }
0x53: {  	[hbm4b:s12+s3] =	stream.linear.scatter [tilespmem:s18], [sflag:$0x2], $0x7D0, $0x38;
	[tilespmem:$0x4970] =	vst v63  }
0x54: {  	_ =	swait.ge [sflag:s19], $0x7D0  }
0x55: {  	[sflag:s19] =	ssyncset.done $0x0  }
0x56: {  	[sflag:s19] =	ssyncadd.s32 $0xFFFFF830  }
0x57: {  	[tilespmem:s18], [sflag:$0x2] =	stream.linear.gather [spmem:s7], $0x7D0, $0x38;
	[tilespmem:$0x4970] =	vst v63  }
0x58: {  	_ =	swait.ge [sflag:s19], $0x7D0  }
0x59: {  	[sflag:s19] =	ssyncset.done $0x0  }
0x5a: {  	[sflag:s19] =	ssyncadd.s32 $0xFFFFF830  }
0x5b: {  	[hbm4b:s13+s3] =	stream.linear.scatter [tilespmem:s18], [sflag:$0x2], $0x7D0, $0x38;
	[tilespmem:$0x4970] =	vst v63  }
0x5c: {  	_ =	swait.ge [sflag:s19], $0x7D0  }
0x5d: {  	[sflag:s19] =	ssyncset.done $0x0  }
0x5e: {  	[sflag:s19] =	ssyncadd.s32 $0xFFFFF830  }
0x5f: {  	[tilespmem:s18], [sflag:$0x2] =	stream.linear.gather [spmem:s8], $0x7D0, $0x38;
	[tilespmem:$0x4970] =	vst v63  }
0x60: {  	_ =	swait.ge [sflag:s19], $0x7D0  }
0x61: {  	[sflag:s19] =	ssyncset.done $0x0  }
0x62: {  	[sflag:s19] =	ssyncadd.s32 $0xFFFFF830  }
0x63: {  	[hbm4b:s14+s3] =	stream.linear.scatter [tilespmem:s18], [sflag:$0x2], $0x7D0, $0x38;
	[tilespmem:$0x4970] =	vst v63  }
0x64: {  	_ =	swait.ge [sflag:s19], $0x7D0  }
0x65: {  	[sflag:s19] =	ssyncset.done $0x0  }
0x66: {  	[sflag:s19] =	ssyncadd.s32 $0xFFFFF830  }
0x67: {  	[tilespmem:s18], [sflag:$0x2] =	stream.linear.gather [spmem:s9], $0x7D0, $0x38;
	[tilespmem:$0x4970] =	vst v63  }
0x68: {  	_ =	swait.ge [sflag:s19], $0x7D0  }
0x69: {  	[sflag:s19] =	ssyncset.done $0x0  }
0x6a: {  	[sflag:s19] =	ssyncadd.s32 $0xFFFFF830  }
0x6b: {  	[hbm4b:s15+s3] =	stream.linear.scatter [tilespmem:s18], [sflag:$0x2], $0x7D0, $0x38;
	[tilespmem:$0x4970] =	vst v63  }
0x6c: {  	_ =	swait.ge [sflag:s19], $0x7D0  }
0x6d: {  	[sflag:s19] =	ssyncset.done $0x0  }
0x6e: {  	[sflag:s19] =	ssyncadd.s32 $0xFFFFF830  }
0x6f: {  	[tilespmem:s18], [sflag:$0x2] =	stream.linear.gather [spmem:s10], $0x7D0, $0x38;
	[tilespmem:$0x4970] =	vst v63  }
0x70: {  	s24 =	sadd.s32 $0x1, s24;
	_ =	swait.ge [sflag:s19], $0x7D0  }
0x71: {  	p0 =	sne.s32 s24, s17;
	[sflag:s19] =	ssyncset.done $0x0  }
.Ltmp1:
0x72: {  	[sflag:s19] =	ssyncadd.s32 $0xFFFFF830;
	(pc) =	sbr.rel @p0 .LBB2_1-.Ltmp1, $4  }
0x73: {  	[hbm4b:s16+s3] =	stream.linear.scatter [tilespmem:s18], [sflag:$0x2], $0x7D0, $0x38;
	[tilespmem:$0x4970] =	vst v63  }
0x74: {  	_ =	swait.ge [sflag:s19], $0x7D0  }
0x75: {  	[sflag:s19] =	ssyncset.done $0x0  }
0x76: {  	[sflag:s19] =	ssyncadd.s32 $0xFFFFF830  }
0x77: {  	_ =	sfence.sel $0x180000  }
0x78: {  	[bflag:$0x0] =	sbarrier.arrive $0xFFFF  }
0x79: {  	p0 =	sne.s32 s1, $0x0;
	_ =	strace $0x90000047  }
0x7a: {  	s0 =	sadd.s32 @!p0 $0x100000, s0;
	[bflag:$0x2] =	sbarrier.arrive $0xFFFF  }
0x7b: {  	[sflag:s0] =	ssyncadd.tile.s32 @!p0 $0x1;
	_ =	shalt  }
.Lfunc_end2:
_tile_overlayer_lowered:
.L_overlay_start_2:
0x7c: {  	(tag) =	ssettag $0x2  }
0x7d: {  	s0 =	rddreg [dreg:$0x0];
	s2 =	stileid.u32  }
0x7e: {  	s1 =	rddreg [dreg:$0x1];
	p0 =	sne.s32 s2, $0x0  }
0x7f: {  	s3 =	rddreg [dreg:$0x2];
	[bflag:$0x3] =	sbarrier.arrive $0xFFFF;
	s2 =	simm.s32 @!p0 $0x1C02  }
0x80: {  	[timem:s3], [sflag:s2] =	dma.local @!p0 [hbm:s0], s1  }
0x81: {  	s0 =	simm.s32 @!p0 $0x2  }
0x82: {  	_ =	swait.ge @!p0 [sflag:s0], s1  }
0x83: {  	s1 =	ssub.s32 @!p0 $0x0, s1;
	[sflag:s0] =	ssyncset.done @!p0 $0x0  }
0x84: {  	[sflag:s0] =	ssyncadd.s32 @!p0 s1  }
0x85: {  	[bflag:$0x3] =	sbarrier.arrive $0xFFFF  }
0x86: {  	_ =	shalt  }

// kernel: kernel.9.cloned.1.call-start
scs
__scs_entry_jumppad:
0x0: {  	(pc) =	sbr.rel $0x88, $3  }
0x1: {  	(tag) =	ssettag $0x0;
	lr =	simm.s32 $0x1  }
0x2: {  	[smem:$0x3F9B] =	sst lr;
	_ =	strace $0xD0000000  }
0x3: {  	_ = 	snop  }
0x4: {  	_ = 	snop  }
0x5: {  	_ = 	snop  }
0x6: {  	_ = 	snop  }
0x7: {  	_ = 	snop  }
__scs_overlays_trampoline_lowered:
0x8: {  	[smem:$0x3FAA] =	sst s0  }
0x9: {  	[smem:$0x3FAB] =	sst s1  }
0xa: {  	[smem:$0x3FAC] =	sst s2  }
0xb: {  	[smem:$0x3FAD] =	sst s3  }
0xc: {  	[smem:$0x3FAE] =	sst s4  }
0xd: {  	[smem:$0x3FAF] =	sst s5  }
0xe: {  	[smem:$0x3FB0] =	sst s6  }
0xf: {  	[smem:$0x3FB1] =	sst s7  }
0x10: {  	[smem:$0x3FB2] =	sst s8  }
0x11: {  	[smem:$0x3FB3] =	sst s9;
	s0 =	simm.s32 @!p0 $0x0  }
0x12: {  	s1 =	sld [smem:$0x3F99];
	s0 =	simm.s32 @p0 $0x1  }
0x13: {  	[smem:$0x3FB4] =	sst s0;
	s0 =	simm.s32 @!p1 $0x0  }
0x14: {  	s2 =	sld [smem:$0x3F98];
	s0 =	simm.s32 @p1 $0x1  }
0x15: {  	[smem:$0x3FB5] =	sst s0;
	s0 =	simm.s32 @!p2 $0x0  }
0x16: {  	s3 =	sld [smem:$0x3FDB];
	s0 =	simm.s32 @p2 $0x1  }
0x17: {  	s4 =	simm.s32 $0x1BF5;
	[smem:$0x3FB7] =	sst s0  }
0x18: {  	s0 =	sld [smem:$0x3F9A];
	_ =	swait.ge [sflag:s4], $0x0  }
0x19: {  	s7 =	sld [smem:$0x3F9B]  }
0x1a: {  	s8 =	sadd.s32 $0xFFFFE003, lr  }
0x1b: {  	s9 =	sadd.s32 $0xFFFFFEF7, lr;
	s5 =	simm.s32 $0xFFFFFFFF;
	p2 =	slt.u32 s8, $0xFFFFF086  }
0x1c: {  	p1 =	slt.u32 s9, $0xF7A;
	s5 =	simm.s32 @!p2 $0x0  }
0x1d: {  	s5 =	simm.s32 @p1 $0x1;
	p0 =	seq.s32 s7, s2  }
0x1e: {  	s7 =	smul.u32 @!p0 $0xF7A, s2;
	p2 =	seq.s32 @!p0 s5, $0x0  }
0x1f: {  	s9 =	smul.u32 $0xF7A, s1;
	s8 =	simm.s32 @!p0 $0x1BF5;
	p2 =	por !p2, p0  }
0x20: {  	[sflag:s8] =	ssyncset.s32 @!p0 $0xFFFFF086;
	s6 =	sadd.s32 @!p0 s3, s7;
	s7 =	simm.s32 @!p0 $0x108  }
0x21: {  	s3 =	sadd.s32 s3, s9;
	s6 =	sadd.s32 @!p0 $0x88, s6;
	s7 =	simm.s32 @p2 $0x1082  }
0x22: {  	[simem:s7], [sflag:s8] =	dma.local @!p0 [hbm:s6], $0xF7A  }
0x23: {  	s9 =	sor.u32 $0xD0000000, s2;
	s6 =	simm.s32 $0x108;
	_ =	swait.ge @!p0 [sflag:s8], $0x0  }
0x24: {  	s3 =	sadd.s32 $0x88, s3;
	s6 =	simm.s32 @!p1 $0x1082;
	[sflag:s4] =	ssyncset.s32 $0xFFFFF086  }
0x25: {  	[simem:s6], [sflag:s4] =	dma.local [hbm:s3], $0xF7A  }
0x26: {  	[smem:$0x3F9B] =	sst s1;
	(tag) =	ssettag s2;
	_ =	strace s9  }
0x27: {  	s1 =	sld [smem:$0x3FAB]  }
0x28: {  	s2 =	sld [smem:$0x3FAC]  }
0x29: {  	s4 =	sld [smem:$0x3FAE]  }
0x2a: {  	p0 =	seq.s32 s5, $0x0;
	s5 =	sld [smem:$0x3FAF]  }
0x2b: {  	s6 =	sld [smem:$0x3FB0]  }
0x2c: {  	s7 =	sld [smem:$0x3FB1]  }
0x2d: {  	s3 =	simm.s32 $0x108;
	s8 =	sld [smem:$0x3FB2]  }
0x2e: {  	s3 =	simm.s32 @!p0 $0x1082;
	s9 =	sld [smem:$0x3FB3]  }
0x2f: {  	lr =	sadd.s32 s0, s3;
	s0 =	sld [smem:$0x3FAA]  }
0x30: {  	s3 =	sld [smem:$0x3FAD]  }
0x31: {  	[smem:$0x3FB6] =	sst s10  }
0x32: {  	s10 =	sld [smem:$0x3FB4];
	_ =	sdelay $0x3  }
0x33: {  	p0 =	seq.s32 s10, $0x1;
	s10 =	sld [smem:$0x3FB6];
	_ =	sdelay $0x3  }
0x34: {  	[smem:$0x3FB6] =	sst s10  }
0x35: {  	s10 =	sld [smem:$0x3FB5];
	_ =	sdelay $0x3  }
0x36: {  	p1 =	seq.s32 s10, $0x1;
	s10 =	sld [smem:$0x3FB6];
	_ =	sdelay $0x3  }
0x37: {  	[smem:$0x3FB6] =	sst s10  }
0x38: {  	s10 =	sld [smem:$0x3FB7]  }
0x39: {  	_ = 	snop;
	(pc) =	sbr.ind lr, $3  }
0x3a: {  	_ = 	snop  }
0x3b: {  	_ = 	snop  }
0x3c: {  	p2 =	seq.s32 s10, $0x1;
	s10 =	sld [smem:$0x3FB6]  }
0x3d: {  	_ =	shalt  }
0x3e: {  	_ =	shalt  }
0x3f: {  	_ =	shalt  }
0x40: {  	_ =	shalt  }
0x41: {  	_ =	shalt  }
0x42: {  	_ =	shalt  }
0x43: {  	_ =	shalt  }
0x44: {  	_ =	shalt  }
0x45: {  	_ =	shalt  }
0x46: {  	_ =	shalt  }
0x47: {  	_ =	shalt  }
0x48: {  	_ =	shalt  }
0x49: {  	_ =	shalt  }
0x4a: {  	_ =	shalt  }
0x4b: {  	_ =	shalt  }
0x4c: {  	_ =	shalt  }
0x4d: {  	_ =	shalt  }
0x4e: {  	_ =	shalt  }
0x4f: {  	_ =	shalt  }
0x50: {  	_ =	shalt  }
0x51: {  	_ =	shalt  }
0x52: {  	_ =	shalt  }
0x53: {  	_ =	shalt  }
0x54: {  	_ =	shalt  }
0x55: {  	_ =	shalt  }
0x56: {  	_ =	shalt  }
0x57: {  	_ =	shalt  }
0x58: {  	_ =	shalt  }
0x59: {  	_ =	shalt  }
0x5a: {  	_ =	shalt  }
0x5b: {  	_ =	shalt  }
0x5c: {  	_ =	shalt  }
0x5d: {  	_ =	shalt  }
0x5e: {  	_ =	shalt  }
0x5f: {  	_ =	shalt  }
0x60: {  	_ =	shalt  }
0x61: {  	_ =	shalt  }
0x62: {  	_ =	shalt  }
0x63: {  	_ =	shalt  }
0x64: {  	_ =	shalt  }
0x65: {  	_ =	shalt  }
0x66: {  	_ =	shalt  }
0x67: {  	_ =	shalt  }
0x68: {  	_ =	shalt  }
0x69: {  	_ =	shalt  }
0x6a: {  	_ =	shalt  }
0x6b: {  	_ =	shalt  }
0x6c: {  	_ =	shalt  }
0x6d: {  	_ =	shalt  }
0x6e: {  	_ =	shalt  }
0x6f: {  	_ =	shalt  }
0x70: {  	_ =	shalt  }
0x71: {  	_ =	shalt  }
0x72: {  	_ =	shalt  }
0x73: {  	_ =	shalt  }
0x74: {  	_ =	shalt  }
0x75: {  	_ =	shalt  }
0x76: {  	_ =	shalt  }
0x77: {  	_ =	shalt  }
0x78: {  	_ =	shalt  }
0x79: {  	_ =	shalt  }
0x7a: {  	_ =	shalt  }
0x7b: {  	_ =	shalt  }
0x7c: {  	_ =	shalt  }
0x7d: {  	_ =	shalt  }
0x7e: {  	_ =	shalt  }
0x7f: {  	_ =	shalt  }
0x80: {  	_ =	shalt  }
0x81: {  	_ =	shalt  }
0x82: {  	_ =	shalt  }
0x83: {  	_ =	shalt  }
0x84: {  	_ =	shalt  }
0x85: {  	_ =	shalt  }
0x86: {  	_ =	shalt  }
0x87: {  	_ =	shalt  }
.Lfunc_end0:
.L_simem_size_0:
called_computation.1_lowered:
.L_overlay_start_0:
0x88: {  	s2 =	sld [smem:$0x3FD9]  }
0x89: {  	s3 =	sld [smem:$0x3FFE];
	_ =	sdelay $0x1  }
0x8a: {  	s1 =	srdreg.scid  }
0x8b: {  	s0 =	sand.u32 $0x1, s1  }
0x8c: {  	s17 =	sshll.u32 s0, $0xA;
	s2 =	sadd.s32 s3, s2  }
0x8d: {  	s2 =	sadd.s32 s2, s17  }
0x8e: {  	[smem:$0x3FC2] =	sst s2  }
0x8f: {  	_ = 	snop  }
0x90: {  	s2 =	sld [smem:$0x3FD0];
	(tm) =	ssettm $0x1  }
0x91: {  	s18 =	sld [smem:$0x3FFB];
	_ =	sdelay $0x3  }
0x92: {  	_ =	strace s18  }
0x93: {  	s3 =	sld [smem:$0x3FFC];
	_ =	sdelay $0x3  }
0x94: {  	_ =	strace s3  }
0x95: {  	s3 =	sld [smem:$0x3FFD];
	_ =	sdelay $0x3  }
0x96: {  	_ =	strace s3  }
0x97: {  	_ =	strace $0x8FFFFFFF  }
0x98: {  	s19 =	sld [smem:$0x3FDB];
	_ =	sdelay $0x1  }
0x99: {  	s4 =	simm.s32 $_scs_section_size  }
0x9a: {  	s5 =	simm.s32 $_size__tile_overlayer_lowered;
	s6 =	simm.s32 $_tile_overlayer_lowered  }
0x9b: {  	s22 =	simm.s32 $0x1BFF;
	s21 =	sshll.u32 s6, $0x1;
	s3 =	sadd.s32 s4, s19  }
0x9c: {  	s7 =	simm.s32 $0x0;
	s20 =	sshll.u32 s5, $0x1;
	s5 =	sadd.s32 s21, s3  }
0x9d: {  	[timem:s7], [sflag:s22] =	dma.local [hbm:s5], s20  }
0x9e: {  	_ =	swait.ge [sflag:s22], s20  }
0x9f: {  	s4 =	ssub.s32 $0x0, s20;
	[sflag:s22] =	ssyncset.done $0x0  }
0xa0: {  	[sflag:s22] =	ssyncadd.s32 s4;
	_ =	sdelay $0x1  }
0xa1: {  	s23 =	simm.s32 $0x1B8B  }
0xa2: {  	_ =	swait.ge [sflag:s23], $0x1  }
0xa3: {  	[sflag:s23] =	ssyncset.done $0x0  }
0xa4: {  	s25 =	simm.s32 $0x1B8E;
	s24 =	sld [smem:$0x3FFE];
	[sflag:s23] =	ssyncadd.s32 $0xFFFFFFFF  }
0xa5: {  	s26 =	simm.s32 $execute0_lowered;
	[smem:$0x3FD2] =	sst s25  }
0xa6: {  	s5 =	sshll.u32 s26, $0x1;
	_ =	strace $0x80000049;
	[dreg:$0x1] =	wrdreg $0xFFFFFFFF  }
0xa7: {  	s28 =	simm.s32 $_size_execute0_lowered;
	s3 =	sadd.s32 s3, s5;
	[dreg:$0x0] =	wrdreg $0x0  }
0xa8: {  	s5 =	sshll.u32 s28, $0x1;
	[dreg:$0x2] =	wrdreg s3  }
0xa9: {  	[dreg:$0x3] =	wrdreg s5  }
0xaa: {  	[dreg:$0x4] =	wrdreg $0xC0  }
0xab: {  	_ =	task [dreg:s7], $0x5FFFF  }
0xac: {  	[dreg:$0x1] =	wrdreg $0xFFFFFFFF  }
0xad: {  	[dreg:$0x0] =	wrdreg $0x60  }
0xae: {  	[dreg:$0x2] =	wrdreg s24  }
0xaf: {  	[dreg:$0x3] =	wrdreg s2  }
0xb0: {  	[dreg:$0x4] =	wrdreg $0x0  }
0xb1: {  	[dreg:$0x5] =	wrdreg $0x9  }
0xb2: {  	_ =	task.clear_ibuf [dreg:s7], $0x6FFFF;
	_ =	strace $0x90000049  }
0xb3: {  	s29 =	simm.s32 $0x9;
	_ =	strace $0x8000004B  }
0xb4: {  	_ =	swait.ge [sflag:s29], $0x1  }
0xb5: {  	[sflag:s29] =	ssyncadd.s32 $0xFFFFFFFF  }
0xb6: {  	_ =	strace $0x9000004B  }
0xb7: {  	_ =	sfence  }
0xb8: {  	s30 =	sld [smem:$0x0];
	_ =	sdelay $0x2  }
0xb9: {  	s31 =	sshll.u32 s1, $0xD;
	s1 =	sshrl.u32 s1, $0x2  }
0xba: {  	s3 =	sand.u32 $0x4000, s31;
	s1 =	sadd.s32 s1, s30  }
0xbb: {  	s0 =	sor.u32 s3, s0;
	s1 =	sshll.u32 s1, $0x11  }
0xbc: {  	s0 =	sor.u32 s1, s0  }
0xbd: {  	s0 =	sadd.s32 $0x8F2B, s0  }
0xbe: {  	[sflag:s0] =	ssyncadd.remote.s32 $0x1  }
0xbf: {  	_ =	sfence.sel $0xFFFF  }
0xc0: {  	[dreg:$0x0] =	wrdreg $0xFFFFFFFF;
	(pc) =	sbr.abs _section_cstart, $3  }
0xc1: {  	[dreg:$0x1] =	wrdreg $0xFFFFFFFF  }
0xc2: {  	_ =	task.clear_ibuf [dreg:s7], $0x2FFFF;
	_ =	strace $0x9FFFFFFF  }
0xc3: {  	(tm) =	ssettm $0x7FFFFFFF  }
tec
execute0_lowered:
.L_overlay_start_1:
0x0: {  	(tag) =	ssettag $0x1  }
0x1: {  	s0 =	srdreg.scid;
	s1 =	rddreg [dreg:$0x0]  }
0x2: {  	s9 =	stileid.u32;
	s2 =	rddreg [dreg:$0x1];
	s13 =	simm.s32 $0x0  }
0x3: {  	s28 =	simm.s32 $0x10;
	s29 =	simm.s32 $0x9;
	s5 =	smul.u32 $0x514, s9  }
0x4: {  	s31 =	simm.s32 $0x12;
	s30 =	simm.s32 $0x14;
	s7 =	smul.u32 $0x271, s9  }
0x5: {  	s0 =	sand.u32 $0x1, s0;
	[smem:$0x7FF] =	sst s13;
	s18 =	smul.u32 $0x27100, s9  }
0x6: {  	s3 =	sshll.u32 s0, $0x4;
	s6 =	smul.u32 $0x2710, s0;
	s0 =	ssub.s32 $0x2, s0  }
0x7: {  	s4 =	sor.u32 s9, s3;
	s3 =	rddreg [dreg:$0x2];
	s8 =	sshrl.u32 s0, $0x1  }
0x8: {  	_ =	strace $0x8000004A;
	s5 =	sadd.s32 s5, s1;
	s0 =	ssub.s32 s0, s8  }
0x9: {  	s6 =	sadd.s32 s7, s6;
	s7 =	sshrl.u32 s18, $0x2;
	s0 =	smax.u32 s0, $0x1  }
0xa: {  	s6 =	sshll.u32 s6, $0x3;
	s18 =	sadd.s32 s7, s3;
	[dreg:$0x18] =	wrdreg s0  }
0xb: {  	s4 =	smul.u32 $0x514, s4;
	s19 =	sadd.s32 s2, s6;
	[dreg:$0x5] =	wrdreg s18  }
0xc: {  	s8 =	simm.s32 $0xE;
	s15 =	sadd.s32 $0x1900, s18;
	[dreg:$0x4] =	wrdreg s19  }
0xd: {  	s4 =	sadd.s32 s4, s1;
	s16 =	sadd.s32 $0x3200, s18;
	[dreg:$0x7] =	wrdreg s15  }
0xe: {  	s20 =	sadd.s32 $0x320, s6;
	s17 =	sadd.s32 $0x4B00, s18;
	[dreg:$0x9] =	wrdreg s16  }
0xf: {  	s22 =	sadd.s32 $0x640, s6;
	s21 =	sadd.s32 s2, s20;
	[dreg:$0xb] =	wrdreg s17  }
0x10: {  	s24 =	sadd.s32 $0x960, s6;
	s23 =	sadd.s32 s2, s22;
	[dreg:$0x6] =	wrdreg s21  }
0x11: {  	s25 =	sadd.s32 $0xC80, s6;
	s10 =	sadd.s32 s2, s24;
	[dreg:$0x8] =	wrdreg s23  }
0x12: {  	s26 =	sadd.s32 $0xFA0, s6;
	s11 =	sadd.s32 s2, s25;
	[dreg:$0xa] =	wrdreg s10  }
0x13: {  	s1 =	sadd.s32 $0x5E600, s1;
	s12 =	sadd.s32 s2, s26;
	[dreg:$0xc] =	wrdreg s11  }
0x14: {  	s14 =	sadd.s32 $0x12C0, s6;
	s6 =	sadd.s32 s1, s6;
	[dreg:$0xd] =	wrdreg s12  }
0x15: {  	s7 =	simm.s32 $0x13;
	s19 =	sadd.s32 s1, s20;
	[dreg:$0xe] =	wrdreg s6  }
0x16: {  	s0 =	simm.s32 $0x5;
	s20 =	sadd.s32 s1, s22;
	[dreg:$0xf] =	wrdreg s19  }
0x17: {  	s22 =	sadd.s32 s1, s25;
	s25 =	sadd.s32 $0x6000, s4;
	[dreg:$0x10] =	wrdreg s20  }
0x18: {  	s4 =	simm.s32 $0xA;
	s21 =	sadd.s32 s1, s24;
	[dreg:$0x12] =	wrdreg s22  }
0x19: {  	s23 =	sadd.s32 s1, s26;
	s1 =	sadd.s32 s1, s14;
	[dreg:$0x16] =	wrdreg s25  }
0x1a: {  	s24 =	sadd.s32 s2, s14;
	s26 =	sadd.s32 $0xA00, s5;
	[dreg:$0x11] =	wrdreg s21  }
0x1b: {  	s19 =	sadd.s32 $0x6400, s18;
	s20 =	sadd.s32 $0x7D00, s18;
	[dreg:$0x13] =	wrdreg s23  }
0x1c: {  	s5 =	simm.s32 $0x64;
	s22 =	simm.s32 $0x1;
	[dreg:$0x14] =	wrdreg s1  }
0x1d: {  	s25 =	simm.s32 $0x6;
	s10 =	simm.s32 $0x7;
	[dreg:$0x15] =	wrdreg s24  }
0x1e: {  	s12 =	simm.s32 $0xF;
	s6 =	simm.s32 $0x11;
	[dreg:$0x17] =	wrdreg s26  }
0x1f: {  	s14 =	simm.s32 $0x0;
	s21 =	sadd.s32 $0x9600, s18;
	[dreg:$0x19] =	wrdreg s19  }
0x20: {  	s1 =	simm.s32 $0x2;
	s24 =	simm.s32 $0xD;
	[dreg:$0x1a] =	wrdreg s20  }
0x21: {  	s26 =	simm.s32 $0x8;
	s23 =	simm.s32 $0x1CE80;
	[dreg:$0x1b] =	wrdreg s21  }
.LBB2_1:
0x22: {  	[dreg:$0x1c] =	wrdreg s14  }
0x23: {  	s9 =	rddreg [dreg:$0x4];
	s14 =	simm.s32 $0x15;
	s11 =	simm.s32 $0xED80  }
0x24: {  	[tilespmem:s11], [sflag:$0x15] =	stream.linear.gather [hbm4b:s9+s13], $0x1900, $0x38;
	[tilespmem:$0x1E780] =	vst v63  }
0x25: {  	_ =	swait.ge [sflag:s14], $0x1900  }
0x26: {  	[sflag:s14] =	ssyncset.done $0x0  }
0x27: {  	[sflag:s14] =	ssyncadd.s32 $0xFFFFE700  }
0x28: {  	[spmem:s18] =	stream.linear.scatter [tilespmem:s11], [sflag:$0x15], $0x1900, $0x38;
	[tilespmem:$0x1E780] =	vst v63  }
0x29: {  	_ =	swait.ge [sflag:s14], $0x1900  }
0x2a: {  	[sflag:s14] =	ssyncset.done $0x0  }
0x2b: {  	s18 =	rddreg [dreg:$0x6];
	[sflag:s14] =	ssyncadd.s32 $0xFFFFE700  }
0x2c: {  	[tilespmem:s11], [sflag:$0x15] =	stream.linear.gather [hbm4b:s18+s13], $0x1900, $0x38;
	[tilespmem:$0x1E780] =	vst v63  }
0x2d: {  	_ =	swait.ge [sflag:s14], $0x1900  }
0x2e: {  	[sflag:s14] =	ssyncset.done $0x0  }
0x2f: {  	[sflag:s14] =	ssyncadd.s32 $0xFFFFE700  }
0x30: {  	[spmem:s15] =	stream.linear.scatter [tilespmem:s11], [sflag:$0x15], $0x1900, $0x38;
	[tilespmem:$0x1E780] =	vst v63  }
0x31: {  	_ =	swait.ge [sflag:s14], $0x1900  }
0x32: {  	[sflag:s14] =	ssyncset.done $0x0  }
0x33: {  	s15 =	rddreg [dreg:$0x8];
	[sflag:s14] =	ssyncadd.s32 $0xFFFFE700  }
0x34: {  	[tilespmem:s11], [sflag:$0x15] =	stream.linear.gather [hbm4b:s15+s13], $0x1900, $0x38;
	[tilespmem:$0x1E780] =	vst v63  }
0x35: {  	_ =	swait.ge [sflag:s14], $0x1900  }
0x36: {  	[sflag:s14] =	ssyncset.done $0x0  }
0x37: {  	[sflag:s14] =	ssyncadd.s32 $0xFFFFE700  }
0x38: {  	[spmem:s16] =	stream.linear.scatter [tilespmem:s11], [sflag:$0x15], $0x1900, $0x38;
	[tilespmem:$0x1E780] =	vst v63  }
0x39: {  	_ =	swait.ge [sflag:s14], $0x1900  }
0x3a: {  	[sflag:s14] =	ssyncset.done $0x0  }
0x3b: {  	s18 =	rddreg [dreg:$0xa];
	[sflag:s14] =	ssyncadd.s32 $0xFFFFE700  }
0x3c: {  	[tilespmem:s11], [sflag:$0x15] =	stream.linear.gather [hbm4b:s18+s13], $0x1900, $0x38;
	[tilespmem:$0x1E780] =	vst v63  }
0x3d: {  	_ =	swait.ge [sflag:s14], $0x1900  }
0x3e: {  	[sflag:s14] =	ssyncset.done $0x0  }
0x3f: {  	[sflag:s14] =	ssyncadd.s32 $0xFFFFE700  }
0x40: {  	[spmem:s17] =	stream.linear.scatter [tilespmem:s11], [sflag:$0x15], $0x1900, $0x38;
	[tilespmem:$0x1E780] =	vst v63  }
0x41: {  	_ =	swait.ge [sflag:s14], $0x1900  }
0x42: {  	[sflag:s14] =	ssyncset.done $0x0  }
0x43: {  	s15 =	rddreg [dreg:$0xc];
	[sflag:s14] =	ssyncadd.s32 $0xFFFFE700  }
0x44: {  	[tilespmem:s11], [sflag:$0x15] =	stream.linear.gather [hbm4b:s15+s13], $0x1900, $0x38;
	[tilespmem:$0x1E780] =	vst v63  }
0x45: {  	_ =	swait.ge [sflag:s14], $0x1900  }
0x46: {  	[sflag:s14] =	ssyncset.done $0x0  }
0x47: {  	[sflag:s14] =	ssyncadd.s32 $0xFFFFE700  }
0x48: {  	[spmem:s19] =	stream.linear.scatter [tilespmem:s11], [sflag:$0x15], $0x1900, $0x38;
	[tilespmem:$0x1E780] =	vst v63  }
0x49: {  	_ =	swait.ge [sflag:s14], $0x1900  }
0x4a: {  	[sflag:s14] =	ssyncset.done $0x0  }
0x4b: {  	s16 =	rddreg [dreg:$0xd];
	[sflag:s14] =	ssyncadd.s32 $0xFFFFE700  }
0x4c: {  	[tilespmem:s11], [sflag:$0x15] =	stream.linear.gather [hbm4b:s16+s13], $0x1900, $0x38;
	[tilespmem:$0x1E780] =	vst v63  }
0x4d: {  	_ =	swait.ge [sflag:s14], $0x1900  }
0x4e: {  	[sflag:s14] =	ssyncset.done $0x0  }
0x4f: {  	[sflag:s14] =	ssyncadd.s32 $0xFFFFE700  }
0x50: {  	[spmem:s20] =	stream.linear.scatter [tilespmem:s11], [sflag:$0x15], $0x1900, $0x38;
	[tilespmem:$0x1E780] =	vst v63  }
0x51: {  	_ =	swait.ge [sflag:s14], $0x1900  }
0x52: {  	[sflag:s14] =	ssyncset.done $0x0  }
0x53: {  	s17 =	rddreg [dreg:$0x15];
	[sflag:s14] =	ssyncadd.s32 $0xFFFFE700  }
0x54: {  	[tilespmem:s11], [sflag:$0x15] =	stream.linear.gather [hbm4b:s17+s13], $0x640, $0x38;
	[tilespmem:$0x1E780] =	vst v63  }
0x55: {  	_ =	swait.ge [sflag:s14], $0x640  }
0x56: {  	[sflag:s14] =	ssyncset.done $0x0  }
0x57: {  	[sflag:s14] =	ssyncadd.s32 $0xFFFFF9C0  }
0x58: {  	[spmem:s21] =	stream.linear.scatter [tilespmem:s11], [sflag:$0x15], $0x640, $0x38;
	[tilespmem:$0x1E780] =	vst v63  }
0x59: {  	_ =	swait.ge [sflag:s14], $0x640  }
0x5a: {  	[sflag:s14] =	ssyncset.done $0x0  }
0x5b: {  	s19 =	simm.s32 $0x9C40;
	s18 =	rddreg [dreg:$0x16];
	[sflag:s14] =	ssyncadd.s32 $0xFFFFF9C0  }
0x5c: {  	[tilespmem:s19], [sflag:$0x15] =	stream.linear.gather [hbm4b:s18+s13], $0x28A0, $0x38;
	[tilespmem:$0x1E780] =	vst v63  }
0x5d: {  	_ =	swait.ge [sflag:s14], $0x28A0  }
0x5e: {  	[sflag:s14] =	ssyncset.done $0x0  }
0x5f: {  	s20 =	simm.s32 $0xC4E0;
	s21 =	rddreg [dreg:$0x17];
	[sflag:s14] =	ssyncadd.s32 $0xFFFFD760  }
0x60: {  	[tilespmem:s20], [sflag:$0x15] =	stream.linear.gather [hbm4b:s21+s13], $0x28A0, $0x38;
	[tilespmem:$0x1E780] =	vst v63  }
0x61: {  	_ =	swait.ge [sflag:s14], $0x28A0  }
0x62: {  	[sflag:s14] =	ssyncset.done $0x0  }
0x63: {  	[sflag:s14] =	ssyncadd.s32 $0xFFFFD760  }
0x64: {  	[tilespmem:s11], [sflag:$0x1] =	stream.indirect.gather [hbm4b:s2+s5], $0x40, s19, s5, $0xb8;
	[tilespmem:$0x1E780] =	vst v63  }
0x65: {  	s15 =	simm.s32 $0x10680;
	s13 =	simm.s32 $0x9CA8  }
0x66: {  	[tilespmem:s15], [sflag:$0x2] =	stream.indirect.gather [hbm4b:s2+s5], $0x40, s13, s5, $0xb8;
	[tilespmem:$0x1E780] =	vst v63  }
0x67: {  	s14 =	simm.s32 $0x9D10;
	s13 =	simm.s32 $0x11F80  }
0x68: {  	[tilespmem:s13], [sflag:$0x3] =	stream.indirect.gather [hbm4b:s2+s5], $0x40, s14, s5, $0xb8;
	[tilespmem:$0x1E780] =	vst v63  }
0x69: {  	s16 =	simm.s32 $0x9D78;
	s14 =	simm.s32 $0x13880  }
0x6a: {  	[tilespmem:s14], [sflag:$0x4] =	stream.indirect.gather [hbm4b:s2+s5], $0x40, s16, s5, $0xb8;
	[tilespmem:$0x1E780] =	vst v63  }
0x6b: {  	s17 =	simm.s32 $0x9DE0;
	s16 =	simm.s32 $0x15180  }
0x6c: {  	[tilespmem:s16], [sflag:$0x5] =	stream.indirect.gather [hbm4b:s2+s5], $0x40, s17, s5, $0xb8;
	[tilespmem:$0x1E780] =	vst v63  }
0x6d: {  	s18 =	simm.s32 $0x9E48;
	s17 =	simm.s32 $0x16A80  }
0x6e: {  	[tilespmem:s17], [sflag:$0x6] =	stream.indirect.gather [hbm4b:s2+s5], $0x40, s18, s5, $0xb8;
	[tilespmem:$0x1E780] =	vst v63  }
0x6f: {  	s19 =	simm.s32 $0x9EB0;
	s18 =	simm.s32 $0x18380  }
0x70: {  	[tilespmem:s18], [sflag:$0x7] =	stream.indirect.gather [hbm4b:s2+s5], $0x40, s19, s5, $0xb8;
	[tilespmem:$0x1E780] =	vst v63  }
0x71: {  	s21 =	simm.s32 $0x9F18;
	s19 =	simm.s32 $0x19C80  }
0x72: {  	[tilespmem:s19], [sflag:$0x8] =	stream.indirect.gather [hbm4b:s2+s5], $0x40, s21, s5, $0xb8;
	[tilespmem:$0x1E780] =	vst v63  }
0x73: {  	[bflag:$0x0] =	sbarrier.arrive $0xFFFF  }
0x74: {  	_ =	swait.ge [sflag:s22], $0x1900  }
0x75: {  	[sflag:s22] =	ssyncset.done $0x0  }
0x76: {  	[sflag:s22] =	ssyncadd.s32 $0xFFFFE700  }
0x77: {  	[spmem:s3] =	stream.indirect.scatter.add.bf16 [tilespmem:s11], [sflag:$0xB], $0x40, s20, s5, $0xb8;
	[tilespmem:$0x1E780] =	vst v63  }
0x78: {  	s21 =	simm.s32 $0x9F80;
	s20 =	simm.s32 $0x1B580  }
0x79: {  	[tilespmem:s20], [sflag:$0x9] =	stream.indirect.gather [hbm4b:s2+s5], $0x40, s21, s5, $0xb8;
	[tilespmem:$0x1E780] =	vst v63  }
0x7a: {  	_ =	swait.ge [sflag:s1], $0x1900  }
0x7b: {  	[sflag:s1] =	ssyncset.done $0x0  }
0x7c: {  	s21 =	simm.s32 $0xC548;
	[sflag:s1] =	ssyncadd.s32 $0xFFFFE700  }
0x7d: {  	[spmem:s3] =	stream.indirect.scatter.add.bf16 [tilespmem:s15], [sflag:$0xC], $0x40, s21, s5, $0xb8;
	[tilespmem:$0x1E780] =	vst v63  }
0x7e: {  	s9 =	simm.s32 $0x9FE8;
	s21 =	simm.s32 $0x1CE80  }
0x7f: {  	[tilespmem:s21], [sflag:$0xA] =	stream.indirect.gather [hbm4b:s2+s5], $0x40, s9, s5, $0xb8;
	[tilespmem:$0x1E780] =	vst v63  }
0x80: {  	s9 =	simm.s32 $0x3  }
0x81: {  	_ =	swait.ge [sflag:s9], $0x1900  }
0x82: {  	[sflag:s9] =	ssyncset.done $0x0  }
0x83: {  	[sflag:s9] =	ssyncadd.s32 $0xFFFFE700;
	s9 =	simm.s32 $0xC5B0  }
0x84: {  	[spmem:s3] =	stream.indirect.scatter.add.bf16 [tilespmem:s13], [sflag:$0xD], $0x40, s9, s5, $0xb8;
	[tilespmem:$0x1E780] =	vst v63  }
0x85: {  	s9 =	simm.s32 $0xB  }
0x86: {  	_ =	swait.ge [sflag:s9], $0x1900  }
0x87: {  	[sflag:s9] =	ssyncset.done $0x0  }
0x88: {  	[sflag:s9] =	ssyncadd.s32 $0xFFFFE700;
	s9 =	simm.s32 $0xA050  }
0x89: {  	[tilespmem:s11], [sflag:$0x1] =	stream.indirect.gather [hbm4b:s2+s5], $0x40, s9, s5, $0xb8;
	[tilespmem:$0x1E780] =	vst v63  }
0x8a: {  	s9 =	simm.s32 $0x4  }
0x8b: {  	_ =	swait.ge [sflag:s9], $0x1900  }
0x8c: {  	[sflag:s9] =	ssyncset.done $0x0  }
0x8d: {  	[sflag:s9] =	ssyncadd.s32 $0xFFFFE700;
	s9 =	simm.s32 $0xC618  }
0x8e: {  	[spmem:s3] =	stream.indirect.scatter.add.bf16 [tilespmem:s14], [sflag:$0xE], $0x40, s9, s5, $0xb8;
	[tilespmem:$0x1E780] =	vst v63  }
0x8f: {  	s9 =	simm.s32 $0xC  }
0x90: {  	_ =	swait.ge [sflag:s9], $0x1900  }
0x91: {  	[sflag:s9] =	ssyncset.done $0x0  }
0x92: {  	[sflag:s9] =	ssyncadd.s32 $0xFFFFE700;
	s9 =	simm.s32 $0xA0B8  }
0x93: {  	[tilespmem:s15], [sflag:$0x2] =	stream.indirect.gather [hbm4b:s2+s5], $0x40, s9, s5, $0xb8;
	[tilespmem:$0x1E780] =	vst v63  }
0x94: {  	_ =	swait.ge [sflag:s0], $0x1900  }
0x95: {  	[sflag:s0] =	ssyncset.done $0x0  }
0x96: {  	s9 =	simm.s32 $0xC680;
	[sflag:s0] =	ssyncadd.s32 $0xFFFFE700  }
0x97: {  	[spmem:s3] =	stream.indirect.scatter.add.bf16 [tilespmem:s16], [sflag:$0xF], $0x40, s9, s5, $0xb8;
	[tilespmem:$0x1E780] =	vst v63  }
0x98: {  	_ =	swait.ge [sflag:s24], $0x1900  }
0x99: {  	[sflag:s24] =	ssyncset.done $0x0  }
0x9a: {  	s9 =	simm.s32 $0xA120;
	[sflag:s24] =	ssyncadd.s32 $0xFFFFE700  }
0x9b: {  	[tilespmem:s13], [sflag:$0x3] =	stream.indirect.gather [hbm4b:s2+s5], $0x40, s9, s5, $0xb8;
	[tilespmem:$0x1E780] =	vst v63  }
0x9c: {  	_ =	swait.ge [sflag:s25], $0x1900  }
0x9d: {  	[sflag:s25] =	ssyncset.done $0x0  }
0x9e: {  	s13 =	simm.s32 $0xC6E8;
	[sflag:s25] =	ssyncadd.s32 $0xFFFFE700  }
0x9f: {  	[spmem:s3] =	stream.indirect.scatter.add.bf16 [tilespmem:s17], [sflag:$0x10], $0x40, s13, s5, $0xb8;
	[tilespmem:$0x1E780] =	vst v63  }
0xa0: {  	_ =	swait.ge [sflag:s8], $0x1900  }
0xa1: {  	[sflag:s8] =	ssyncset.done $0x0  }
0xa2: {  	s13 =	simm.s32 $0xA188;
	[sflag:s8] =	ssyncadd.s32 $0xFFFFE700  }
0xa3: {  	[tilespmem:s14], [sflag:$0x4] =	stream.indirect.gather [hbm4b:s2+s5], $0x40, s13, s5, $0xb8;
	[tilespmem:$0x1E780] =	vst v63  }
0xa4: {  	_ =	swait.ge [sflag:s10], $0x1900  }
0xa5: {  	[sflag:s10] =	ssyncset.done $0x0  }
0xa6: {  	s13 =	simm.s32 $0xC750;
	[sflag:s10] =	ssyncadd.s32 $0xFFFFE700  }
0xa7: {  	[spmem:s3] =	stream.indirect.scatter.add.bf16 [tilespmem:s18], [sflag:$0x11], $0x40, s13, s5, $0xb8;
	[tilespmem:$0x1E780] =	vst v63  }
0xa8: {  	_ =	swait.ge [sflag:s12], $0x1900  }
0xa9: {  	[sflag:s12] =	ssyncset.done $0x0  }
0xaa: {  	s14 =	simm.s32 $0xA1F0;
	[sflag:s12] =	ssyncadd.s32 $0xFFFFE700  }
0xab: {  	[tilespmem:s16], [sflag:$0x5] =	stream.indirect.gather [hbm4b:s2+s5], $0x40, s14, s5, $0xb8;
	[tilespmem:$0x1E780] =	vst v63  }
0xac: {  	_ =	swait.ge [sflag:s26], $0x1900  }
0xad: {  	[sflag:s26] =	ssyncset.done $0x0  }
0xae: {  	s16 =	simm.s32 $0xC7B8;
	[sflag:s26] =	ssyncadd.s32 $0xFFFFE700  }
0xaf: {  	[spmem:s3] =	stream.indirect.scatter.add.bf16 [tilespmem:s19], [sflag:$0x12], $0x40, s16, s5, $0xb8;
	[tilespmem:$0x1E780] =	vst v63  }
0xb0: {  	_ =	swait.ge [sflag:s28], $0x1900  }
0xb1: {  	[sflag:s28] =	ssyncset.done $0x0  }
0xb2: {  	s13 =	simm.s32 $0xA258;
	[sflag:s28] =	ssyncadd.s32 $0xFFFFE700  }
0xb3: {  	[tilespmem:s17], [sflag:$0x6] =	stream.indirect.gather [hbm4b:s2+s5], $0x40, s13, s5, $0xb8;
	[tilespmem:$0x1E780] =	vst v63  }
0xb4: {  	_ =	swait.ge [sflag:s29], $0x1900  }
0xb5: {  	[sflag:s29] =	ssyncset.done $0x0  }
0xb6: {  	s14 =	simm.s32 $0xC820;
	[sflag:s29] =	ssyncadd.s32 $0xFFFFE700  }
0xb7: {  	[spmem:s3] =	stream.indirect.scatter.add.bf16 [tilespmem:s20], [sflag:$0x13], $0x40, s14, s5, $0xb8;
	[tilespmem:$0x1E780] =	vst v63  }
0xb8: {  	_ =	swait.ge [sflag:s6], $0x1900  }
0xb9: {  	[sflag:s6] =	ssyncset.done $0x0  }
0xba: {  	s16 =	simm.s32 $0xA2C0;
	[sflag:s6] =	ssyncadd.s32 $0xFFFFE700  }
0xbb: {  	[tilespmem:s18], [sflag:$0x7] =	stream.indirect.gather [hbm4b:s2+s5], $0x40, s16, s5, $0xb8;
	[tilespmem:$0x1E780] =	vst v63  }
0xbc: {  	_ =	swait.ge [sflag:s4], $0x1900  }
0xbd: {  	[sflag:s4] =	ssyncset.done $0x0  }
0xbe: {  	s17 =	simm.s32 $0xC888;
	[sflag:s4] =	ssyncadd.s32 $0xFFFFE700  }
0xbf: {  	[spmem:s3] =	stream.indirect.scatter.add.bf16 [tilespmem:s21], [sflag:$0x14], $0x40, s17, s5, $0xb8;
	[tilespmem:$0x1E780] =	vst v63  }
0xc0: {  	_ =	swait.ge [sflag:s31], $0x1900  }
0xc1: {  	[sflag:s31] =	ssyncset.done $0x0  }
0xc2: {  	s18 =	simm.s32 $0xA328;
	[sflag:s31] =	ssyncadd.s32 $0xFFFFE700  }
0xc3: {  	[tilespmem:s19], [sflag:$0x8] =	stream.indirect.gather [hbm4b:s2+s5], $0x40, s18, s5, $0xb8;
	[tilespmem:$0x1E780] =	vst v63  }
0xc4: {  	_ =	swait.ge [sflag:s22], $0x1900  }
0xc5: {  	[sflag:s22] =	ssyncset.done $0x0  }
0xc6: {  	s19 =	simm.s32 $0xC8F0;
	[sflag:s22] =	ssyncadd.s32 $0xFFFFE700  }
0xc7: {  	[spmem:s3] =	stream.indirect.scatter.add.bf16 [tilespmem:s11], [sflag:$0xB], $0x40, s19, s5, $0xb8;
	[tilespmem:$0x1E780] =	vst v63  }
0xc8: {  	_ =	swait.ge [sflag:s7], $0x1900  }
0xc9: {  	[sflag:s7] =	ssyncset.done $0x0  }
0xca: {  	s21 =	simm.s32 $0xA390;
	[sflag:s7] =	ssyncadd.s32 $0xFFFFE700  }
0xcb: {  	[tilespmem:s20], [sflag:$0x9] =	stream.indirect.gather [hbm4b:s2+s5], $0x40, s21, s5, $0xb8;
	[tilespmem:$0x1E780] =	vst v63  }
0xcc: {  	_ =	swait.ge [sflag:s1], $0x1900  }
0xcd: {  	[sflag:s1] =	ssyncset.done $0x0  }
0xce: {  	s22 =	simm.s32 $0xC958;
	[sflag:s1] =	ssyncadd.s32 $0xFFFFE700  }
0xcf: {  	[spmem:s3] =	stream.indirect.scatter.add.bf16 [tilespmem:s15], [sflag:$0xC], $0x40, s22, s5, $0xb8;
	[tilespmem:$0x1E780] =	vst v63  }
0xd0: {  	_ =	swait.ge [sflag:s30], $0x1900  }
0xd1: {  	[sflag:s30] =	ssyncset.done $0x0  }
0xd2: {  	s9 =	simm.s32 $0x1040;
	s11 =	simm.s32 $0xA3F8;
	[sflag:s30] =	ssyncadd.s32 $0xFFFFE700  }
.LBB2_2:
0xd3: {  	[tilespmem:s23], [sflag:$0xA] =	stream.indirect.gather [hbm4b:s2+s5], $0x40, s11, s5, $0xb8;
	[tilespmem:$0x1E780] =	vst v63  }
0xd4: {  	s11 =	smov.u32 s9;
	s1 =	simm.s32 $0x3  }
0xd5: {  	p0 =	sne.s32 s9, $0x8200;
	s9 =	sadd.s32 $0x1040, s9;
	_ =	swait.ge [sflag:s1], $0x1900  }
0xd6: {  	s18 =	simm.s32 $0x11F80;
	s11 =	sshra.s32 s11, $0x2;
	[sflag:s1] =	ssyncset.done $0x0  }
0xd7: {  	s13 =	sadd.s32 $0xC5B0, s11;
	[sflag:s1] =	ssyncadd.s32 $0xFFFFE700;
	s1 =	simm.s32 $0xB  }
0xd8: {  	[spmem:s3] =	stream.indirect.scatter.add.bf16 [tilespmem:s18], [sflag:$0xD], $0x40, s13, s5, $0xb8;
	[tilespmem:$0x1E780] =	vst v63  }
0xd9: {  	_ =	swait.ge [sflag:s1], $0x1900  }
0xda: {  	s14 =	simm.s32 $0xED80;
	[sflag:s1] =	ssyncset.done $0x0  }
0xdb: {  	s13 =	sadd.s32 $0xA050, s11;
	[sflag:s1] =	ssyncadd.s32 $0xFFFFE700;
	s1 =	simm.s32 $0x4  }
0xdc: {  	[tilespmem:s14], [sflag:$0x1] =	stream.indirect.gather [hbm4b:s2+s5], $0x40, s13, s5, $0xb8;
	[tilespmem:$0x1E780] =	vst v63  }
0xdd: {  	_ =	swait.ge [sflag:s1], $0x1900  }
0xde: {  	s20 =	simm.s32 $0x13880;
	[sflag:s1] =	ssyncset.done $0x0  }
0xdf: {  	s13 =	sadd.s32 $0xC618, s11;
	[sflag:s1] =	ssyncadd.s32 $0xFFFFE700;
	s1 =	simm.s32 $0xC  }
0xe0: {  	[spmem:s3] =	stream.indirect.scatter.add.bf16 [tilespmem:s20], [sflag:$0xE], $0x40, s13, s5, $0xb8;
	[tilespmem:$0x1E780] =	vst v63  }
0xe1: {  	_ =	swait.ge [sflag:s1], $0x1900  }
0xe2: {  	[sflag:s1] =	ssyncset.done $0x0  }
0xe3: {  	s13 =	sadd.s32 $0xA0B8, s11;
	[sflag:s1] =	ssyncadd.s32 $0xFFFFE700  }
0xe4: {  	[tilespmem:s15], [sflag:$0x2] =	stream.indirect.gather [hbm4b:s2+s5], $0x40, s13, s5, $0xb8;
	[tilespmem:$0x1E780] =	vst v63  }
0xe5: {  	_ =	swait.ge [sflag:s0], $0x1900  }
0xe6: {  	[sflag:s0] =	ssyncset.done $0x0  }
0xe7: {  	s17 =	simm.s32 $0x15180;
	s13 =	sadd.s32 $0xC680, s11;
	[sflag:s0] =	ssyncadd.s32 $0xFFFFE700  }
0xe8: {  	[spmem:s3] =	stream.indirect.scatter.add.bf16 [tilespmem:s17], [sflag:$0xF], $0x40, s13, s5, $0xb8;
	[tilespmem:$0x1E780] =	vst v63  }
0xe9: {  	_ =	swait.ge [sflag:s24], $0x1900  }
0xea: {  	[sflag:s24] =	ssyncset.done $0x0  }
0xeb: {  	s16 =	simm.s32 $0x11F80;
	s13 =	sadd.s32 $0xA120, s11;
	[sflag:s24] =	ssyncadd.s32 $0xFFFFE700  }
0xec: {  	[tilespmem:s18], [sflag:$0x3] =	stream.indirect.gather [hbm4b:s2+s5], $0x40, s13, s5, $0xb8;
	[tilespmem:$0x1E780] =	vst v63  }
0xed: {  	_ =	swait.ge [sflag:s25], $0x1900  }
0xee: {  	[sflag:s25] =	ssyncset.done $0x0  }
0xef: {  	s19 =	simm.s32 $0x16A80;
	s13 =	sadd.s32 $0xC6E8, s11;
	[sflag:s25] =	ssyncadd.s32 $0xFFFFE700  }
0xf0: {  	[spmem:s3] =	stream.indirect.scatter.add.bf16 [tilespmem:s19], [sflag:$0x10], $0x40, s13, s5, $0xb8;
	[tilespmem:$0x1E780] =	vst v63  }
0xf1: {  	_ =	swait.ge [sflag:s8], $0x1900  }
0xf2: {  	[sflag:s8] =	ssyncset.done $0x0  }
0xf3: {  	s18 =	simm.s32 $0x13880;
	s13 =	sadd.s32 $0xA188, s11;
	[sflag:s8] =	ssyncadd.s32 $0xFFFFE700  }
0xf4: {  	[tilespmem:s20], [sflag:$0x4] =	stream.indirect.gather [hbm4b:s2+s5], $0x40, s13, s5, $0xb8;
	[tilespmem:$0x1E780] =	vst v63  }
0xf5: {  	_ =	swait.ge [sflag:s10], $0x1900  }
0xf6: {  	[sflag:s10] =	ssyncset.done $0x0  }
0xf7: {  	s21 =	simm.s32 $0x18380;
	s13 =	sadd.s32 $0xC750, s11;
	[sflag:s10] =	ssyncadd.s32 $0xFFFFE700  }
0xf8: {  	[spmem:s3] =	stream.indirect.scatter.add.bf16 [tilespmem:s21], [sflag:$0x11], $0x40, s13, s5, $0xb8;
	[tilespmem:$0x1E780] =	vst v63  }
0xf9: {  	_ =	swait.ge [sflag:s12], $0x1900  }
0xfa: {  	[sflag:s12] =	ssyncset.done $0x0  }
0xfb: {  	s20 =	simm.s32 $0x15180;
	s13 =	sadd.s32 $0xA1F0, s11;
	[sflag:s12] =	ssyncadd.s32 $0xFFFFE700  }
0xfc: {  	[tilespmem:s17], [sflag:$0x5] =	stream.indirect.gather [hbm4b:s2+s5], $0x40, s13, s5, $0xb8;
	[tilespmem:$0x1E780] =	vst v63  }
0xfd: {  	_ =	swait.ge [sflag:s26], $0x1900  }
0xfe: {  	[sflag:s26] =	ssyncset.done $0x0  }
0xff: {  	s22 =	simm.s32 $0x19C80;
	s13 =	sadd.s32 $0xC7B8, s11;
	[sflag:s26] =	ssyncadd.s32 $0xFFFFE700  }
0x100: {  	[spmem:s3] =	stream.indirect.scatter.add.bf16 [tilespmem:s22], [sflag:$0x12], $0x40, s13, s5, $0xb8;
	[tilespmem:$0x1E780] =	vst v63  }
0x101: {  	_ =	swait.ge [sflag:s28], $0x1900  }
0x102: {  	[sflag:s28] =	ssyncset.done $0x0  }
0x103: {  	s17 =	simm.s32 $0x16A80;
	s13 =	sadd.s32 $0xA258, s11;
	[sflag:s28] =	ssyncadd.s32 $0xFFFFE700  }
0x104: {  	[tilespmem:s19], [sflag:$0x6] =	stream.indirect.gather [hbm4b:s2+s5], $0x40, s13, s5, $0xb8;
	[tilespmem:$0x1E780] =	vst v63  }
0x105: {  	_ =	swait.ge [sflag:s29], $0x1900  }
0x106: {  	[sflag:s29] =	ssyncset.done $0x0  }
0x107: {  	s1 =	simm.s32 $0x1B580;
	s13 =	sadd.s32 $0xC820, s11;
	[sflag:s29] =	ssyncadd.s32 $0xFFFFE700  }
0x108: {  	[spmem:s3] =	stream.indirect.scatter.add.bf16 [tilespmem:s1], [sflag:$0x13], $0x40, s13, s5, $0xb8;
	[tilespmem:$0x1E780] =	vst v63  }
0x109: {  	_ =	swait.ge [sflag:s6], $0x1900  }
0x10a: {  	[sflag:s6] =	ssyncset.done $0x0  }
0x10b: {  	s19 =	simm.s32 $0x18380;
	s13 =	sadd.s32 $0xA2C0, s11;
	[sflag:s6] =	ssyncadd.s32 $0xFFFFE700  }
0x10c: {  	[tilespmem:s21], [sflag:$0x7] =	stream.indirect.gather [hbm4b:s2+s5], $0x40, s13, s5, $0xb8;
	[tilespmem:$0x1E780] =	vst v63  }
0x10d: {  	_ =	swait.ge [sflag:s4], $0x1900  }
0x10e: {  	[sflag:s4] =	ssyncset.done $0x0  }
0x10f: {  	s13 =	sadd.s32 $0xC888, s11;
	[sflag:s4] =	ssyncadd.s32 $0xFFFFE700  }
0x110: {  	[spmem:s3] =	stream.indirect.scatter.add.bf16 [tilespmem:s23], [sflag:$0x14], $0x40, s13, s5, $0xb8;
	[tilespmem:$0x1E780] =	vst v63  }
0x111: {  	_ =	swait.ge [sflag:s31], $0x1900  }
0x112: {  	[sflag:s31] =	ssyncset.done $0x0  }
0x113: {  	s13 =	sadd.s32 $0xA328, s11;
	[sflag:s31] =	ssyncadd.s32 $0xFFFFE700  }
0x114: {  	[tilespmem:s22], [sflag:$0x8] =	stream.indirect.gather [hbm4b:s2+s5], $0x40, s13, s5, $0xb8;
	[tilespmem:$0x1E780] =	vst v63  }
0x115: {  	s21 =	simm.s32 $0x19C80;
	s22 =	simm.s32 $0x1  }
0x116: {  	_ =	swait.ge [sflag:s22], $0x1900  }
0x117: {  	[sflag:s22] =	ssyncset.done $0x0  }
0x118: {  	s13 =	sadd.s32 $0xC8F0, s11;
	[sflag:s22] =	ssyncadd.s32 $0xFFFFE700  }
0x119: {  	[spmem:s3] =	stream.indirect.scatter.add.bf16 [tilespmem:s14], [sflag:$0xB], $0x40, s13, s5, $0xb8;
	[tilespmem:$0x1E780] =	vst v63  }
0x11a: {  	_ =	swait.ge [sflag:s7], $0x1900  }
0x11b: {  	[sflag:s7] =	ssyncset.done $0x0  }
0x11c: {  	s13 =	sadd.s32 $0xA390, s11;
	[sflag:s7] =	ssyncadd.s32 $0xFFFFE700  }
0x11d: {  	[tilespmem:s1], [sflag:$0x9] =	stream.indirect.gather [hbm4b:s2+s5], $0x40, s13, s5, $0xb8;
	[tilespmem:$0x1E780] =	vst v63  }
0x11e: {  	s14 =	simm.s32 $0x1B580;
	s1 =	simm.s32 $0x2  }
0x11f: {  	_ =	swait.ge [sflag:s1], $0x1900  }
0x120: {  	[sflag:s1] =	ssyncset.done $0x0  }
.Ltmp0:
0x121: {  	s13 =	sadd.s32 $0xC958, s11;
	[sflag:s1] =	ssyncadd.s32 $0xFFFFE700;
	(pc) =	sbr.rel @p0 .LBB2_2-.Ltmp0, $4  }
0x122: {  	[spmem:s3] =	stream.indirect.scatter.add.bf16 [tilespmem:s15], [sflag:$0xC], $0x40, s13, s5, $0xb8;
	[tilespmem:$0x1E780] =	vst v63  }
0x123: {  	_ =	swait.ge [sflag:s30], $0x1900  }
0x124: {  	[sflag:s30] =	ssyncset.done $0x0  }
0x125: {  	s11 =	sadd.s32 $0xA3F8, s11;
	[sflag:s30] =	ssyncadd.s32 $0xFFFFE700  }
0x126: {  	s9 =	simm.s32 $0x1CE80;
	s13 =	simm.s32 $0x3  }
0x127: {  	[tilespmem:s9], [sflag:$0xA] =	stream.indirect.gather [hbm4b:s2+s5], $0x40, s11, s5, $0xb8;
	[tilespmem:$0x1E780] =	vst v63  }
0x128: {  	_ =	swait.ge [sflag:s13], $0x1900  }
0x129: {  	[sflag:s13] =	ssyncset.done $0x0  }
0x12a: {  	s15 =	simm.s32 $0xEA40;
	[sflag:s13] =	ssyncadd.s32 $0xFFFFE700;
	s13 =	simm.s32 $0xB  }
0x12b: {  	[spmem:s3] =	stream.indirect.scatter.add.bf16 [tilespmem:s16], [sflag:$0xD], $0x40, s15, s5, $0xb8;
	[tilespmem:$0x1E780] =	vst v63  }
0x12c: {  	_ =	swait.ge [sflag:s13], $0x1900  }
0x12d: {  	[sflag:s13] =	ssyncset.done $0x0  }
0x12e: {  	s15 =	simm.s32 $0x4;
	[sflag:s13] =	ssyncadd.s32 $0xFFFFE700  }
0x12f: {  	_ =	swait.ge [sflag:s15], $0x1900  }
0x130: {  	[sflag:s15] =	ssyncset.done $0x0  }
0x131: {  	s16 =	simm.s32 $0xEAA8;
	s13 =	simm.s32 $0xC;
	[sflag:s15] =	ssyncadd.s32 $0xFFFFE700  }
0x132: {  	[spmem:s3] =	stream.indirect.scatter.add.bf16 [tilespmem:s18], [sflag:$0xE], $0x40, s16, s5, $0xb8;
	[tilespmem:$0x1E780] =	vst v63  }
0x133: {  	_ =	swait.ge [sflag:s13], $0x1900  }
0x134: {  	[sflag:s13] =	ssyncset.done $0x0  }
0x135: {  	[sflag:s13] =	ssyncadd.s32 $0xFFFFE700  }
0x136: {  	_ =	swait.ge [sflag:s0], $0x1900  }
0x137: {  	[sflag:s0] =	ssyncset.done $0x0  }
0x138: {  	s15 =	simm.s32 $0xEB10;
	[sflag:s0] =	ssyncadd.s32 $0xFFFFE700  }
0x139: {  	[spmem:s3] =	stream.indirect.scatter.add.bf16 [tilespmem:s20], [sflag:$0xF], $0x40, s15, s5, $0xb8;
	[tilespmem:$0x1E780] =	vst v63  }
0x13a: {  	_ =	swait.ge [sflag:s24], $0x1900  }
0x13b: {  	[sflag:s24] =	ssyncset.done $0x0  }
0x13c: {  	[sflag:s24] =	ssyncadd.s32 $0xFFFFE700  }
0x13d: {  	_ =	swait.ge [sflag:s25], $0x1900  }
0x13e: {  	[sflag:s25] =	ssyncset.done $0x0  }
0x13f: {  	s16 =	simm.s32 $0xEB78;
	[sflag:s25] =	ssyncadd.s32 $0xFFFFE700  }
0x140: {  	[spmem:s3] =	stream.indirect.scatter.add.bf16 [tilespmem:s17], [sflag:$0x10], $0x40, s16, s5, $0xb8;
	[tilespmem:$0x1E780] =	vst v63  }
0x141: {  	_ =	swait.ge [sflag:s8], $0x1900  }
0x142: {  	[sflag:s8] =	ssyncset.done $0x0  }
0x143: {  	[sflag:s8] =	ssyncadd.s32 $0xFFFFE700  }
0x144: {  	_ =	swait.ge [sflag:s10], $0x1900  }
0x145: {  	[sflag:s10] =	ssyncset.done $0x0  }
0x146: {  	s18 =	simm.s32 $0xEBE0;
	[sflag:s10] =	ssyncadd.s32 $0xFFFFE700  }
0x147: {  	[spmem:s3] =	stream.indirect.scatter.add.bf16 [tilespmem:s19], [sflag:$0x11], $0x40, s18, s5, $0xb8;
	[tilespmem:$0x1E780] =	vst v63  }
0x148: {  	_ =	swait.ge [sflag:s12], $0x1900  }
0x149: {  	[sflag:s12] =	ssyncset.done $0x0  }
0x14a: {  	[sflag:s12] =	ssyncadd.s32 $0xFFFFE700  }
0x14b: {  	_ =	swait.ge [sflag:s26], $0x1900  }
0x14c: {  	[sflag:s26] =	ssyncset.done $0x0  }
0x14d: {  	s20 =	simm.s32 $0xEC48;
	[sflag:s26] =	ssyncadd.s32 $0xFFFFE700  }
0x14e: {  	[spmem:s3] =	stream.indirect.scatter.add.bf16 [tilespmem:s21], [sflag:$0x12], $0x40, s20, s5, $0xb8;
	[tilespmem:$0x1E780] =	vst v63  }
0x14f: {  	_ =	swait.ge [sflag:s28], $0x1900  }
0x150: {  	[sflag:s28] =	ssyncset.done $0x0  }
0x151: {  	[sflag:s28] =	ssyncadd.s32 $0xFFFFE700  }
0x152: {  	_ =	swait.ge [sflag:s29], $0x1900  }
0x153: {  	[sflag:s29] =	ssyncset.done $0x0  }
0x154: {  	s13 =	simm.s32 $0xECB0;
	[sflag:s29] =	ssyncadd.s32 $0xFFFFE700  }
0x155: {  	[spmem:s3] =	stream.indirect.scatter.add.bf16 [tilespmem:s14], [sflag:$0x13], $0x40, s13, s5, $0xb8;
	[tilespmem:$0x1E780] =	vst v63  }
0x156: {  	_ =	swait.ge [sflag:s6], $0x1900  }
0x157: {  	[sflag:s6] =	ssyncset.done $0x0  }
0x158: {  	[sflag:s6] =	ssyncadd.s32 $0xFFFFE700  }
0x159: {  	_ =	swait.ge [sflag:s4], $0x1900  }
0x15a: {  	[sflag:s4] =	ssyncset.done $0x0  }
0x15b: {  	s14 =	simm.s32 $0xED18;
	[sflag:s4] =	ssyncadd.s32 $0xFFFFE700  }
0x15c: {  	[spmem:s3] =	stream.indirect.scatter.add.bf16 [tilespmem:s9], [sflag:$0x14], $0x40, s14, s5, $0xb8;
	[tilespmem:$0x1E780] =	vst v63  }
0x15d: {  	_ =	swait.ge [sflag:s31], $0x1900  }
0x15e: {  	[sflag:s31] =	ssyncset.done $0x0  }
0x15f: {  	[sflag:s31] =	ssyncadd.s32 $0xFFFFE700  }
0x160: {  	_ =	swait.ge [sflag:s7], $0x1900  }
0x161: {  	[sflag:s7] =	ssyncset.done $0x0  }
0x162: {  	[sflag:s7] =	ssyncadd.s32 $0xFFFFE700  }
0x163: {  	_ =	swait.ge [sflag:s30], $0x1900  }
0x164: {  	[sflag:s30] =	ssyncset.done $0x0  }
0x165: {  	[sflag:s30] =	ssyncadd.s32 $0xFFFFE700  }
0x166: {  	[bflag:$0x0] =	sbarrier.arrive $0xFFFF  }
0x167: {  	s11 =	simm.s32 $0xED80;
	s14 =	simm.s32 $0x15;
	s18 =	rddreg [dreg:$0x5]  }
0x168: {  	[tilespmem:s11], [sflag:$0x15] =	stream.linear.gather [spmem:s18], $0x1900, $0x38;
	[tilespmem:$0x1E780] =	vst v63  }
0x169: {  	_ =	swait.ge [sflag:s14], $0x1900  }
0x16a: {  	[sflag:s14] =	ssyncset.done $0x0  }
0x16b: {  	s13 =	simm.s32 $0x0;
	s15 =	rddreg [dreg:$0xe];
	[sflag:s14] =	ssyncadd.s32 $0xFFFFE700  }
0x16c: {  	[hbm4b:s15+s13] =	stream.linear.scatter [tilespmem:s11], [sflag:$0x15], $0x1900, $0x38;
	[tilespmem:$0x1E780] =	vst v63  }
0x16d: {  	_ =	swait.ge [sflag:s14], $0x1900  }
0x16e: {  	[sflag:s14] =	ssyncset.done $0x0  }
0x16f: {  	s15 =	rddreg [dreg:$0x7];
	[sflag:s14] =	ssyncadd.s32 $0xFFFFE700  }
0x170: {  	[tilespmem:s11], [sflag:$0x15] =	stream.linear.gather [spmem:s15], $0x1900, $0x38;
	[tilespmem:$0x1E780] =	vst v63  }
0x171: {  	_ =	swait.ge [sflag:s14], $0x1900  }
0x172: {  	[sflag:s14] =	ssyncset.done $0x0  }
0x173: {  	s16 =	rddreg [dreg:$0xf];
	[sflag:s14] =	ssyncadd.s32 $0xFFFFE700  }
0x174: {  	[hbm4b:s16+s13] =	stream.linear.scatter [tilespmem:s11], [sflag:$0x15], $0x1900, $0x38;
	[tilespmem:$0x1E780] =	vst v63  }
0x175: {  	_ =	swait.ge [sflag:s14], $0x1900  }
0x176: {  	[sflag:s14] =	ssyncset.done $0x0  }
0x177: {  	s16 =	rddreg [dreg:$0x9];
	[sflag:s14] =	ssyncadd.s32 $0xFFFFE700  }
0x178: {  	[tilespmem:s11], [sflag:$0x15] =	stream.linear.gather [spmem:s16], $0x1900, $0x38;
	[tilespmem:$0x1E780] =	vst v63  }
0x179: {  	_ =	swait.ge [sflag:s14], $0x1900  }
0x17a: {  	[sflag:s14] =	ssyncset.done $0x0  }
0x17b: {  	s17 =	rddreg [dreg:$0x10];
	[sflag:s14] =	ssyncadd.s32 $0xFFFFE700  }
0x17c: {  	[hbm4b:s17+s13] =	stream.linear.scatter [tilespmem:s11], [sflag:$0x15], $0x1900, $0x38;
	[tilespmem:$0x1E780] =	vst v63  }
0x17d: {  	_ =	swait.ge [sflag:s14], $0x1900  }
0x17e: {  	[sflag:s14] =	ssyncset.done $0x0  }
0x17f: {  	s17 =	rddreg [dreg:$0xb];
	[sflag:s14] =	ssyncadd.s32 $0xFFFFE700  }
0x180: {  	[tilespmem:s11], [sflag:$0x15] =	stream.linear.gather [spmem:s17], $0x1900, $0x38;
	[tilespmem:$0x1E780] =	vst v63  }
0x181: {  	_ =	swait.ge [sflag:s14], $0x1900  }
0x182: {  	[sflag:s14] =	ssyncset.done $0x0  }
0x183: {  	s19 =	rddreg [dreg:$0x11];
	[sflag:s14] =	ssyncadd.s32 $0xFFFFE700  }
0x184: {  	[hbm4b:s19+s13] =	stream.linear.scatter [tilespmem:s11], [sflag:$0x15], $0x1900, $0x38;
	[tilespmem:$0x1E780] =	vst v63  }
0x185: {  	_ =	swait.ge [sflag:s14], $0x1900  }
0x186: {  	[sflag:s14] =	ssyncset.done $0x0  }
0x187: {  	s19 =	rddreg [dreg:$0x19];
	[sflag:s14] =	ssyncadd.s32 $0xFFFFE700  }
0x188: {  	[tilespmem:s11], [sflag:$0x15] =	stream.linear.gather [spmem:s19], $0x1900, $0x38;
	[tilespmem:$0x1E780] =	vst v63  }
0x189: {  	_ =	swait.ge [sflag:s14], $0x1900  }
0x18a: {  	[sflag:s14] =	ssyncset.done $0x0  }
0x18b: {  	s20 =	rddreg [dreg:$0x12];
	[sflag:s14] =	ssyncadd.s32 $0xFFFFE700  }
0x18c: {  	[hbm4b:s20+s13] =	stream.linear.scatter [tilespmem:s11], [sflag:$0x15], $0x1900, $0x38;
	[tilespmem:$0x1E780] =	vst v63  }
0x18d: {  	_ =	swait.ge [sflag:s14], $0x1900  }
0x18e: {  	[sflag:s14] =	ssyncset.done $0x0  }
0x18f: {  	s20 =	rddreg [dreg:$0x1a];
	[sflag:s14] =	ssyncadd.s32 $0xFFFFE700  }
0x190: {  	[tilespmem:s11], [sflag:$0x15] =	stream.linear.gather [spmem:s20], $0x1900, $0x38;
	[tilespmem:$0x1E780] =	vst v63  }
0x191: {  	_ =	swait.ge [sflag:s14], $0x1900  }
0x192: {  	[sflag:s14] =	ssyncset.done $0x0  }
0x193: {  	s21 =	rddreg [dreg:$0x13];
	[sflag:s14] =	ssyncadd.s32 $0xFFFFE700  }
0x194: {  	[hbm4b:s21+s13] =	stream.linear.scatter [tilespmem:s11], [sflag:$0x15], $0x1900, $0x38;
	[tilespmem:$0x1E780] =	vst v63  }
0x195: {  	_ =	swait.ge [sflag:s14], $0x1900  }
0x196: {  	[sflag:s14] =	ssyncset.done $0x0  }
0x197: {  	s21 =	rddreg [dreg:$0x1b];
	[sflag:s14] =	ssyncadd.s32 $0xFFFFE700  }
0x198: {  	[tilespmem:s11], [sflag:$0x15] =	stream.linear.gather [spmem:s21], $0x640, $0x38;
	[tilespmem:$0x1E780] =	vst v63  }
0x199: {  	_ =	swait.ge [sflag:s14], $0x640  }
0x19a: {  	[sflag:s14] =	ssyncset.done $0x0  }
0x19b: {  	[sflag:s14] =	ssyncadd.s32 $0xFFFFF9C0;
	s14 =	rddreg [dreg:$0x14]  }
0x19c: {  	[hbm4b:s14+s13] =	stream.linear.scatter [tilespmem:s11], [sflag:$0x15], $0x640, $0x38;
	[tilespmem:$0x1E780] =	vst v63  }
0x19d: {  	s11 =	simm.s32 $0x15  }
0x19e: {  	_ =	swait.ge [sflag:s11], $0x640  }
0x19f: {  	s9 =	rddreg [dreg:$0x1c]  }
0x1a0: {  	s14 =	sadd.s32 $0x1, s9;
	s9 =	rddreg [dreg:$0x18]  }
0x1a1: {  	p0 =	sne.s32 s14, s9  }
.Ltmp1:
0x1a2: {  	_ = 	snop;
	(pc) =	sbr.rel @p0 .LBB2_1-.Ltmp1, $3  }
0x1a3: {  	_ =	sdelay $0x1  }
0x1a4: {  	[sflag:s11] =	ssyncset.done $0x0  }
0x1a5: {  	[sflag:s11] =	ssyncadd.s32 $0xFFFFF9C0  }
0x1a6: {  	_ =	sfence.sel $0x180000  }
0x1a7: {  	[bflag:$0x0] =	sbarrier.arrive $0xFFFF  }
0x1a8: {  	_ =	strace $0x9000004A  }
0x1a9: {  	s0 =	stileid.u32;
	[bflag:$0x2] =	sbarrier.arrive $0xFFFF  }
0x1aa: {  	p0 =	sne.s32 s0, $0x0;
	s0 =	rddreg [dreg:$0x3]  }
0x1ab: {  	s0 =	sadd.s32 @!p0 $0x100000, s0  }
0x1ac: {  	[sflag:s0] =	ssyncadd.tile.s32 @!p0 $0x1;
	_ =	shalt  }
.Lfunc_end2:
_tile_overlayer_lowered:
.L_overlay_start_2:
0x1ad: {  	(tag) =	ssettag $0x2  }
0x1ae: {  	s0 =	rddreg [dreg:$0x0];
	s2 =	stileid.u32  }
0x1af: {  	s1 =	rddreg [dreg:$0x1];
	p0 =	sne.s32 s2, $0x0  }
0x1b0: {  	s3 =	rddreg [dreg:$0x2];
	[bflag:$0x3] =	sbarrier.arrive $0xFFFF;
	s2 =	simm.s32 @!p0 $0x1C15  }
0x1b1: {  	[timem:s3], [sflag:s2] =	dma.local @!p0 [hbm:s0], s1  }
0x1b2: {  	s0 =	simm.s32 @!p0 $0x15  }
0x1b3: {  	_ =	swait.ge @!p0 [sflag:s0], s1  }
0x1b4: {  	s1 =	ssub.s32 @!p0 $0x0, s1;
	[sflag:s0] =	ssyncset.done @!p0 $0x0  }
0x1b5: {  	[sflag:s0] =	ssyncadd.s32 @!p0 s1  }
0x1b6: {  	[bflag:$0x3] =	sbarrier.arrive $0xFFFF  }
0x1b7: {  	_ =	shalt  }

</sc_bundles>
